<compile_context>
chip_gen: v7x
topology: tpu7x:2x2x1
jax: 0.10.2.dev20260603
libtpu: 0.0.44.dev20260713+nightly
codegen_flags: <defaults>
</compile_context>

<pallas_src>
import functools

import jax
import jax.numpy as jnp
from jax import lax
from jax.experimental import pallas as pl
from jax.experimental.pallas import tpu as pltpu
from jax.experimental.pallas import tpu_sc as plsc

_N = 10000
_E = 160000
_D = 256
_G = 128
_f32 = jnp.float32

_BN = 2000
_NB = _N // _BN

_NSUB = 16
_CH = 80
_EP = _E // _NSUB
_NZ = 624
_NTAIL = _N - _NZ * _NSUB
_NTOFF = _NZ * _NSUB


def _tc_lin_body(x_ref, w_ref, b_ref, yl0_ref, yl1_ref, yrb_ref):
    r = jnp.dot(x_ref[...], w_ref[...], preferred_element_type=_f32)
    yl0_ref[...] = r[:, :128]
    yl1_ref[...] = r[:, 128:256]
    yrb_ref[...] = r[:, 256:] + b_ref[...][None, :]


_tc_lin = pl.pallas_call(
    _tc_lin_body,
    grid=(_NB,),
    in_specs=[
        pl.BlockSpec((_BN, _D), lambda i: (i, 0)),
        pl.BlockSpec((_D, 2 * _D), lambda i: (0, 0)),
        pl.BlockSpec((_D,), lambda i: (0,)),
    ],
    out_specs=[
        pl.BlockSpec((_BN, 128), lambda i: (i, 0)),
        pl.BlockSpec((_BN, 128), lambda i: (i, 0)),
        pl.BlockSpec((_BN, _D), lambda i: (i, 0)),
    ],
    out_shape=[
        jax.ShapeDtypeStruct((_N, 128), _f32),
        jax.ShapeDtypeStruct((_N, 128), _f32),
        jax.ShapeDtypeStruct((_N, _D), _f32),
    ],
)


def _tc_mid_body(a0_ref, a1_ref, cnt_ref, yrb_ref, w_ref, b_ref,
                 yl0_ref, yl1_ref, yrb2_ref):
    inv = 1.0 / jnp.maximum(cnt_ref[...][:, :1], 1.0)
    aggcat = jnp.concatenate([a0_ref[...], a1_ref[...]], axis=1)
    nf1 = jnp.maximum(aggcat * inv + yrb_ref[...], 0.0)
    r = jnp.dot(nf1, w_ref[...], preferred_element_type=_f32)
    yl0_ref[...] = r[:, :128]
    yl1_ref[...] = r[:, 128:256]
    yrb2_ref[...] = r[:, 256:] + b_ref[...][None, :]


_tc_mid = pl.pallas_call(
    _tc_mid_body,
    grid=(_NB,),
    in_specs=[
        pl.BlockSpec((_BN, 128), lambda i: (i, 0)),
        pl.BlockSpec((_BN, 128), lambda i: (i, 0)),
        pl.BlockSpec((_BN, 128), lambda i: (i, 0)),
        pl.BlockSpec((_BN, _D), lambda i: (i, 0)),
        pl.BlockSpec((_D, 2 * _D), lambda i: (0, 0)),
        pl.BlockSpec((_D,), lambda i: (0,)),
    ],
    out_specs=[
        pl.BlockSpec((_BN, 128), lambda i: (i, 0)),
        pl.BlockSpec((_BN, 128), lambda i: (i, 0)),
        pl.BlockSpec((_BN, _D), lambda i: (i, 0)),
    ],
    out_shape=[
        jax.ShapeDtypeStruct((_N, 128), _f32),
        jax.ShapeDtypeStruct((_N, 128), _f32),
        jax.ShapeDtypeStruct((_N, _D), _f32),
    ],
)


def _tc_nf2_body(a0_ref, a1_ref, cnt_ref, yrb_ref, nf2_ref, st_ref):
    i = pl.program_id(0)
    inv = 1.0 / jnp.maximum(cnt_ref[...][:, :1], 1.0)
    aggcat = jnp.concatenate([a0_ref[...], a1_ref[...]], axis=1)
    nf2 = aggcat * inv + yrb_ref[...]
    nf2_ref[...] = nf2
    blk = jnp.concatenate(
        [jnp.sum(nf2, axis=0)[None, :], jnp.sum(nf2 * nf2, axis=0)[None, :],
         jnp.zeros((6, _D), _f32)], axis=0)

    @pl.when(i == 0)
    def _():
        st_ref[...] = blk

    @pl.when(i > 0)
    def _():
        st_ref[...] += blk


_tc_nf2 = pl.pallas_call(
    _tc_nf2_body,
    grid=(_NB,),
    in_specs=[
        pl.BlockSpec((_BN, 128), lambda i: (i, 0)),
        pl.BlockSpec((_BN, 128), lambda i: (i, 0)),
        pl.BlockSpec((_BN, 128), lambda i: (i, 0)),
        pl.BlockSpec((_BN, _D), lambda i: (i, 0)),
    ],
    out_specs=[
        pl.BlockSpec((_BN, _D), lambda i: (i, 0)),
        pl.BlockSpec((8, _D), lambda i: (0, 0)),
    ],
    out_shape=[
        jax.ShapeDtypeStruct((_N, _D), _f32),
        jax.ShapeDtypeStruct((8, _D), _f32),
    ],
)


def _tc_head_body(nf2_ref, st_ref, rnd_ref, dg_ref, batch_ref, wf1t_ref,
                  aux_ref, gf_ref, ng_ref, sg_ref, kl_ref, pres_ref, p16_ref,
                  acc_ref, sca_ref):
    i = pl.program_id(0)
    nf2 = nf2_ref[...]
    af1 = jnp.tanh(jnp.dot(nf2, wf1t_ref[...], preferred_element_type=_f32)
                   + aux_ref[0, :][None, :])
    dl = jnp.sum(af1 * aux_ref[1, :][None, :], axis=1) + aux_ref[2, 0]
    p = 1.0 / (1.0 + jnp.exp(-dl))
    lp = 1.0 / (1.0 + jnp.exp(-(2.0 * p - 1.0 + dg_ref[...][:, 0])))
    ln = 1.0 - lp
    p16_ref[...] = jnp.broadcast_to(p[:, None], (_BN, 128))

    m = st_ref[0, :] / _N
    var = (st_ref[1, :] - _N * m * m) / (_N - 1)
    s = jnp.sqrt(jnp.maximum(var, 0.0))
    cmat = m[None, :] + rnd_ref[...] * s[None, :]

    oh = (batch_ref[...][:, :1]
          == lax.broadcasted_iota(jnp.int32, (_BN, _G), 1)).astype(_f32)
    dn = (((0,), (0,)), ((), ()))
    gfp = lax.dot_general(oh, nf2, dn, preferred_element_type=_f32)
    sgp = lax.dot_general(oh * lp[:, None], nf2, dn, preferred_element_type=_f32)
    ngp = sgp + lax.dot_general(oh * ln[:, None], cmat, dn,
                                preferred_element_type=_f32)

    lp2 = lp * lp
    arow = jnp.sum(lp2[:, None] * nf2, axis=0)
    brow = jnp.sum(lp2[:, None] * nf2 * nf2, axis=0)
    blk = jnp.concatenate([arow[None, :], brow[None, :],
                           jnp.zeros((6, _D), _f32)], axis=0)
    sln2 = jnp.sum(ln * ln)
    c0 = jnp.sum(lp2)
    npres = jnp.sum((p > 0.5).astype(_f32))

    @pl.when(i == 0)
    def _():
        gf_ref[...] = gfp
        sg_ref[...] = sgp
        ng_ref[...] = ngp
        acc_ref[...] = blk
        sca_ref[0] = sln2
        sca_ref[1] = c0
        sca_ref[2] = npres
        kl_ref[...] = jnp.zeros((1, 1), _f32)
        pres_ref[...] = jnp.zeros((1, 1), _f32)

    @pl.when(i > 0)
    def _():
        gf_ref[...] += gfp
        sg_ref[...] += sgp
        ng_ref[...] += ngp
        acc_ref[...] += blk
        sca_ref[0] += sln2
        sca_ref[1] += c0
        sca_ref[2] += npres

    @pl.when(i == _NB - 1)
    def _():
        eps = 1e-6
        se2 = (s + eps) * (s + eps)
        t1 = 0.5 * sca_ref[0] * jnp.sum(s * s / se2) / (_N * _D)
        q = acc_ref[1, :] - 2.0 * m * acc_ref[0, :] + m * m * sca_ref[1]
        t2 = jnp.sum(q / se2) / _D
        kl_ref[...] = jnp.full((1, 1), t1 + t2, _f32)
        pres_ref[...] = jnp.full((1, 1), sca_ref[2] / _N, _f32)


_tc_head = pl.pallas_call(
    _tc_head_body,
    grid=(_NB,),
    in_specs=[
        pl.BlockSpec((_BN, _D), lambda i: (i, 0)),
        pl.BlockSpec((8, _D), lambda i: (0, 0)),
        pl.BlockSpec((_BN, _D), lambda i: (i, 0)),
        pl.BlockSpec((_BN, 8), lambda i: (i, 0)),
        pl.BlockSpec((_BN, 8), lambda i: (i, 0)),
        pl.BlockSpec((_D, 64), lambda i: (0, 0)),
        pl.BlockSpec((8, 64), lambda i: (0, 0)),
    ],
    out_specs=[
        pl.BlockSpec((_G, _D), lambda i: (0, 0)),
        pl.BlockSpec((_G, _D), lambda i: (0, 0)),
        pl.BlockSpec((_G, _D), lambda i: (0, 0)),
        pl.BlockSpec((1, 1), lambda i: (0, 0)),
        pl.BlockSpec((1, 1), lambda i: (0, 0)),
        pl.BlockSpec((_BN, 128), lambda i: (i, 0)),
    ],
    out_shape=[
        jax.ShapeDtypeStruct((_G, _D), _f32),
        jax.ShapeDtypeStruct((_G, _D), _f32),
        jax.ShapeDtypeStruct((_G, _D), _f32),
        jax.ShapeDtypeStruct((1, 1), _f32),
        jax.ShapeDtypeStruct((1, 1), _f32),
        jax.ShapeDtypeStruct((_N, 128), _f32),
    ],
    scratch_shapes=[
        pltpu.VMEM((8, _D), _f32),
        pltpu.SMEM((4,), _f32),
    ],
)


def _zero_rows(zsrc, acc, s):
    pltpu.sync_copy(zsrc, acc.at[pl.ds(s * _NZ, _NZ)])

    @pl.when(s == _NSUB - 1)
    def _():
        pltpu.sync_copy(zsrc.at[pl.ds(0, _NTAIL)],
                        acc.at[pl.ds(_NTOFF, _NTAIL)])


def _write_rows(acc, out, s):
    pltpu.sync_copy(acc.at[pl.ds(s * _NZ, _NZ)], out.at[pl.ds(s * _NZ, _NZ)])

    @pl.when(s == _NSUB - 1)
    def _():
        pltpu.sync_copy(acc.at[pl.ds(_NTOFF, _NTAIL)],
                        out.at[pl.ds(_NTOFF, _NTAIL)])


def _sc_conv_body(y0, y1, srch, dsth, z128, out0, out1,
                  srcv, dstv, rows, acc, sem):
    c = lax.axis_index("c")
    s = lax.axis_index("s")

    _zero_rows(z128, acc, s)
    plsc.subcore_barrier()

    def run(y_hbm):
        def body(k, carry):
            base = s * _EP + k * _CH
            pltpu.sync_copy(srch.at[pl.ds(base, _CH)], srcv)
            pltpu.sync_copy(dsth.at[pl.ds(base, _CH)], dstv)
            pltpu.async_copy(y_hbm.at[srcv], rows, sem).wait()
            pltpu.sync_copy(rows, acc.at[dstv], add=True)
            return carry
        lax.fori_loop(0, _EP // _CH, body, 0)

    @pl.when(c == 0)
    def _():
        run(y0)

    @pl.when(c == 1)
    def _():
        run(y1)

    plsc.subcore_barrier()

    @pl.when(c == 0)
    def _():
        _write_rows(acc, out0, s)

    @pl.when(c == 1)
    def _():
        _write_rows(acc, out1, s)


_sc_conv = pl.kernel(
    _sc_conv_body,
    out_type=(jax.ShapeDtypeStruct((_N, 128), _f32),
              jax.ShapeDtypeStruct((_N, 128), _f32)),
    mesh=plsc.VectorSubcoreMesh(core_axis_name="c", subcore_axis_name="s"),
    scratch_types=[
        pltpu.VMEM((_CH,), jnp.int32),
        pltpu.VMEM((_CH,), jnp.int32),
        pltpu.VMEM((_CH, 128), _f32),
        pltpu.VMEM_SHARED((_N, 128), _f32),
        pltpu.SemaphoreType.DMA,
    ],
)


def _sc_deg_body(srch, dsth, z128, ones128, outi, outo,
                 idxv, onesv, acc, sem):
    c = lax.axis_index("c")
    s = lax.axis_index("s")

    _zero_rows(z128, acc, s)
    pltpu.sync_copy(ones128, onesv)
    plsc.subcore_barrier()

    def run(idx_hbm):
        def body(k, carry):
            base = s * _EP + k * _CH
            pltpu.sync_copy(idx_hbm.at[pl.ds(base, _CH)], idxv)
            pltpu.sync_copy(onesv, acc.at[idxv], add=True)
            return carry
        lax.fori_loop(0, _EP // _CH, body, 0)

    @pl.when(c == 0)
    def _():
        run(dsth)

    @pl.when(c == 1)
    def _():
        run(srch)

    plsc.subcore_barrier()

    @pl.when(c == 0)
    def _():
        _write_rows(acc, outi, s)

    @pl.when(c == 1)
    def _():
        _write_rows(acc, outo, s)


_sc_deg = pl.kernel(
    _sc_deg_body,
    out_type=(jax.ShapeDtypeStruct((_N, 128), _f32),
              jax.ShapeDtypeStruct((_N, 128), _f32)),
    mesh=plsc.VectorSubcoreMesh(core_axis_name="c", subcore_axis_name="s"),
    scratch_types=[
        pltpu.VMEM((_CH,), jnp.int32),
        pltpu.VMEM((_CH, 128), _f32),
        pltpu.VMEM_SHARED((_N, 128), _f32),
        pltpu.SemaphoreType.DMA,
    ],
)


_EP2 = _E // (2 * _NSUB)
_CH2 = 40


def _sc_tp_body(p16h, srch, dsth, z128, t0, t1, idxg, idxs, rows, acc, sem):
    c = lax.axis_index("c")
    s = lax.axis_index("s")

    _zero_rows(z128, acc, s)
    plsc.subcore_barrier()

    base0 = (c * _NSUB + s) * _EP2

    def body(k, carry):
        base = base0 + k * _CH2
        pltpu.sync_copy(dsth.at[pl.ds(base, _CH2)], idxg)
        pltpu.sync_copy(srch.at[pl.ds(base, _CH2)], idxs)
        pltpu.async_copy(p16h.at[idxg], rows, sem).wait()
        pltpu.sync_copy(rows, acc.at[idxs], add=True)
        return carry

    lax.fori_loop(0, _EP2 // _CH2, body, 0)
    plsc.subcore_barrier()

    @pl.when(c == 0)
    def _():
        _write_rows(acc, t0, s)

    @pl.when(c == 1)
    def _():
        _write_rows(acc, t1, s)


_sc_tp = pl.kernel(
    _sc_tp_body,
    out_type=(jax.ShapeDtypeStruct((_N, 128), _f32),
              jax.ShapeDtypeStruct((_N, 128), _f32)),
    mesh=plsc.VectorSubcoreMesh(core_axis_name="c", subcore_axis_name="s"),
    scratch_types=[
        pltpu.VMEM((_CH2,), jnp.int32),
        pltpu.VMEM((_CH2,), jnp.int32),
        pltpu.VMEM((_CH2, 128), _f32),
        pltpu.VMEM_SHARED((_N, 128), _f32),
        pltpu.SemaphoreType.DMA,
    ],
)


def _tc_pos_body(p_ref, t0_ref, t1_ref, od_ref, pos_ref, sca_ref):
    i = pl.program_id(0)
    p = p_ref[...]
    t = t0_ref[...] + t1_ref[...]
    spp = jnp.sum(p * t) / 128.0
    spd = jnp.sum(t) / 128.0
    sps = jnp.sum(p * od_ref[...]) / 128.0

    @pl.when(i == 0)
    def _():
        sca_ref[0] = spp
        sca_ref[1] = spd
        sca_ref[2] = sps
        pos_ref[...] = jnp.zeros((1, 1), _f32)

    @pl.when(i > 0)
    def _():
        sca_ref[0] += spp
        sca_ref[1] += spd
        sca_ref[2] += sps

    @pl.when(i == _NB - 1)
    def _():
        s_pp = sca_ref[0]
        s_pd = sca_ref[1]
        s_ps = sca_ref[2]
        d0 = s_pp / s_ps
        d1 = (_E - s_ps - s_pd + s_pp) / (_E - s_ps)
        pos = ((d0 - 1.0) * (d0 - 1.0) + (d1 - 1.0) * (d1 - 1.0)) * 0.5
        pos_ref[...] = jnp.full((1, 1), pos, _f32)


_tc_pos = pl.pallas_call(
    _tc_pos_body,
    grid=(_NB,),
    in_specs=[
        pl.BlockSpec((_BN, 128), lambda i: (i, 0)),
        pl.BlockSpec((_BN, 128), lambda i: (i, 0)),
        pl.BlockSpec((_BN, 128), lambda i: (i, 0)),
        pl.BlockSpec((_BN, 128), lambda i: (i, 0)),
    ],
    out_specs=pl.BlockSpec((1, 1), lambda i: (0, 0)),
    out_shape=jax.ShapeDtypeStruct((1, 1), _f32),
    scratch_shapes=[pltpu.SMEM((4,), _f32)],
)


def kernel(x, edge_index, batch, Wl1, Wr1, b1, Wl2, Wr2, b2,
           Wf1, bf1, Wf2, bf2):
    src = edge_index[0]
    dst = edge_index[1]

    w1cat = jnp.concatenate([Wl1.T, Wr1.T], axis=1)
    w2cat = jnp.concatenate([Wl2.T, Wr2.T], axis=1)
    wf1t = Wf1.T
    aux = jnp.zeros((8, 64), _f32)
    aux = aux.at[0, :].set(bf1)
    aux = aux.at[1, :].set(Wf2[0] - Wf2[1])
    aux = aux.at[2, 0].set(bf2[0] - bf2[1])

    u = jax.random.uniform(jax.random.key(42), (_N, 2),
                           minval=1e-10, maxval=1.0)
    gum = -jnp.log(-jnp.log(u))
    dg8 = jnp.broadcast_to((gum[:, 0] - gum[:, 1])[:, None], (_N, 8))
    rnd = jax.random.uniform(jax.random.key(43), (_N, _D), dtype=_f32)
    batch8 = jnp.broadcast_to(batch[:, None], (_N, 8))

    z128 = jnp.zeros((_NZ, 128), _f32)
    ones128 = jnp.ones((_CH, 128), _f32)

    yl0, yl1, yrb1 = _tc_lin(x, w1cat, b1)
    indeg, odeg = _sc_deg(src, dst, z128, ones128)
    agg0, agg1 = _sc_conv(yl0, yl1, src, dst, z128)
    yl20, yl21, yrb2 = _tc_mid(agg0, agg1, indeg, yrb1, w2cat, b2)
    agg20, agg21 = _sc_conv(yl20, yl21, src, dst, z128)
    nf2, stats = _tc_nf2(agg20, agg21, indeg, yrb2)
    gf, ng, sg, kl, pres, p16 = _tc_head(nf2, stats, rnd, dg8, batch8,
                                         wf1t, aux)
    t0, t1 = _sc_tp(p16, src, dst, z128)
    pos = _tc_pos(p16, t0, t1, odeg)

    return (gf, ng, sg, pos.reshape(()), kl.reshape(()), pres.reshape(()))

# --- scband reference (transcript-rebuilt; emitter-appended) ---
"""Pipeline reference for scband-sage-9577777070495 (READ-ONLY COPY).

The authoritative reference and input builder live on the scoring server;
editing this copy changes nothing except your own understanding.
"""

import jax, jax.numpy as jnp
import numpy as np

N = 10000
E = 160000
D = 256
H1 = 256
H2 = 256
F1 = 64
F2 = 2
G = 128


def _lin_init(key, out_dim, in_dim):
    bound = 1.0 / np.sqrt(in_dim)
    kw, kb = jax.random.split(key)
    W = jax.random.uniform(kw, (out_dim, in_dim), minval=-bound, maxval=bound, dtype=jnp.float32)
    b = jax.random.uniform(kb, (out_dim,), minval=-bound, maxval=bound, dtype=jnp.float32)
    return W, b


def setup_inputs(seed: int = 0) -> dict:
    key = jax.random.key(seed)
    ks = jax.random.split(key, 8)
    x = jax.random.normal(ks[0], (N, D), dtype=jnp.float32)
    edge_index = jax.random.randint(ks[1], (2, E), 0, N, dtype=jnp.int32)
    batch = jnp.sort(jax.random.randint(ks[2], (N,), 0, G, dtype=jnp.int32))
    Wl1, b1 = _lin_init(ks[3], H1, D)
    Wr1, _ = _lin_init(jax.random.fold_in(ks[3], 1), H1, D)
    Wl2, b2 = _lin_init(ks[4], H2, H1)
    Wr2, _ = _lin_init(jax.random.fold_in(ks[4], 1), H2, H1)
    Wf1, bf1 = _lin_init(ks[5], F1, H2)
    Wf2, bf2 = _lin_init(ks[6], F2, F1)
    return {"x": x, "edge_index": edge_index, "batch": batch,
            "Wl1": Wl1, "Wr1": Wr1, "b1": b1,
            "Wl2": Wl2, "Wr2": Wr2, "b2": b2,
            "Wf1": Wf1, "bf1": bf1, "Wf2": Wf2, "bf2": bf2}


def _sage_conv(x, edge_index, Wl, Wr, b):
    # PyG SAGEConv (aggr='mean'): lin_l(mean_neighbors) + lin_r(x)
    src = edge_index[0]
    dst = edge_index[1]
    msg = jnp.take(x, src, axis=0)
    agg = jax.ops.segment_sum(msg, dst, num_segments=x.shape[0])
    cnt = jax.ops.segment_sum(jnp.ones((edge_index.shape[1],), x.dtype), dst, num_segments=x.shape[0])
    mean = agg / jnp.clip(cnt, 1.0)[:, None]
    return mean @ Wl.T + b + x @ Wr.T


def _forward(x, edge_index, batch, Wl1, Wr1, b1, Wl2, Wr2, b2, Wf1, bf1, Wf2, bf2):
    eps = 1e-06
    nf1 = jax.nn.relu(_sage_conv(x, edge_index, Wl1, Wr1, b1))
    nf2 = _sage_conv(nf1, edge_index, Wl2, Wr2, b2)
    graph_feature = jax.ops.segment_sum(nf2, batch, num_segments=G)
    static = jax.lax.stop_gradient(nf2)
    node_mean = jnp.mean(static, axis=0)
    node_std = jnp.std(static, axis=0, ddof=1)
    af1 = jnp.tanh(nf2 @ Wf1.T + bf1)
    assignment = jax.nn.softmax(af1 @ Wf2.T + bf2, axis=1)
    # gumbel softmax (tau=1), deterministic key
    gk = jax.random.key(42)
    u = jax.random.uniform(gk, assignment.shape, minval=1e-10, maxval=1.0)
    gumbels = -jnp.log(-jnp.log(u))
    gs = jax.nn.softmax(assignment + gumbels, axis=-1)
    mean_rep = jnp.broadcast_to(node_mean[None, :], nf2.shape)
    lambda_pos = gs[:, 0:1]
    lambda_neg = gs[:, 1:2]
    subgraph_representation = jax.ops.segment_sum(lambda_pos * nf2, batch, num_segments=G)
    noisy_mean = lambda_pos * nf2 + lambda_neg * mean_rep
    noisy_std = lambda_neg * node_std
    rk = jax.random.key(43)
    rnd = jax.random.uniform(rk, noisy_mean.shape, dtype=jnp.float32)
    noisy_node_feature = noisy_mean + rnd * noisy_std
    noisy_graph_feature = jax.ops.segment_sum(noisy_node_feature, batch, num_segments=G)
    KL_tensor = 0.5 * (noisy_std ** 2 / (node_std + eps) ** 2) + jnp.sum(((noisy_mean - mean_rep) / (node_std + eps)) ** 2, axis=0)
    KL_Loss = jnp.mean(KL_tensor)
    # sparse Adj @ assignment via segment_sum over rows
    temp = jax.ops.segment_sum(jnp.take(assignment, edge_index[1], axis=0), edge_index[0], num_segments=N)
    new_adj = assignment.T @ temp
    row_sum = jnp.sum(new_adj, axis=1, keepdims=True)
    normalize_new_adj = new_adj / row_sum
    norm_diag = jnp.diag(normalize_new_adj)
    pos_penalty = jnp.mean((norm_diag - jnp.ones_like(norm_diag)) ** 2)
    preserve_rate = jnp.mean((assignment[:, 0] > 0.5).astype(jnp.float32))
    return (graph_feature, noisy_graph_feature, subgraph_representation, pos_penalty, KL_Loss, preserve_rate)


def reference(x, edge_index, batch, Wl1, Wr1, b1, Wl2, Wr2, b2, Wf1, bf1, Wf2, bf2):
    return _forward(x, edge_index, batch, Wl1, Wr1, b1, Wl2, Wr2, b2, Wf1, bf1, Wf2, bf2)

if __name__ == "__main__":
    import jax
    _d = setup_inputs()
    print(jax.jit(kernel)(*tuple(_d.values())))

</pallas_src>

<mosaic_0001>
#map = affine_map<(d0, d1) -> (0, 0)>
#map1 = affine_map<(d0, d1) -> (0)>
module attributes {stable_mosaic.version = 14 : i64} {
  func.func @_sc_tp_body(%arg0: i32, %arg1: i32, %arg2: memref<10000x128xf32, #tpu.memory_space<hbm>>, %arg3: memref<160000xi32, #tpu.memory_space<hbm>>, %arg4: memref<160000xi32, #tpu.memory_space<hbm>>, %arg5: memref<624x128xf32, #tpu.memory_space<hbm>>, %arg6: memref<10000x128xf32, #tpu.memory_space<hbm>>, %arg7: memref<10000x128xf32, #tpu.memory_space<hbm>>, %arg8: memref<40xi32, #tpu.memory_space<vmem>>, %arg9: memref<40xi32, #tpu.memory_space<vmem>>, %arg10: memref<40x128xf32, #tpu.memory_space<vmem>>, %arg11: memref<10000x128xf32, #tpu.memory_space<vmem_shared>>, %arg12: memref<!tpu.dma_semaphore, #tpu.memory_space<semaphore_mem>>) attributes {dimension_semantics = [#tpu.dimension_semantics<core_parallel>, #tpu.dimension_semantics<subcore_parallel>], iteration_bounds = array<i64: 2, 16>, scalar_prefetch = 0 : i64, scratch_operands = 5 : i64, tpu.core_type = #tpu.core_type<sc_vector_subcore>, window_params = [{transform_indices = #map}, {transform_indices = #map1}, {transform_indices = #map1}, {transform_indices = #map}, {transform_indices = #map}, {transform_indices = #map}]} {
    %mul3A = arith.constant 624 : i32
    %mul3A_0 = arith.muli %arg1, %mul3A : i32
    "tpu.region"() ({
      %run_scoped3A = tpu.sem_alloc : memref<!tpu.dma_semaphore, #tpu.memory_space<semaphore_mem>>
      %dma_start3A = arith.constant 0 : i32
      %dma_start3A_23 = tpu.memref_slice %arg11[%mul3A_0, %dma_start3A] : memref<10000x128xf32, #tpu.memory_space<vmem_shared>> -> memref<624x128xf32, #tpu.memory_space<vmem_shared>>
      tpu.enqueue_dma source(%arg5 : memref<624x128xf32, #tpu.memory_space<hbm>>) target(%dma_start3A_23 : memref<624x128xf32, #tpu.memory_space<vmem_shared>>) target_semaphore(%run_scoped3A : memref<!tpu.dma_semaphore, #tpu.memory_space<semaphore_mem>>)
      %dma_wait3A = arith.constant 0 : i32
      %dma_wait3A_24 = tpu.memref_slice %arg11[%mul3A_0, %dma_wait3A] : memref<10000x128xf32, #tpu.memory_space<vmem_shared>> -> memref<624x128xf32, #tpu.memory_space<vmem_shared>>
      tpu.wait_dma2 semaphore(%run_scoped3A : memref<!tpu.dma_semaphore, #tpu.memory_space<semaphore_mem>>) src(%arg5 : memref<624x128xf32, #tpu.memory_space<hbm>>) dst(%dma_wait3A_24 : memref<624x128xf32, #tpu.memory_space<vmem_shared>>)
      tpu.yield
    }) : () -> ()
    %eq3A = arith.constant 15 : i32
    %eq3A_1 = arith.cmpi eq, %arg1, %eq3A : i32
    %convert_element_type3A = arith.extui %eq3A_1 : i1 to i32
    %cond3A = arith.constant 0 : i32
    %cond3A_2 = arith.cmpi ne, %convert_element_type3A, %cond3A : i32
    scf.if %cond3A_2 {
      "tpu.region"() ({
        %run_scoped3A = tpu.sem_alloc : memref<!tpu.dma_semaphore, #tpu.memory_space<semaphore_mem>>
        %dma_start3A = arith.constant 9984 : i32
        %dma_start3A_23 = arith.constant 0 : i32
        %dma_start3A_24 = tpu.memref_slice %arg11[%dma_start3A, %dma_start3A_23] : memref<10000x128xf32, #tpu.memory_space<vmem_shared>> -> memref<16x128xf32, #tpu.memory_space<vmem_shared>>
        %dma_start3A_25 = arith.constant 0 : i32
        %dma_start3A_26 = arith.constant 0 : i32
        %dma_start3A_27 = tpu.memref_slice %arg5[%dma_start3A_25, %dma_start3A_26] : memref<624x128xf32, #tpu.memory_space<hbm>> -> memref<16x128xf32, #tpu.memory_space<hbm>>
        tpu.enqueue_dma source(%dma_start3A_27 : memref<16x128xf32, #tpu.memory_space<hbm>>) target(%dma_start3A_24 : memref<16x128xf32, #tpu.memory_space<vmem_shared>>) target_semaphore(%run_scoped3A : memref<!tpu.dma_semaphore, #tpu.memory_space<semaphore_mem>>)
        %dma_wait3A = arith.constant 9984 : i32
        %dma_wait3A_28 = arith.constant 0 : i32
        %dma_wait3A_29 = tpu.memref_slice %arg11[%dma_wait3A, %dma_wait3A_28] : memref<10000x128xf32, #tpu.memory_space<vmem_shared>> -> memref<16x128xf32, #tpu.memory_space<vmem_shared>>
        %dma_wait3A_30 = arith.constant 0 : i32
        %dma_wait3A_31 = arith.constant 0 : i32
        %dma_wait3A_32 = tpu.memref_slice %arg5[%dma_wait3A_30, %dma_wait3A_31] : memref<624x128xf32, #tpu.memory_space<hbm>> -> memref<16x128xf32, #tpu.memory_space<hbm>>
        tpu.wait_dma2 semaphore(%run_scoped3A : memref<!tpu.dma_semaphore, #tpu.memory_space<semaphore_mem>>) src(%dma_wait3A_32 : memref<16x128xf32, #tpu.memory_space<hbm>>) dst(%dma_wait3A_29 : memref<16x128xf32, #tpu.memory_space<vmem_shared>>)
        tpu.yield
      }) : () -> ()
    } else {
    }
    %barrier3A = arith.constant 0 : index
    tpu.barrier barrier_id(%barrier3A)
    %mul3A_3 = arith.constant 16 : i32
    %mul3A_4 = arith.muli %arg0, %mul3A_3 : i32
    %add3A = arith.addi %mul3A_4, %arg1 : i32
    %mul3A_5 = arith.constant 5000 : i32
    %mul3A_6 = arith.muli %add3A, %mul3A_5 : i32
    %scan3A = arith.constant 0 : i32
    %scan3A_7 = arith.constant 0 : i32
    %scan3A_8 = arith.constant 125 : i32
    %scan3A_9 = arith.addi %scan3A_7, %scan3A_8 : i32
    %scan3A_10 = arith.constant 1 : i32
    scf.for %scan3A_23 = %scan3A_7 to %scan3A_9 step %scan3A_10  : i32 {
      %mul3A_24 = arith.constant 40 : i32
      %mul3A_25 = arith.muli %scan3A_23, %mul3A_24 : i32
      %add3A_26 = arith.addi %mul3A_6, %mul3A_25 : i32
      "tpu.region"() ({
        %run_scoped3A = tpu.sem_alloc : memref<!tpu.dma_semaphore, #tpu.memory_space<semaphore_mem>>
        %dma_start3A_31 = tpu.memref_slice %arg4[%add3A_26] : memref<160000xi32, #tpu.memory_space<hbm>> -> memref<40xi32, #tpu.memory_space<hbm>>
        %dma_start3A_32 = tpu.memref_slice %arg4[%add3A_26] : memref<160000xi32, #tpu.memory_space<hbm>> -> memref<40xi32, #tpu.memory_space<hbm>>
        tpu.enqueue_dma source(%dma_start3A_32 : memref<40xi32, #tpu.memory_space<hbm>>) target(%arg8 : memref<40xi32, #tpu.memory_space<vmem>>) target_semaphore(%run_scoped3A : memref<!tpu.dma_semaphore, #tpu.memory_space<semaphore_mem>>)
        %dma_wait3A_33 = tpu.memref_slice %arg4[%add3A_26] : memref<160000xi32, #tpu.memory_space<hbm>> -> memref<40xi32, #tpu.memory_space<hbm>>
        %dma_wait3A_34 = tpu.memref_slice %arg4[%add3A_26] : memref<160000xi32, #tpu.memory_space<hbm>> -> memref<40xi32, #tpu.memory_space<hbm>>
        tpu.wait_dma2 semaphore(%run_scoped3A : memref<!tpu.dma_semaphore, #tpu.memory_space<semaphore_mem>>) src(%dma_wait3A_34 : memref<40xi32, #tpu.memory_space<hbm>>) dst(%arg8 : memref<40xi32, #tpu.memory_space<vmem>>)
        tpu.yield
      }) : () -> ()
      "tpu.region"() ({
        %run_scoped3A = tpu.sem_alloc : memref<!tpu.dma_semaphore, #tpu.memory_space<semaphore_mem>>
        %dma_start3A_31 = tpu.memref_slice %arg3[%add3A_26] : memref<160000xi32, #tpu.memory_space<hbm>> -> memref<40xi32, #tpu.memory_space<hbm>>
        %dma_start3A_32 = tpu.memref_slice %arg3[%add3A_26] : memref<160000xi32, #tpu.memory_space<hbm>> -> memref<40xi32, #tpu.memory_space<hbm>>
        tpu.enqueue_dma source(%dma_start3A_32 : memref<40xi32, #tpu.memory_space<hbm>>) target(%arg9 : memref<40xi32, #tpu.memory_space<vmem>>) target_semaphore(%run_scoped3A : memref<!tpu.dma_semaphore, #tpu.memory_space<semaphore_mem>>)
        %dma_wait3A_33 = tpu.memref_slice %arg3[%add3A_26] : memref<160000xi32, #tpu.memory_space<hbm>> -> memref<40xi32, #tpu.memory_space<hbm>>
        %dma_wait3A_34 = tpu.memref_slice %arg3[%add3A_26] : memref<160000xi32, #tpu.memory_space<hbm>> -> memref<40xi32, #tpu.memory_space<hbm>>
        tpu.wait_dma2 semaphore(%run_scoped3A : memref<!tpu.dma_semaphore, #tpu.memory_space<semaphore_mem>>) src(%dma_wait3A_34 : memref<40xi32, #tpu.memory_space<hbm>>) dst(%arg9 : memref<40xi32, #tpu.memory_space<vmem>>)
        tpu.yield
      }) : () -> ()
      %dma_start3A = arith.constant 0 : i32
      %dma_start3A_27 = arith.constant 0 : i32
      %dma_start3A_28 = tpu.memref_slice %arg2[%dma_start3A, %dma_start3A_27] : memref<10000x128xf32, #tpu.memory_space<hbm>> -> memref<10000x128xf32, #tpu.memory_space<hbm>>
      tpu.enqueue_indirect_dma source(%dma_start3A_28 : memref<10000x128xf32, #tpu.memory_space<hbm>>) target(%arg10 : memref<40x128xf32, #tpu.memory_space<vmem>>) offsets(%arg8 : memref<40xi32, #tpu.memory_space<vmem>>) semaphore(%arg12 : memref<!tpu.dma_semaphore, #tpu.memory_space<semaphore_mem>>)
      %dma_wait3A = arith.constant 0 : i32
      %dma_wait3A_29 = arith.constant 0 : i32
      %dma_wait3A_30 = tpu.memref_slice %arg2[%dma_wait3A, %dma_wait3A_29] : memref<10000x128xf32, #tpu.memory_space<hbm>> -> memref<10000x128xf32, #tpu.memory_space<hbm>>
      tpu.wait_indirect_dma semaphore(%arg12 : memref<!tpu.dma_semaphore, #tpu.memory_space<semaphore_mem>>) src(%dma_wait3A_30 : memref<10000x128xf32, #tpu.memory_space<hbm>>) dst(%arg10 : memref<40x128xf32, #tpu.memory_space<vmem>>)
      "tpu.region"() ({
        %run_scoped3A = tpu.sem_alloc : memref<!tpu.dma_semaphore, #tpu.memory_space<semaphore_mem>>
        %dma_start3A_31 = arith.constant 0 : i32
        %dma_start3A_32 = arith.constant 0 : i32
        %dma_start3A_33 = tpu.memref_slice %arg11[%dma_start3A_31, %dma_start3A_32] : memref<10000x128xf32, #tpu.memory_space<vmem_shared>> -> memref<10000x128xf32, #tpu.memory_space<vmem_shared>>
        tpu.enqueue_indirect_dma source(%arg10 : memref<40x128xf32, #tpu.memory_space<vmem>>) target(%dma_start3A_33 : memref<10000x128xf32, #tpu.memory_space<vmem_shared>>) offsets(%arg9 : memref<40xi32, #tpu.memory_space<vmem>>) semaphore(%run_scoped3A : memref<!tpu.dma_semaphore, #tpu.memory_space<semaphore_mem>>) {add = true}
        %dma_wait3A_34 = arith.constant 0 : i32
        %dma_wait3A_35 = arith.constant 0 : i32
        %dma_wait3A_36 = tpu.memref_slice %arg11[%dma_wait3A_34, %dma_wait3A_35] : memref<10000x128xf32, #tpu.memory_space<vmem_shared>> -> memref<10000x128xf32, #tpu.memory_space<vmem_shared>>
        tpu.wait_indirect_dma semaphore(%run_scoped3A : memref<!tpu.dma_semaphore, #tpu.memory_space<semaphore_mem>>) src(%arg10 : memref<40x128xf32, #tpu.memory_space<vmem>>) dst(%dma_wait3A_36 : memref<10000x128xf32, #tpu.memory_space<vmem_shared>>)
        tpu.yield
      }) : () -> ()
    }
    %scan3A_11 = arith.constant 125 : i32
    %barrier3A_12 = arith.constant 0 : index
    tpu.barrier barrier_id(%barrier3A_12)
    %eq3A_13 = arith.constant 0 : i32
    %eq3A_14 = arith.cmpi eq, %arg0, %eq3A_13 : i32
    %convert_element_type3A_15 = arith.extui %eq3A_14 : i1 to i32
    %cond3A_16 = arith.constant 0 : i32
    %cond3A_17 = arith.cmpi ne, %convert_element_type3A_15, %cond3A_16 : i32
    scf.if %cond3A_17 {
      %mul3A_23 = arith.constant 624 : i32
      %mul3A_24 = arith.muli %arg1, %mul3A_23 : i32
      %mul3A_25 = arith.constant 624 : i32
      %mul3A_26 = arith.muli %arg1, %mul3A_25 : i32
      "tpu.region"() ({
        %run_scoped3A = tpu.sem_alloc : memref<!tpu.dma_semaphore, #tpu.memory_space<semaphore_mem>>
        %dma_start3A = arith.constant 0 : i32
        %dma_start3A_32 = tpu.memref_slice %arg6[%mul3A_26, %dma_start3A] : memref<10000x128xf32, #tpu.memory_space<hbm>> -> memref<624x128xf32, #tpu.memory_space<hbm>>
        %dma_start3A_33 = arith.constant 0 : i32
        %dma_start3A_34 = tpu.memref_slice %arg11[%mul3A_24, %dma_start3A_33] : memref<10000x128xf32, #tpu.memory_space<vmem_shared>> -> memref<624x128xf32, #tpu.memory_space<vmem_shared>>
        tpu.enqueue_dma source(%dma_start3A_34 : memref<624x128xf32, #tpu.memory_space<vmem_shared>>) target(%dma_start3A_32 : memref<624x128xf32, #tpu.memory_space<hbm>>) target_semaphore(%run_scoped3A : memref<!tpu.dma_semaphore, #tpu.memory_space<semaphore_mem>>)
        %dma_wait3A = arith.constant 0 : i32
        %dma_wait3A_35 = tpu.memref_slice %arg6[%mul3A_26, %dma_wait3A] : memref<10000x128xf32, #tpu.memory_space<hbm>> -> memref<624x128xf32, #tpu.memory_space<hbm>>
        %dma_wait3A_36 = arith.constant 0 : i32
        %dma_wait3A_37 = tpu.memref_slice %arg11[%mul3A_24, %dma_wait3A_36] : memref<10000x128xf32, #tpu.memory_space<vmem_shared>> -> memref<624x128xf32, #tpu.memory_space<vmem_shared>>
        tpu.wait_dma2 semaphore(%run_scoped3A : memref<!tpu.dma_semaphore, #tpu.memory_space<semaphore_mem>>) src(%dma_wait3A_37 : memref<624x128xf32, #tpu.memory_space<vmem_shared>>) dst(%dma_wait3A_35 : memref<624x128xf32, #tpu.memory_space<hbm>>)
        tpu.yield
      }) : () -> ()
      %eq3A_27 = arith.constant 15 : i32
      %eq3A_28 = arith.cmpi eq, %arg1, %eq3A_27 : i32
      %convert_element_type3A_29 = arith.extui %eq3A_28 : i1 to i32
      %cond3A_30 = arith.constant 0 : i32
      %cond3A_31 = arith.cmpi ne, %convert_element_type3A_29, %cond3A_30 : i32
      scf.if %cond3A_31 {
        "tpu.region"() ({
          %run_scoped3A = tpu.sem_alloc : memref<!tpu.dma_semaphore, #tpu.memory_space<semaphore_mem>>
          %dma_start3A = arith.constant 9984 : i32
          %dma_start3A_32 = arith.constant 0 : i32
          %dma_start3A_33 = tpu.memref_slice %arg6[%dma_start3A, %dma_start3A_32] : memref<10000x128xf32, #tpu.memory_space<hbm>> -> memref<16x128xf32, #tpu.memory_space<hbm>>
          %dma_start3A_34 = arith.constant 9984 : i32
          %dma_start3A_35 = arith.constant 0 : i32
          %dma_start3A_36 = tpu.memref_slice %arg11[%dma_start3A_34, %dma_start3A_35] : memref<10000x128xf32, #tpu.memory_space<vmem_shared>> -> memref<16x128xf32, #tpu.memory_space<vmem_shared>>
          tpu.enqueue_dma source(%dma_start3A_36 : memref<16x128xf32, #tpu.memory_space<vmem_shared>>) target(%dma_start3A_33 : memref<16x128xf32, #tpu.memory_space<hbm>>) target_semaphore(%run_scoped3A : memref<!tpu.dma_semaphore, #tpu.memory_space<semaphore_mem>>)
          %dma_wait3A = arith.constant 9984 : i32
          %dma_wait3A_37 = arith.constant 0 : i32
          %dma_wait3A_38 = tpu.memref_slice %arg6[%dma_wait3A, %dma_wait3A_37] : memref<10000x128xf32, #tpu.memory_space<hbm>> -> memref<16x128xf32, #tpu.memory_space<hbm>>
          %dma_wait3A_39 = arith.constant 9984 : i32
          %dma_wait3A_40 = arith.constant 0 : i32
          %dma_wait3A_41 = tpu.memref_slice %arg11[%dma_wait3A_39, %dma_wait3A_40] : memref<10000x128xf32, #tpu.memory_space<vmem_shared>> -> memref<16x128xf32, #tpu.memory_space<vmem_shared>>
          tpu.wait_dma2 semaphore(%run_scoped3A : memref<!tpu.dma_semaphore, #tpu.memory_space<semaphore_mem>>) src(%dma_wait3A_41 : memref<16x128xf32, #tpu.memory_space<vmem_shared>>) dst(%dma_wait3A_38 : memref<16x128xf32, #tpu.memory_space<hbm>>)
          tpu.yield
        }) : () -> ()
      } else {
      }
    } else {
    }
    %eq3A_18 = arith.constant 1 : i32
    %eq3A_19 = arith.cmpi eq, %arg0, %eq3A_18 : i32
    %convert_element_type3A_20 = arith.extui %eq3A_19 : i1 to i32
    %cond3A_21 = arith.constant 0 : i32
    %cond3A_22 = arith.cmpi ne, %convert_element_type3A_20, %cond3A_21 : i32
    scf.if %cond3A_22 {
      %mul3A_23 = arith.constant 624 : i32
      %mul3A_24 = arith.muli %arg1, %mul3A_23 : i32
      %mul3A_25 = arith.constant 624 : i32
      %mul3A_26 = arith.muli %arg1, %mul3A_25 : i32
      "tpu.region"() ({
        %run_scoped3A = tpu.sem_alloc : memref<!tpu.dma_semaphore, #tpu.memory_space<semaphore_mem>>
        %dma_start3A = arith.constant 0 : i32
        %dma_start3A_32 = tpu.memref_slice %arg7[%mul3A_26, %dma_start3A] : memref<10000x128xf32, #tpu.memory_space<hbm>> -> memref<624x128xf32, #tpu.memory_space<hbm>>
        %dma_start3A_33 = arith.constant 0 : i32
        %dma_start3A_34 = tpu.memref_slice %arg11[%mul3A_24, %dma_start3A_33] : memref<10000x128xf32, #tpu.memory_space<vmem_shared>> -> memref<624x128xf32, #tpu.memory_space<vmem_shared>>
        tpu.enqueue_dma source(%dma_start3A_34 : memref<624x128xf32, #tpu.memory_space<vmem_shared>>) target(%dma_start3A_32 : memref<624x128xf32, #tpu.memory_space<hbm>>) target_semaphore(%run_scoped3A : memref<!tpu.dma_semaphore, #tpu.memory_space<semaphore_mem>>)
        %dma_wait3A = arith.constant 0 : i32
        %dma_wait3A_35 = tpu.memref_slice %arg7[%mul3A_26, %dma_wait3A] : memref<10000x128xf32, #tpu.memory_space<hbm>> -> memref<624x128xf32, #tpu.memory_space<hbm>>
        %dma_wait3A_36 = arith.constant 0 : i32
        %dma_wait3A_37 = tpu.memref_slice %arg11[%mul3A_24, %dma_wait3A_36] : memref<10000x128xf32, #tpu.memory_space<vmem_shared>> -> memref<624x128xf32, #tpu.memory_space<vmem_shared>>
        tpu.wait_dma2 semaphore(%run_scoped3A : memref<!tpu.dma_semaphore, #tpu.memory_space<semaphore_mem>>) src(%dma_wait3A_37 : memref<624x128xf32, #tpu.memory_space<vmem_shared>>) dst(%dma_wait3A_35 : memref<624x128xf32, #tpu.memory_space<hbm>>)
        tpu.yield
      }) : () -> ()
      %eq3A_27 = arith.constant 15 : i32
      %eq3A_28 = arith.cmpi eq, %arg1, %eq3A_27 : i32
      %convert_element_type3A_29 = arith.extui %eq3A_28 : i1 to i32
      %cond3A_30 = arith.constant 0 : i32
      %cond3A_31 = arith.cmpi ne, %convert_element_type3A_29, %cond3A_30 : i32
      scf.if %cond3A_31 {
        "tpu.region"() ({
          %run_scoped3A = tpu.sem_alloc : memref<!tpu.dma_semaphore, #tpu.memory_space<semaphore_mem>>
          %dma_start3A = arith.constant 9984 : i32
          %dma_start3A_32 = arith.constant 0 : i32
          %dma_start3A_33 = tpu.memref_slice %arg7[%dma_start3A, %dma_start3A_32] : memref<10000x128xf32, #tpu.memory_space<hbm>> -> memref<16x128xf32, #tpu.memory_space<hbm>>
          %dma_start3A_34 = arith.constant 9984 : i32
          %dma_start3A_35 = arith.constant 0 : i32
          %dma_start3A_36 = tpu.memref_slice %arg11[%dma_start3A_34, %dma_start3A_35] : memref<10000x128xf32, #tpu.memory_space<vmem_shared>> -> memref<16x128xf32, #tpu.memory_space<vmem_shared>>
          tpu.enqueue_dma source(%dma_start3A_36 : memref<16x128xf32, #tpu.memory_space<vmem_shared>>) target(%dma_start3A_33 : memref<16x128xf32, #tpu.memory_space<hbm>>) target_semaphore(%run_scoped3A : memref<!tpu.dma_semaphore, #tpu.memory_space<semaphore_mem>>)
          %dma_wait3A = arith.constant 9984 : i32
          %dma_wait3A_37 = arith.constant 0 : i32
          %dma_wait3A_38 = tpu.memref_slice %arg7[%dma_wait3A, %dma_wait3A_37] : memref<10000x128xf32, #tpu.memory_space<hbm>> -> memref<16x128xf32, #tpu.memory_space<hbm>>
          %dma_wait3A_39 = arith.constant 9984 : i32
          %dma_wait3A_40 = arith.constant 0 : i32
          %dma_wait3A_41 = tpu.memref_slice %arg11[%dma_wait3A_39, %dma_wait3A_40] : memref<10000x128xf32, #tpu.memory_space<vmem_shared>> -> memref<16x128xf32, #tpu.memory_space<vmem_shared>>
          tpu.wait_dma2 semaphore(%run_scoped3A : memref<!tpu.dma_semaphore, #tpu.memory_space<semaphore_mem>>) src(%dma_wait3A_41 : memref<16x128xf32, #tpu.memory_space<vmem_shared>>) dst(%dma_wait3A_38 : memref<16x128xf32, #tpu.memory_space<hbm>>)
          tpu.yield
        }) : () -> ()
      } else {
      }
    } else {
    }
    return
  }
}

#map = affine_map<(d0, d1) -> (0)>
#map1 = affine_map<(d0, d1) -> (0, 0)>
module attributes {stable_mosaic.version = 14 : i64} {
  func.func @_sc_deg_body(%arg0: i32, %arg1: i32, %arg2: memref<160000xi32, #tpu.memory_space<hbm>>, %arg3: memref<160000xi32, #tpu.memory_space<hbm>>, %arg4: memref<624x128xf32, #tpu.memory_space<hbm>>, %arg5: memref<80x128xf32, #tpu.memory_space<hbm>>, %arg6: memref<10000x128xf32, #tpu.memory_space<hbm>>, %arg7: memref<10000x128xf32, #tpu.memory_space<hbm>>, %arg8: memref<80xi32, #tpu.memory_space<vmem>>, %arg9: memref<80x128xf32, #tpu.memory_space<vmem>>, %arg10: memref<10000x128xf32, #tpu.memory_space<vmem_shared>>, %arg11: memref<!tpu.dma_semaphore, #tpu.memory_space<semaphore_mem>>) attributes {dimension_semantics = [#tpu.dimension_semantics<core_parallel>, #tpu.dimension_semantics<subcore_parallel>], iteration_bounds = array<i64: 2, 16>, scalar_prefetch = 0 : i64, scratch_operands = 4 : i64, tpu.core_type = #tpu.core_type<sc_vector_subcore>, window_params = [{transform_indices = #map}, {transform_indices = #map}, {transform_indices = #map1}, {transform_indices = #map1}, {transform_indices = #map1}, {transform_indices = #map1}]} {
    %mul3A = arith.constant 624 : i32
    %mul3A_0 = arith.muli %arg1, %mul3A : i32
    "tpu.region"() ({
      %run_scoped3A = tpu.sem_alloc : memref<!tpu.dma_semaphore, #tpu.memory_space<semaphore_mem>>
      %dma_start3A = arith.constant 0 : i32
      %dma_start3A_24 = tpu.memref_slice %arg10[%mul3A_0, %dma_start3A] : memref<10000x128xf32, #tpu.memory_space<vmem_shared>> -> memref<624x128xf32, #tpu.memory_space<vmem_shared>>
      tpu.enqueue_dma source(%arg4 : memref<624x128xf32, #tpu.memory_space<hbm>>) target(%dma_start3A_24 : memref<624x128xf32, #tpu.memory_space<vmem_shared>>) target_semaphore(%run_scoped3A : memref<!tpu.dma_semaphore, #tpu.memory_space<semaphore_mem>>)
      %dma_wait3A = arith.constant 0 : i32
      %dma_wait3A_25 = tpu.memref_slice %arg10[%mul3A_0, %dma_wait3A] : memref<10000x128xf32, #tpu.memory_space<vmem_shared>> -> memref<624x128xf32, #tpu.memory_space<vmem_shared>>
      tpu.wait_dma2 semaphore(%run_scoped3A : memref<!tpu.dma_semaphore, #tpu.memory_space<semaphore_mem>>) src(%arg4 : memref<624x128xf32, #tpu.memory_space<hbm>>) dst(%dma_wait3A_25 : memref<624x128xf32, #tpu.memory_space<vmem_shared>>)
      tpu.yield
    }) : () -> ()
    %eq3A = arith.constant 15 : i32
    %eq3A_1 = arith.cmpi eq, %arg1, %eq3A : i32
    %convert_element_type3A = arith.extui %eq3A_1 : i1 to i32
    %cond3A = arith.constant 0 : i32
    %cond3A_2 = arith.cmpi ne, %convert_element_type3A, %cond3A : i32
    scf.if %cond3A_2 {
      "tpu.region"() ({
        %run_scoped3A = tpu.sem_alloc : memref<!tpu.dma_semaphore, #tpu.memory_space<semaphore_mem>>
        %dma_start3A = arith.constant 9984 : i32
        %dma_start3A_24 = arith.constant 0 : i32
        %dma_start3A_25 = tpu.memref_slice %arg10[%dma_start3A, %dma_start3A_24] : memref<10000x128xf32, #tpu.memory_space<vmem_shared>> -> memref<16x128xf32, #tpu.memory_space<vmem_shared>>
        %dma_start3A_26 = arith.constant 0 : i32
        %dma_start3A_27 = arith.constant 0 : i32
        %dma_start3A_28 = tpu.memref_slice %arg4[%dma_start3A_26, %dma_start3A_27] : memref<624x128xf32, #tpu.memory_space<hbm>> -> memref<16x128xf32, #tpu.memory_space<hbm>>
        tpu.enqueue_dma source(%dma_start3A_28 : memref<16x128xf32, #tpu.memory_space<hbm>>) target(%dma_start3A_25 : memref<16x128xf32, #tpu.memory_space<vmem_shared>>) target_semaphore(%run_scoped3A : memref<!tpu.dma_semaphore, #tpu.memory_space<semaphore_mem>>)
        %dma_wait3A = arith.constant 9984 : i32
        %dma_wait3A_29 = arith.constant 0 : i32
        %dma_wait3A_30 = tpu.memref_slice %arg10[%dma_wait3A, %dma_wait3A_29] : memref<10000x128xf32, #tpu.memory_space<vmem_shared>> -> memref<16x128xf32, #tpu.memory_space<vmem_shared>>
        %dma_wait3A_31 = arith.constant 0 : i32
        %dma_wait3A_32 = arith.constant 0 : i32
        %dma_wait3A_33 = tpu.memref_slice %arg4[%dma_wait3A_31, %dma_wait3A_32] : memref<624x128xf32, #tpu.memory_space<hbm>> -> memref<16x128xf32, #tpu.memory_space<hbm>>
        tpu.wait_dma2 semaphore(%run_scoped3A : memref<!tpu.dma_semaphore, #tpu.memory_space<semaphore_mem>>) src(%dma_wait3A_33 : memref<16x128xf32, #tpu.memory_space<hbm>>) dst(%dma_wait3A_30 : memref<16x128xf32, #tpu.memory_space<vmem_shared>>)
        tpu.yield
      }) : () -> ()
    } else {
    }
    "tpu.region"() ({
      %run_scoped3A = tpu.sem_alloc : memref<!tpu.dma_semaphore, #tpu.memory_space<semaphore_mem>>
      tpu.enqueue_dma source(%arg5 : memref<80x128xf32, #tpu.memory_space<hbm>>) target(%arg9 : memref<80x128xf32, #tpu.memory_space<vmem>>) target_semaphore(%run_scoped3A : memref<!tpu.dma_semaphore, #tpu.memory_space<semaphore_mem>>)
      tpu.wait_dma2 semaphore(%run_scoped3A : memref<!tpu.dma_semaphore, #tpu.memory_space<semaphore_mem>>) src(%arg5 : memref<80x128xf32, #tpu.memory_space<hbm>>) dst(%arg9 : memref<80x128xf32, #tpu.memory_space<vmem>>)
      tpu.yield
    }) : () -> ()
    %barrier3A = arith.constant 0 : index
    tpu.barrier barrier_id(%barrier3A)
    %eq3A_3 = arith.constant 0 : i32
    %eq3A_4 = arith.cmpi eq, %arg0, %eq3A_3 : i32
    %convert_element_type3A_5 = arith.extui %eq3A_4 : i1 to i32
    %cond3A_6 = arith.constant 0 : i32
    %cond3A_7 = arith.cmpi ne, %convert_element_type3A_5, %cond3A_6 : i32
    scf.if %cond3A_7 {
      %scan3A = arith.constant 0 : i32
      %scan3A_24 = arith.constant 0 : i32
      %scan3A_25 = arith.constant 125 : i32
      %scan3A_26 = arith.addi %scan3A_24, %scan3A_25 : i32
      %scan3A_27 = arith.constant 1 : i32
      scf.for %scan3A_29 = %scan3A_24 to %scan3A_26 step %scan3A_27  : i32 {
        %mul3A_30 = arith.constant 10000 : i32
        %mul3A_31 = arith.muli %arg1, %mul3A_30 : i32
        %mul3A_32 = arith.constant 80 : i32
        %mul3A_33 = arith.muli %scan3A_29, %mul3A_32 : i32
        %add3A = arith.addi %mul3A_31, %mul3A_33 : i32
        "tpu.region"() ({
          %run_scoped3A = tpu.sem_alloc : memref<!tpu.dma_semaphore, #tpu.memory_space<semaphore_mem>>
          %dma_start3A = tpu.memref_slice %arg3[%add3A] : memref<160000xi32, #tpu.memory_space<hbm>> -> memref<80xi32, #tpu.memory_space<hbm>>
          %dma_start3A_34 = tpu.memref_slice %arg3[%add3A] : memref<160000xi32, #tpu.memory_space<hbm>> -> memref<80xi32, #tpu.memory_space<hbm>>
          tpu.enqueue_dma source(%dma_start3A_34 : memref<80xi32, #tpu.memory_space<hbm>>) target(%arg8 : memref<80xi32, #tpu.memory_space<vmem>>) target_semaphore(%run_scoped3A : memref<!tpu.dma_semaphore, #tpu.memory_space<semaphore_mem>>)
          %dma_wait3A = tpu.memref_slice %arg3[%add3A] : memref<160000xi32, #tpu.memory_space<hbm>> -> memref<80xi32, #tpu.memory_space<hbm>>
          %dma_wait3A_35 = tpu.memref_slice %arg3[%add3A] : memref<160000xi32, #tpu.memory_space<hbm>> -> memref<80xi32, #tpu.memory_space<hbm>>
          tpu.wait_dma2 semaphore(%run_scoped3A : memref<!tpu.dma_semaphore, #tpu.memory_space<semaphore_mem>>) src(%dma_wait3A_35 : memref<80xi32, #tpu.memory_space<hbm>>) dst(%arg8 : memref<80xi32, #tpu.memory_space<vmem>>)
          tpu.yield
        }) : () -> ()
        "tpu.region"() ({
          %run_scoped3A = tpu.sem_alloc : memref<!tpu.dma_semaphore, #tpu.memory_space<semaphore_mem>>
          %dma_start3A = arith.constant 0 : i32
          %dma_start3A_34 = arith.constant 0 : i32
          %dma_start3A_35 = tpu.memref_slice %arg10[%dma_start3A, %dma_start3A_34] : memref<10000x128xf32, #tpu.memory_space<vmem_shared>> -> memref<10000x128xf32, #tpu.memory_space<vmem_shared>>
          tpu.enqueue_indirect_dma source(%arg9 : memref<80x128xf32, #tpu.memory_space<vmem>>) target(%dma_start3A_35 : memref<10000x128xf32, #tpu.memory_space<vmem_shared>>) offsets(%arg8 : memref<80xi32, #tpu.memory_space<vmem>>) semaphore(%run_scoped3A : memref<!tpu.dma_semaphore, #tpu.memory_space<semaphore_mem>>) {add = true}
          %dma_wait3A = arith.constant 0 : i32
          %dma_wait3A_36 = arith.constant 0 : i32
          %dma_wait3A_37 = tpu.memref_slice %arg10[%dma_wait3A, %dma_wait3A_36] : memref<10000x128xf32, #tpu.memory_space<vmem_shared>> -> memref<10000x128xf32, #tpu.memory_space<vmem_shared>>
          tpu.wait_indirect_dma semaphore(%run_scoped3A : memref<!tpu.dma_semaphore, #tpu.memory_space<semaphore_mem>>) src(%arg9 : memref<80x128xf32, #tpu.memory_space<vmem>>) dst(%dma_wait3A_37 : memref<10000x128xf32, #tpu.memory_space<vmem_shared>>)
          tpu.yield
        }) : () -> ()
      }
      %scan3A_28 = arith.constant 125 : i32
    } else {
    }
    %eq3A_8 = arith.constant 1 : i32
    %eq3A_9 = arith.cmpi eq, %arg0, %eq3A_8 : i32
    %convert_element_type3A_10 = arith.extui %eq3A_9 : i1 to i32
    %cond3A_11 = arith.constant 0 : i32
    %cond3A_12 = arith.cmpi ne, %convert_element_type3A_10, %cond3A_11 : i32
    scf.if %cond3A_12 {
      %scan3A = arith.constant 0 : i32
      %scan3A_24 = arith.constant 0 : i32
      %scan3A_25 = arith.constant 125 : i32
      %scan3A_26 = arith.addi %scan3A_24, %scan3A_25 : i32
      %scan3A_27 = arith.constant 1 : i32
      scf.for %scan3A_29 = %scan3A_24 to %scan3A_26 step %scan3A_27  : i32 {
        %mul3A_30 = arith.constant 10000 : i32
        %mul3A_31 = arith.muli %arg1, %mul3A_30 : i32
        %mul3A_32 = arith.constant 80 : i32
        %mul3A_33 = arith.muli %scan3A_29, %mul3A_32 : i32
        %add3A = arith.addi %mul3A_31, %mul3A_33 : i32
        "tpu.region"() ({
          %run_scoped3A = tpu.sem_alloc : memref<!tpu.dma_semaphore, #tpu.memory_space<semaphore_mem>>
          %dma_start3A = tpu.memref_slice %arg2[%add3A] : memref<160000xi32, #tpu.memory_space<hbm>> -> memref<80xi32, #tpu.memory_space<hbm>>
          %dma_start3A_34 = tpu.memref_slice %arg2[%add3A] : memref<160000xi32, #tpu.memory_space<hbm>> -> memref<80xi32, #tpu.memory_space<hbm>>
          tpu.enqueue_dma source(%dma_start3A_34 : memref<80xi32, #tpu.memory_space<hbm>>) target(%arg8 : memref<80xi32, #tpu.memory_space<vmem>>) target_semaphore(%run_scoped3A : memref<!tpu.dma_semaphore, #tpu.memory_space<semaphore_mem>>)
          %dma_wait3A = tpu.memref_slice %arg2[%add3A] : memref<160000xi32, #tpu.memory_space<hbm>> -> memref<80xi32, #tpu.memory_space<hbm>>
          %dma_wait3A_35 = tpu.memref_slice %arg2[%add3A] : memref<160000xi32, #tpu.memory_space<hbm>> -> memref<80xi32, #tpu.memory_space<hbm>>
          tpu.wait_dma2 semaphore(%run_scoped3A : memref<!tpu.dma_semaphore, #tpu.memory_space<semaphore_mem>>) src(%dma_wait3A_35 : memref<80xi32, #tpu.memory_space<hbm>>) dst(%arg8 : memref<80xi32, #tpu.memory_space<vmem>>)
          tpu.yield
        }) : () -> ()
        "tpu.region"() ({
          %run_scoped3A = tpu.sem_alloc : memref<!tpu.dma_semaphore, #tpu.memory_space<semaphore_mem>>
          %dma_start3A = arith.constant 0 : i32
          %dma_start3A_34 = arith.constant 0 : i32
          %dma_start3A_35 = tpu.memref_slice %arg10[%dma_start3A, %dma_start3A_34] : memref<10000x128xf32, #tpu.memory_space<vmem_shared>> -> memref<10000x128xf32, #tpu.memory_space<vmem_shared>>
          tpu.enqueue_indirect_dma source(%arg9 : memref<80x128xf32, #tpu.memory_space<vmem>>) target(%dma_start3A_35 : memref<10000x128xf32, #tpu.memory_space<vmem_shared>>) offsets(%arg8 : memref<80xi32, #tpu.memory_space<vmem>>) semaphore(%run_scoped3A : memref<!tpu.dma_semaphore, #tpu.memory_space<semaphore_mem>>) {add = true}
          %dma_wait3A = arith.constant 0 : i32
          %dma_wait3A_36 = arith.constant 0 : i32
          %dma_wait3A_37 = tpu.memref_slice %arg10[%dma_wait3A, %dma_wait3A_36] : memref<10000x128xf32, #tpu.memory_space<vmem_shared>> -> memref<10000x128xf32, #tpu.memory_space<vmem_shared>>
          tpu.wait_indirect_dma semaphore(%run_scoped3A : memref<!tpu.dma_semaphore, #tpu.memory_space<semaphore_mem>>) src(%arg9 : memref<80x128xf32, #tpu.memory_space<vmem>>) dst(%dma_wait3A_37 : memref<10000x128xf32, #tpu.memory_space<vmem_shared>>)
          tpu.yield
        }) : () -> ()
      }
      %scan3A_28 = arith.constant 125 : i32
    } else {
    }
    %barrier3A_13 = arith.constant 0 : index
    tpu.barrier barrier_id(%barrier3A_13)
    %eq3A_14 = arith.constant 0 : i32
    %eq3A_15 = arith.cmpi eq, %arg0, %eq3A_14 : i32
    %convert_element_type3A_16 = arith.extui %eq3A_15 : i1 to i32
    %cond3A_17 = arith.constant 0 : i32
    %cond3A_18 = arith.cmpi ne, %convert_element_type3A_16, %cond3A_17 : i32
    scf.if %cond3A_18 {
      %mul3A_24 = arith.constant 624 : i32
      %mul3A_25 = arith.muli %arg1, %mul3A_24 : i32
      %mul3A_26 = arith.constant 624 : i32
      %mul3A_27 = arith.muli %arg1, %mul3A_26 : i32
      "tpu.region"() ({
        %run_scoped3A = tpu.sem_alloc : memref<!tpu.dma_semaphore, #tpu.memory_space<semaphore_mem>>
        %dma_start3A = arith.constant 0 : i32
        %dma_start3A_33 = tpu.memref_slice %arg6[%mul3A_27, %dma_start3A] : memref<10000x128xf32, #tpu.memory_space<hbm>> -> memref<624x128xf32, #tpu.memory_space<hbm>>
        %dma_start3A_34 = arith.constant 0 : i32
        %dma_start3A_35 = tpu.memref_slice %arg10[%mul3A_25, %dma_start3A_34] : memref<10000x128xf32, #tpu.memory_space<vmem_shared>> -> memref<624x128xf32, #tpu.memory_space<vmem_shared>>
        tpu.enqueue_dma source(%dma_start3A_35 : memref<624x128xf32, #tpu.memory_space<vmem_shared>>) target(%dma_start3A_33 : memref<624x128xf32, #tpu.memory_space<hbm>>) target_semaphore(%run_scoped3A : memref<!tpu.dma_semaphore, #tpu.memory_space<semaphore_mem>>)
        %dma_wait3A = arith.constant 0 : i32
        %dma_wait3A_36 = tpu.memref_slice %arg6[%mul3A_27, %dma_wait3A] : memref<10000x128xf32, #tpu.memory_space<hbm>> -> memref<624x128xf32, #tpu.memory_space<hbm>>
        %dma_wait3A_37 = arith.constant 0 : i32
        %dma_wait3A_38 = tpu.memref_slice %arg10[%mul3A_25, %dma_wait3A_37] : memref<10000x128xf32, #tpu.memory_space<vmem_shared>> -> memref<624x128xf32, #tpu.memory_space<vmem_shared>>
        tpu.wait_dma2 semaphore(%run_scoped3A : memref<!tpu.dma_semaphore, #tpu.memory_space<semaphore_mem>>) src(%dma_wait3A_38 : memref<624x128xf32, #tpu.memory_space<vmem_shared>>) dst(%dma_wait3A_36 : memref<624x128xf32, #tpu.memory_space<hbm>>)
        tpu.yield
      }) : () -> ()
      %eq3A_28 = arith.constant 15 : i32
      %eq3A_29 = arith.cmpi eq, %arg1, %eq3A_28 : i32
      %convert_element_type3A_30 = arith.extui %eq3A_29 : i1 to i32
      %cond3A_31 = arith.constant 0 : i32
      %cond3A_32 = arith.cmpi ne, %convert_element_type3A_30, %cond3A_31 : i32
      scf.if %cond3A_32 {
        "tpu.region"() ({
          %run_scoped3A = tpu.sem_alloc : memref<!tpu.dma_semaphore, #tpu.memory_space<semaphore_mem>>
          %dma_start3A = arith.constant 9984 : i32
          %dma_start3A_33 = arith.constant 0 : i32
          %dma_start3A_34 = tpu.memref_slice %arg6[%dma_start3A, %dma_start3A_33] : memref<10000x128xf32, #tpu.memory_space<hbm>> -> memref<16x128xf32, #tpu.memory_space<hbm>>
          %dma_start3A_35 = arith.constant 9984 : i32
          %dma_start3A_36 = arith.constant 0 : i32
          %dma_start3A_37 = tpu.memref_slice %arg10[%dma_start3A_35, %dma_start3A_36] : memref<10000x128xf32, #tpu.memory_space<vmem_shared>> -> memref<16x128xf32, #tpu.memory_space<vmem_shared>>
          tpu.enqueue_dma source(%dma_start3A_37 : memref<16x128xf32, #tpu.memory_space<vmem_shared>>) target(%dma_start3A_34 : memref<16x128xf32, #tpu.memory_space<hbm>>) target_semaphore(%run_scoped3A : memref<!tpu.dma_semaphore, #tpu.memory_space<semaphore_mem>>)
          %dma_wait3A = arith.constant 9984 : i32
          %dma_wait3A_38 = arith.constant 0 : i32
          %dma_wait3A_39 = tpu.memref_slice %arg6[%dma_wait3A, %dma_wait3A_38] : memref<10000x128xf32, #tpu.memory_space<hbm>> -> memref<16x128xf32, #tpu.memory_space<hbm>>
          %dma_wait3A_40 = arith.constant 9984 : i32
          %dma_wait3A_41 = arith.constant 0 : i32
          %dma_wait3A_42 = tpu.memref_slice %arg10[%dma_wait3A_40, %dma_wait3A_41] : memref<10000x128xf32, #tpu.memory_space<vmem_shared>> -> memref<16x128xf32, #tpu.memory_space<vmem_shared>>
          tpu.wait_dma2 semaphore(%run_scoped3A : memref<!tpu.dma_semaphore, #tpu.memory_space<semaphore_mem>>) src(%dma_wait3A_42 : memref<16x128xf32, #tpu.memory_space<vmem_shared>>) dst(%dma_wait3A_39 : memref<16x128xf32, #tpu.memory_space<hbm>>)
          tpu.yield
        }) : () -> ()
      } else {
      }
    } else {
    }
    %eq3A_19 = arith.constant 1 : i32
    %eq3A_20 = arith.cmpi eq, %arg0, %eq3A_19 : i32
    %convert_element_type3A_21 = arith.extui %eq3A_20 : i1 to i32
    %cond3A_22 = arith.constant 0 : i32
    %cond3A_23 = arith.cmpi ne, %convert_element_type3A_21, %cond3A_22 : i32
    scf.if %cond3A_23 {
      %mul3A_24 = arith.constant 624 : i32
      %mul3A_25 = arith.muli %arg1, %mul3A_24 : i32
      %mul3A_26 = arith.constant 624 : i32
      %mul3A_27 = arith.muli %arg1, %mul3A_26 : i32
      "tpu.region"() ({
        %run_scoped3A = tpu.sem_alloc : memref<!tpu.dma_semaphore, #tpu.memory_space<semaphore_mem>>
        %dma_start3A = arith.constant 0 : i32
        %dma_start3A_33 = tpu.memref_slice %arg7[%mul3A_27, %dma_start3A] : memref<10000x128xf32, #tpu.memory_space<hbm>> -> memref<624x128xf32, #tpu.memory_space<hbm>>
        %dma_start3A_34 = arith.constant 0 : i32
        %dma_start3A_35 = tpu.memref_slice %arg10[%mul3A_25, %dma_start3A_34] : memref<10000x128xf32, #tpu.memory_space<vmem_shared>> -> memref<624x128xf32, #tpu.memory_space<vmem_shared>>
        tpu.enqueue_dma source(%dma_start3A_35 : memref<624x128xf32, #tpu.memory_space<vmem_shared>>) target(%dma_start3A_33 : memref<624x128xf32, #tpu.memory_space<hbm>>) target_semaphore(%run_scoped3A : memref<!tpu.dma_semaphore, #tpu.memory_space<semaphore_mem>>)
        %dma_wait3A = arith.constant 0 : i32
        %dma_wait3A_36 = tpu.memref_slice %arg7[%mul3A_27, %dma_wait3A] : memref<10000x128xf32, #tpu.memory_space<hbm>> -> memref<624x128xf32, #tpu.memory_space<hbm>>
        %dma_wait3A_37 = arith.constant 0 : i32
        %dma_wait3A_38 = tpu.memref_slice %arg10[%mul3A_25, %dma_wait3A_37] : memref<10000x128xf32, #tpu.memory_space<vmem_shared>> -> memref<624x128xf32, #tpu.memory_space<vmem_shared>>
        tpu.wait_dma2 semaphore(%run_scoped3A : memref<!tpu.dma_semaphore, #tpu.memory_space<semaphore_mem>>) src(%dma_wait3A_38 : memref<624x128xf32, #tpu.memory_space<vmem_shared>>) dst(%dma_wait3A_36 : memref<624x128xf32, #tpu.memory_space<hbm>>)
        tpu.yield
      }) : () -> ()
      %eq3A_28 = arith.constant 15 : i32
      %eq3A_29 = arith.cmpi eq, %arg1, %eq3A_28 : i32
      %convert_element_type3A_30 = arith.extui %eq3A_29 : i1 to i32
      %cond3A_31 = arith.constant 0 : i32
      %cond3A_32 = arith.cmpi ne, %convert_element_type3A_30, %cond3A_31 : i32
      scf.if %cond3A_32 {
        "tpu.region"() ({
          %run_scoped3A = tpu.sem_alloc : memref<!tpu.dma_semaphore, #tpu.memory_space<semaphore_mem>>
          %dma_start3A = arith.constant 9984 : i32
          %dma_start3A_33 = arith.constant 0 : i32
          %dma_start3A_34 = tpu.memref_slice %arg7[%dma_start3A, %dma_start3A_33] : memref<10000x128xf32, #tpu.memory_space<hbm>> -> memref<16x128xf32, #tpu.memory_space<hbm>>
          %dma_start3A_35 = arith.constant 9984 : i32
          %dma_start3A_36 = arith.constant 0 : i32
          %dma_start3A_37 = tpu.memref_slice %arg10[%dma_start3A_35, %dma_start3A_36] : memref<10000x128xf32, #tpu.memory_space<vmem_shared>> -> memref<16x128xf32, #tpu.memory_space<vmem_shared>>
          tpu.enqueue_dma source(%dma_start3A_37 : memref<16x128xf32, #tpu.memory_space<vmem_shared>>) target(%dma_start3A_34 : memref<16x128xf32, #tpu.memory_space<hbm>>) target_semaphore(%run_scoped3A : memref<!tpu.dma_semaphore, #tpu.memory_space<semaphore_mem>>)
          %dma_wait3A = arith.constant 9984 : i32
          %dma_wait3A_38 = arith.constant 0 : i32
          %dma_wait3A_39 = tpu.memref_slice %arg7[%dma_wait3A, %dma_wait3A_38] : memref<10000x128xf32, #tpu.memory_space<hbm>> -> memref<16x128xf32, #tpu.memory_space<hbm>>
          %dma_wait3A_40 = arith.constant 9984 : i32
          %dma_wait3A_41 = arith.constant 0 : i32
          %dma_wait3A_42 = tpu.memref_slice %arg10[%dma_wait3A_40, %dma_wait3A_41] : memref<10000x128xf32, #tpu.memory_space<vmem_shared>> -> memref<16x128xf32, #tpu.memory_space<vmem_shared>>
          tpu.wait_dma2 semaphore(%run_scoped3A : memref<!tpu.dma_semaphore, #tpu.memory_space<semaphore_mem>>) src(%dma_wait3A_42 : memref<16x128xf32, #tpu.memory_space<vmem_shared>>) dst(%dma_wait3A_39 : memref<16x128xf32, #tpu.memory_space<hbm>>)
          tpu.yield
        }) : () -> ()
      } else {
      }
    } else {
    }
    return
  }
}

#map = affine_map<(d0, d1) -> (0, 0)>
#map1 = affine_map<(d0, d1) -> (0)>
module attributes {stable_mosaic.version = 14 : i64} {
  func.func @_sc_conv_body(%arg0: i32, %arg1: i32, %arg2: memref<10000x128xf32, #tpu.memory_space<hbm>>, %arg3: memref<10000x128xf32, #tpu.memory_space<hbm>>, %arg4: memref<160000xi32, #tpu.memory_space<hbm>>, %arg5: memref<160000xi32, #tpu.memory_space<hbm>>, %arg6: memref<624x128xf32, #tpu.memory_space<hbm>>, %arg7: memref<10000x128xf32, #tpu.memory_space<hbm>>, %arg8: memref<10000x128xf32, #tpu.memory_space<hbm>>, %arg9: memref<80xi32, #tpu.memory_space<vmem>>, %arg10: memref<80xi32, #tpu.memory_space<vmem>>, %arg11: memref<80x128xf32, #tpu.memory_space<vmem>>, %arg12: memref<10000x128xf32, #tpu.memory_space<vmem_shared>>, %arg13: memref<!tpu.dma_semaphore, #tpu.memory_space<semaphore_mem>>) attributes {dimension_semantics = [#tpu.dimension_semantics<core_parallel>, #tpu.dimension_semantics<subcore_parallel>], iteration_bounds = array<i64: 2, 16>, scalar_prefetch = 0 : i64, scratch_operands = 5 : i64, tpu.core_type = #tpu.core_type<sc_vector_subcore>, window_params = [{transform_indices = #map}, {transform_indices = #map}, {transform_indices = #map1}, {transform_indices = #map1}, {transform_indices = #map}, {transform_indices = #map}, {transform_indices = #map}]} {
    %mul3A = arith.constant 624 : i32
    %mul3A_0 = arith.muli %arg1, %mul3A : i32
    "tpu.region"() ({
      %run_scoped3A = tpu.sem_alloc : memref<!tpu.dma_semaphore, #tpu.memory_space<semaphore_mem>>
      %dma_start3A = arith.constant 0 : i32
      %dma_start3A_24 = tpu.memref_slice %arg12[%mul3A_0, %dma_start3A] : memref<10000x128xf32, #tpu.memory_space<vmem_shared>> -> memref<624x128xf32, #tpu.memory_space<vmem_shared>>
      tpu.enqueue_dma source(%arg6 : memref<624x128xf32, #tpu.memory_space<hbm>>) target(%dma_start3A_24 : memref<624x128xf32, #tpu.memory_space<vmem_shared>>) target_semaphore(%run_scoped3A : memref<!tpu.dma_semaphore, #tpu.memory_space<semaphore_mem>>)
      %dma_wait3A = arith.constant 0 : i32
      %dma_wait3A_25 = tpu.memref_slice %arg12[%mul3A_0, %dma_wait3A] : memref<10000x128xf32, #tpu.memory_space<vmem_shared>> -> memref<624x128xf32, #tpu.memory_space<vmem_shared>>
      tpu.wait_dma2 semaphore(%run_scoped3A : memref<!tpu.dma_semaphore, #tpu.memory_space<semaphore_mem>>) src(%arg6 : memref<624x128xf32, #tpu.memory_space<hbm>>) dst(%dma_wait3A_25 : memref<624x128xf32, #tpu.memory_space<vmem_shared>>)
      tpu.yield
    }) : () -> ()
    %eq3A = arith.constant 15 : i32
    %eq3A_1 = arith.cmpi eq, %arg1, %eq3A : i32
    %convert_element_type3A = arith.extui %eq3A_1 : i1 to i32
    %cond3A = arith.constant 0 : i32
    %cond3A_2 = arith.cmpi ne, %convert_element_type3A, %cond3A : i32
    scf.if %cond3A_2 {
      "tpu.region"() ({
        %run_scoped3A = tpu.sem_alloc : memref<!tpu.dma_semaphore, #tpu.memory_space<semaphore_mem>>
        %dma_start3A = arith.constant 9984 : i32
        %dma_start3A_24 = arith.constant 0 : i32
        %dma_start3A_25 = tpu.memref_slice %arg12[%dma_start3A, %dma_start3A_24] : memref<10000x128xf32, #tpu.memory_space<vmem_shared>> -> memref<16x128xf32, #tpu.memory_space<vmem_shared>>
        %dma_start3A_26 = arith.constant 0 : i32
        %dma_start3A_27 = arith.constant 0 : i32
        %dma_start3A_28 = tpu.memref_slice %arg6[%dma_start3A_26, %dma_start3A_27] : memref<624x128xf32, #tpu.memory_space<hbm>> -> memref<16x128xf32, #tpu.memory_space<hbm>>
        tpu.enqueue_dma source(%dma_start3A_28 : memref<16x128xf32, #tpu.memory_space<hbm>>) target(%dma_start3A_25 : memref<16x128xf32, #tpu.memory_space<vmem_shared>>) target_semaphore(%run_scoped3A : memref<!tpu.dma_semaphore, #tpu.memory_space<semaphore_mem>>)
        %dma_wait3A = arith.constant 9984 : i32
        %dma_wait3A_29 = arith.constant 0 : i32
        %dma_wait3A_30 = tpu.memref_slice %arg12[%dma_wait3A, %dma_wait3A_29] : memref<10000x128xf32, #tpu.memory_space<vmem_shared>> -> memref<16x128xf32, #tpu.memory_space<vmem_shared>>
        %dma_wait3A_31 = arith.constant 0 : i32
        %dma_wait3A_32 = arith.constant 0 : i32
        %dma_wait3A_33 = tpu.memref_slice %arg6[%dma_wait3A_31, %dma_wait3A_32] : memref<624x128xf32, #tpu.memory_space<hbm>> -> memref<16x128xf32, #tpu.memory_space<hbm>>
        tpu.wait_dma2 semaphore(%run_scoped3A : memref<!tpu.dma_semaphore, #tpu.memory_space<semaphore_mem>>) src(%dma_wait3A_33 : memref<16x128xf32, #tpu.memory_space<hbm>>) dst(%dma_wait3A_30 : memref<16x128xf32, #tpu.memory_space<vmem_shared>>)
        tpu.yield
      }) : () -> ()
    } else {
    }
    %barrier3A = arith.constant 0 : index
    tpu.barrier barrier_id(%barrier3A)
    %eq3A_3 = arith.constant 0 : i32
    %eq3A_4 = arith.cmpi eq, %arg0, %eq3A_3 : i32
    %convert_element_type3A_5 = arith.extui %eq3A_4 : i1 to i32
    %cond3A_6 = arith.constant 0 : i32
    %cond3A_7 = arith.cmpi ne, %convert_element_type3A_5, %cond3A_6 : i32
    scf.if %cond3A_7 {
      %scan3A = arith.constant 0 : i32
      %scan3A_24 = arith.constant 0 : i32
      %scan3A_25 = arith.constant 125 : i32
      %scan3A_26 = arith.addi %scan3A_24, %scan3A_25 : i32
      %scan3A_27 = arith.constant 1 : i32
      scf.for %scan3A_29 = %scan3A_24 to %scan3A_26 step %scan3A_27  : i32 {
        %mul3A_30 = arith.constant 10000 : i32
        %mul3A_31 = arith.muli %arg1, %mul3A_30 : i32
        %mul3A_32 = arith.constant 80 : i32
        %mul3A_33 = arith.muli %scan3A_29, %mul3A_32 : i32
        %add3A = arith.addi %mul3A_31, %mul3A_33 : i32
        "tpu.region"() ({
          %run_scoped3A = tpu.sem_alloc : memref<!tpu.dma_semaphore, #tpu.memory_space<semaphore_mem>>
          %dma_start3A_38 = tpu.memref_slice %arg4[%add3A] : memref<160000xi32, #tpu.memory_space<hbm>> -> memref<80xi32, #tpu.memory_space<hbm>>
          %dma_start3A_39 = tpu.memref_slice %arg4[%add3A] : memref<160000xi32, #tpu.memory_space<hbm>> -> memref<80xi32, #tpu.memory_space<hbm>>
          tpu.enqueue_dma source(%dma_start3A_39 : memref<80xi32, #tpu.memory_space<hbm>>) target(%arg9 : memref<80xi32, #tpu.memory_space<vmem>>) target_semaphore(%run_scoped3A : memref<!tpu.dma_semaphore, #tpu.memory_space<semaphore_mem>>)
          %dma_wait3A_40 = tpu.memref_slice %arg4[%add3A] : memref<160000xi32, #tpu.memory_space<hbm>> -> memref<80xi32, #tpu.memory_space<hbm>>
          %dma_wait3A_41 = tpu.memref_slice %arg4[%add3A] : memref<160000xi32, #tpu.memory_space<hbm>> -> memref<80xi32, #tpu.memory_space<hbm>>
          tpu.wait_dma2 semaphore(%run_scoped3A : memref<!tpu.dma_semaphore, #tpu.memory_space<semaphore_mem>>) src(%dma_wait3A_41 : memref<80xi32, #tpu.memory_space<hbm>>) dst(%arg9 : memref<80xi32, #tpu.memory_space<vmem>>)
          tpu.yield
        }) : () -> ()
        "tpu.region"() ({
          %run_scoped3A = tpu.sem_alloc : memref<!tpu.dma_semaphore, #tpu.memory_space<semaphore_mem>>
          %dma_start3A_38 = tpu.memref_slice %arg5[%add3A] : memref<160000xi32, #tpu.memory_space<hbm>> -> memref<80xi32, #tpu.memory_space<hbm>>
          %dma_start3A_39 = tpu.memref_slice %arg5[%add3A] : memref<160000xi32, #tpu.memory_space<hbm>> -> memref<80xi32, #tpu.memory_space<hbm>>
          tpu.enqueue_dma source(%dma_start3A_39 : memref<80xi32, #tpu.memory_space<hbm>>) target(%arg10 : memref<80xi32, #tpu.memory_space<vmem>>) target_semaphore(%run_scoped3A : memref<!tpu.dma_semaphore, #tpu.memory_space<semaphore_mem>>)
          %dma_wait3A_40 = tpu.memref_slice %arg5[%add3A] : memref<160000xi32, #tpu.memory_space<hbm>> -> memref<80xi32, #tpu.memory_space<hbm>>
          %dma_wait3A_41 = tpu.memref_slice %arg5[%add3A] : memref<160000xi32, #tpu.memory_space<hbm>> -> memref<80xi32, #tpu.memory_space<hbm>>
          tpu.wait_dma2 semaphore(%run_scoped3A : memref<!tpu.dma_semaphore, #tpu.memory_space<semaphore_mem>>) src(%dma_wait3A_41 : memref<80xi32, #tpu.memory_space<hbm>>) dst(%arg10 : memref<80xi32, #tpu.memory_space<vmem>>)
          tpu.yield
        }) : () -> ()
        %dma_start3A = arith.constant 0 : i32
        %dma_start3A_34 = arith.constant 0 : i32
        %dma_start3A_35 = tpu.memref_slice %arg2[%dma_start3A, %dma_start3A_34] : memref<10000x128xf32, #tpu.memory_space<hbm>> -> memref<10000x128xf32, #tpu.memory_space<hbm>>
        tpu.enqueue_indirect_dma source(%dma_start3A_35 : memref<10000x128xf32, #tpu.memory_space<hbm>>) target(%arg11 : memref<80x128xf32, #tpu.memory_space<vmem>>) offsets(%arg9 : memref<80xi32, #tpu.memory_space<vmem>>) semaphore(%arg13 : memref<!tpu.dma_semaphore, #tpu.memory_space<semaphore_mem>>)
        %dma_wait3A = arith.constant 0 : i32
        %dma_wait3A_36 = arith.constant 0 : i32
        %dma_wait3A_37 = tpu.memref_slice %arg2[%dma_wait3A, %dma_wait3A_36] : memref<10000x128xf32, #tpu.memory_space<hbm>> -> memref<10000x128xf32, #tpu.memory_space<hbm>>
        tpu.wait_indirect_dma semaphore(%arg13 : memref<!tpu.dma_semaphore, #tpu.memory_space<semaphore_mem>>) src(%dma_wait3A_37 : memref<10000x128xf32, #tpu.memory_space<hbm>>) dst(%arg11 : memref<80x128xf32, #tpu.memory_space<vmem>>)
        "tpu.region"() ({
          %run_scoped3A = tpu.sem_alloc : memref<!tpu.dma_semaphore, #tpu.memory_space<semaphore_mem>>
          %dma_start3A_38 = arith.constant 0 : i32
          %dma_start3A_39 = arith.constant 0 : i32
          %dma_start3A_40 = tpu.memref_slice %arg12[%dma_start3A_38, %dma_start3A_39] : memref<10000x128xf32, #tpu.memory_space<vmem_shared>> -> memref<10000x128xf32, #tpu.memory_space<vmem_shared>>
          tpu.enqueue_indirect_dma source(%arg11 : memref<80x128xf32, #tpu.memory_space<vmem>>) target(%dma_start3A_40 : memref<10000x128xf32, #tpu.memory_space<vmem_shared>>) offsets(%arg10 : memref<80xi32, #tpu.memory_space<vmem>>) semaphore(%run_scoped3A : memref<!tpu.dma_semaphore, #tpu.memory_space<semaphore_mem>>) {add = true}
          %dma_wait3A_41 = arith.constant 0 : i32
          %dma_wait3A_42 = arith.constant 0 : i32
          %dma_wait3A_43 = tpu.memref_slice %arg12[%dma_wait3A_41, %dma_wait3A_42] : memref<10000x128xf32, #tpu.memory_space<vmem_shared>> -> memref<10000x128xf32, #tpu.memory_space<vmem_shared>>
          tpu.wait_indirect_dma semaphore(%run_scoped3A : memref<!tpu.dma_semaphore, #tpu.memory_space<semaphore_mem>>) src(%arg11 : memref<80x128xf32, #tpu.memory_space<vmem>>) dst(%dma_wait3A_43 : memref<10000x128xf32, #tpu.memory_space<vmem_shared>>)
          tpu.yield
        }) : () -> ()
      }
      %scan3A_28 = arith.constant 125 : i32
    } else {
    }
    %eq3A_8 = arith.constant 1 : i32
    %eq3A_9 = arith.cmpi eq, %arg0, %eq3A_8 : i32
    %convert_element_type3A_10 = arith.extui %eq3A_9 : i1 to i32
    %cond3A_11 = arith.constant 0 : i32
    %cond3A_12 = arith.cmpi ne, %convert_element_type3A_10, %cond3A_11 : i32
    scf.if %cond3A_12 {
      %scan3A = arith.constant 0 : i32
      %scan3A_24 = arith.constant 0 : i32
      %scan3A_25 = arith.constant 125 : i32
      %scan3A_26 = arith.addi %scan3A_24, %scan3A_25 : i32
      %scan3A_27 = arith.constant 1 : i32
      scf.for %scan3A_29 = %scan3A_24 to %scan3A_26 step %scan3A_27  : i32 {
        %mul3A_30 = arith.constant 10000 : i32
        %mul3A_31 = arith.muli %arg1, %mul3A_30 : i32
        %mul3A_32 = arith.constant 80 : i32
        %mul3A_33 = arith.muli %scan3A_29, %mul3A_32 : i32
        %add3A = arith.addi %mul3A_31, %mul3A_33 : i32
        "tpu.region"() ({
          %run_scoped3A = tpu.sem_alloc : memref<!tpu.dma_semaphore, #tpu.memory_space<semaphore_mem>>
          %dma_start3A_38 = tpu.memref_slice %arg4[%add3A] : memref<160000xi32, #tpu.memory_space<hbm>> -> memref<80xi32, #tpu.memory_space<hbm>>
          %dma_start3A_39 = tpu.memref_slice %arg4[%add3A] : memref<160000xi32, #tpu.memory_space<hbm>> -> memref<80xi32, #tpu.memory_space<hbm>>
          tpu.enqueue_dma source(%dma_start3A_39 : memref<80xi32, #tpu.memory_space<hbm>>) target(%arg9 : memref<80xi32, #tpu.memory_space<vmem>>) target_semaphore(%run_scoped3A : memref<!tpu.dma_semaphore, #tpu.memory_space<semaphore_mem>>)
          %dma_wait3A_40 = tpu.memref_slice %arg4[%add3A] : memref<160000xi32, #tpu.memory_space<hbm>> -> memref<80xi32, #tpu.memory_space<hbm>>
          %dma_wait3A_41 = tpu.memref_slice %arg4[%add3A] : memref<160000xi32, #tpu.memory_space<hbm>> -> memref<80xi32, #tpu.memory_space<hbm>>
          tpu.wait_dma2 semaphore(%run_scoped3A : memref<!tpu.dma_semaphore, #tpu.memory_space<semaphore_mem>>) src(%dma_wait3A_41 : memref<80xi32, #tpu.memory_space<hbm>>) dst(%arg9 : memref<80xi32, #tpu.memory_space<vmem>>)
          tpu.yield
        }) : () -> ()
        "tpu.region"() ({
          %run_scoped3A = tpu.sem_alloc : memref<!tpu.dma_semaphore, #tpu.memory_space<semaphore_mem>>
          %dma_start3A_38 = tpu.memref_slice %arg5[%add3A] : memref<160000xi32, #tpu.memory_space<hbm>> -> memref<80xi32, #tpu.memory_space<hbm>>
          %dma_start3A_39 = tpu.memref_slice %arg5[%add3A] : memref<160000xi32, #tpu.memory_space<hbm>> -> memref<80xi32, #tpu.memory_space<hbm>>
          tpu.enqueue_dma source(%dma_start3A_39 : memref<80xi32, #tpu.memory_space<hbm>>) target(%arg10 : memref<80xi32, #tpu.memory_space<vmem>>) target_semaphore(%run_scoped3A : memref<!tpu.dma_semaphore, #tpu.memory_space<semaphore_mem>>)
          %dma_wait3A_40 = tpu.memref_slice %arg5[%add3A] : memref<160000xi32, #tpu.memory_space<hbm>> -> memref<80xi32, #tpu.memory_space<hbm>>
          %dma_wait3A_41 = tpu.memref_slice %arg5[%add3A] : memref<160000xi32, #tpu.memory_space<hbm>> -> memref<80xi32, #tpu.memory_space<hbm>>
          tpu.wait_dma2 semaphore(%run_scoped3A : memref<!tpu.dma_semaphore, #tpu.memory_space<semaphore_mem>>) src(%dma_wait3A_41 : memref<80xi32, #tpu.memory_space<hbm>>) dst(%arg10 : memref<80xi32, #tpu.memory_space<vmem>>)
          tpu.yield
        }) : () -> ()
        %dma_start3A = arith.constant 0 : i32
        %dma_start3A_34 = arith.constant 0 : i32
        %dma_start3A_35 = tpu.memref_slice %arg3[%dma_start3A, %dma_start3A_34] : memref<10000x128xf32, #tpu.memory_space<hbm>> -> memref<10000x128xf32, #tpu.memory_space<hbm>>
        tpu.enqueue_indirect_dma source(%dma_start3A_35 : memref<10000x128xf32, #tpu.memory_space<hbm>>) target(%arg11 : memref<80x128xf32, #tpu.memory_space<vmem>>) offsets(%arg9 : memref<80xi32, #tpu.memory_space<vmem>>) semaphore(%arg13 : memref<!tpu.dma_semaphore, #tpu.memory_space<semaphore_mem>>)
        %dma_wait3A = arith.constant 0 : i32
        %dma_wait3A_36 = arith.constant 0 : i32
        %dma_wait3A_37 = tpu.memref_slice %arg3[%dma_wait3A, %dma_wait3A_36] : memref<10000x128xf32, #tpu.memory_space<hbm>> -> memref<10000x128xf32, #tpu.memory_space<hbm>>
        tpu.wait_indirect_dma semaphore(%arg13 : memref<!tpu.dma_semaphore, #tpu.memory_space<semaphore_mem>>) src(%dma_wait3A_37 : memref<10000x128xf32, #tpu.memory_space<hbm>>) dst(%arg11 : memref<80x128xf32, #tpu.memory_space<vmem>>)
        "tpu.region"() ({
          %run_scoped3A = tpu.sem_alloc : memref<!tpu.dma_semaphore, #tpu.memory_space<semaphore_mem>>
          %dma_start3A_38 = arith.constant 0 : i32
          %dma_start3A_39 = arith.constant 0 : i32
          %dma_start3A_40 = tpu.memref_slice %arg12[%dma_start3A_38, %dma_start3A_39] : memref<10000x128xf32, #tpu.memory_space<vmem_shared>> -> memref<10000x128xf32, #tpu.memory_space<vmem_shared>>
          tpu.enqueue_indirect_dma source(%arg11 : memref<80x128xf32, #tpu.memory_space<vmem>>) target(%dma_start3A_40 : memref<10000x128xf32, #tpu.memory_space<vmem_shared>>) offsets(%arg10 : memref<80xi32, #tpu.memory_space<vmem>>) semaphore(%run_scoped3A : memref<!tpu.dma_semaphore, #tpu.memory_space<semaphore_mem>>) {add = true}
          %dma_wait3A_41 = arith.constant 0 : i32
          %dma_wait3A_42 = arith.constant 0 : i32
          %dma_wait3A_43 = tpu.memref_slice %arg12[%dma_wait3A_41, %dma_wait3A_42] : memref<10000x128xf32, #tpu.memory_space<vmem_shared>> -> memref<10000x128xf32, #tpu.memory_space<vmem_shared>>
          tpu.wait_indirect_dma semaphore(%run_scoped3A : memref<!tpu.dma_semaphore, #tpu.memory_space<semaphore_mem>>) src(%arg11 : memref<80x128xf32, #tpu.memory_space<vmem>>) dst(%dma_wait3A_43 : memref<10000x128xf32, #tpu.memory_space<vmem_shared>>)
          tpu.yield
        }) : () -> ()
      }
      %scan3A_28 = arith.constant 125 : i32
    } else {
    }
    %barrier3A_13 = arith.constant 0 : index
    tpu.barrier barrier_id(%barrier3A_13)
    %eq3A_14 = arith.constant 0 : i32
    %eq3A_15 = arith.cmpi eq, %arg0, %eq3A_14 : i32
    %convert_element_type3A_16 = arith.extui %eq3A_15 : i1 to i32
    %cond3A_17 = arith.constant 0 : i32
    %cond3A_18 = arith.cmpi ne, %convert_element_type3A_16, %cond3A_17 : i32
    scf.if %cond3A_18 {
      %mul3A_24 = arith.constant 624 : i32
      %mul3A_25 = arith.muli %arg1, %mul3A_24 : i32
      %mul3A_26 = arith.constant 624 : i32
      %mul3A_27 = arith.muli %arg1, %mul3A_26 : i32
      "tpu.region"() ({
        %run_scoped3A = tpu.sem_alloc : memref<!tpu.dma_semaphore, #tpu.memory_space<semaphore_mem>>
        %dma_start3A = arith.constant 0 : i32
        %dma_start3A_33 = tpu.memref_slice %arg7[%mul3A_27, %dma_start3A] : memref<10000x128xf32, #tpu.memory_space<hbm>> -> memref<624x128xf32, #tpu.memory_space<hbm>>
        %dma_start3A_34 = arith.constant 0 : i32
        %dma_start3A_35 = tpu.memref_slice %arg12[%mul3A_25, %dma_start3A_34] : memref<10000x128xf32, #tpu.memory_space<vmem_shared>> -> memref<624x128xf32, #tpu.memory_space<vmem_shared>>
        tpu.enqueue_dma source(%dma_start3A_35 : memref<624x128xf32, #tpu.memory_space<vmem_shared>>) target(%dma_start3A_33 : memref<624x128xf32, #tpu.memory_space<hbm>>) target_semaphore(%run_scoped3A : memref<!tpu.dma_semaphore, #tpu.memory_space<semaphore_mem>>)
        %dma_wait3A = arith.constant 0 : i32
        %dma_wait3A_36 = tpu.memref_slice %arg7[%mul3A_27, %dma_wait3A] : memref<10000x128xf32, #tpu.memory_space<hbm>> -> memref<624x128xf32, #tpu.memory_space<hbm>>
        %dma_wait3A_37 = arith.constant 0 : i32
        %dma_wait3A_38 = tpu.memref_slice %arg12[%mul3A_25, %dma_wait3A_37] : memref<10000x128xf32, #tpu.memory_space<vmem_shared>> -> memref<624x128xf32, #tpu.memory_space<vmem_shared>>
        tpu.wait_dma2 semaphore(%run_scoped3A : memref<!tpu.dma_semaphore, #tpu.memory_space<semaphore_mem>>) src(%dma_wait3A_38 : memref<624x128xf32, #tpu.memory_space<vmem_shared>>) dst(%dma_wait3A_36 : memref<624x128xf32, #tpu.memory_space<hbm>>)
        tpu.yield
      }) : () -> ()
      %eq3A_28 = arith.constant 15 : i32
      %eq3A_29 = arith.cmpi eq, %arg1, %eq3A_28 : i32
      %convert_element_type3A_30 = arith.extui %eq3A_29 : i1 to i32
      %cond3A_31 = arith.constant 0 : i32
      %cond3A_32 = arith.cmpi ne, %convert_element_type3A_30, %cond3A_31 : i32
      scf.if %cond3A_32 {
        "tpu.region"() ({
          %run_scoped3A = tpu.sem_alloc : memref<!tpu.dma_semaphore, #tpu.memory_space<semaphore_mem>>
          %dma_start3A = arith.constant 9984 : i32
          %dma_start3A_33 = arith.constant 0 : i32
          %dma_start3A_34 = tpu.memref_slice %arg7[%dma_start3A, %dma_start3A_33] : memref<10000x128xf32, #tpu.memory_space<hbm>> -> memref<16x128xf32, #tpu.memory_space<hbm>>
          %dma_start3A_35 = arith.constant 9984 : i32
          %dma_start3A_36 = arith.constant 0 : i32
          %dma_start3A_37 = tpu.memref_slice %arg12[%dma_start3A_35, %dma_start3A_36] : memref<10000x128xf32, #tpu.memory_space<vmem_shared>> -> memref<16x128xf32, #tpu.memory_space<vmem_shared>>
          tpu.enqueue_dma source(%dma_start3A_37 : memref<16x128xf32, #tpu.memory_space<vmem_shared>>) target(%dma_start3A_34 : memref<16x128xf32, #tpu.memory_space<hbm>>) target_semaphore(%run_scoped3A : memref<!tpu.dma_semaphore, #tpu.memory_space<semaphore_mem>>)
          %dma_wait3A = arith.constant 9984 : i32
          %dma_wait3A_38 = arith.constant 0 : i32
          %dma_wait3A_39 = tpu.memref_slice %arg7[%dma_wait3A, %dma_wait3A_38] : memref<10000x128xf32, #tpu.memory_space<hbm>> -> memref<16x128xf32, #tpu.memory_space<hbm>>
          %dma_wait3A_40 = arith.constant 9984 : i32
          %dma_wait3A_41 = arith.constant 0 : i32
          %dma_wait3A_42 = tpu.memref_slice %arg12[%dma_wait3A_40, %dma_wait3A_41] : memref<10000x128xf32, #tpu.memory_space<vmem_shared>> -> memref<16x128xf32, #tpu.memory_space<vmem_shared>>
          tpu.wait_dma2 semaphore(%run_scoped3A : memref<!tpu.dma_semaphore, #tpu.memory_space<semaphore_mem>>) src(%dma_wait3A_42 : memref<16x128xf32, #tpu.memory_space<vmem_shared>>) dst(%dma_wait3A_39 : memref<16x128xf32, #tpu.memory_space<hbm>>)
          tpu.yield
        }) : () -> ()
      } else {
      }
    } else {
    }
    %eq3A_19 = arith.constant 1 : i32
    %eq3A_20 = arith.cmpi eq, %arg0, %eq3A_19 : i32
    %convert_element_type3A_21 = arith.extui %eq3A_20 : i1 to i32
    %cond3A_22 = arith.constant 0 : i32
    %cond3A_23 = arith.cmpi ne, %convert_element_type3A_21, %cond3A_22 : i32
    scf.if %cond3A_23 {
      %mul3A_24 = arith.constant 624 : i32
      %mul3A_25 = arith.muli %arg1, %mul3A_24 : i32
      %mul3A_26 = arith.constant 624 : i32
      %mul3A_27 = arith.muli %arg1, %mul3A_26 : i32
      "tpu.region"() ({
        %run_scoped3A = tpu.sem_alloc : memref<!tpu.dma_semaphore, #tpu.memory_space<semaphore_mem>>
        %dma_start3A = arith.constant 0 : i32
        %dma_start3A_33 = tpu.memref_slice %arg8[%mul3A_27, %dma_start3A] : memref<10000x128xf32, #tpu.memory_space<hbm>> -> memref<624x128xf32, #tpu.memory_space<hbm>>
        %dma_start3A_34 = arith.constant 0 : i32
        %dma_start3A_35 = tpu.memref_slice %arg12[%mul3A_25, %dma_start3A_34] : memref<10000x128xf32, #tpu.memory_space<vmem_shared>> -> memref<624x128xf32, #tpu.memory_space<vmem_shared>>
        tpu.enqueue_dma source(%dma_start3A_35 : memref<624x128xf32, #tpu.memory_space<vmem_shared>>) target(%dma_start3A_33 : memref<624x128xf32, #tpu.memory_space<hbm>>) target_semaphore(%run_scoped3A : memref<!tpu.dma_semaphore, #tpu.memory_space<semaphore_mem>>)
        %dma_wait3A = arith.constant 0 : i32
        %dma_wait3A_36 = tpu.memref_slice %arg8[%mul3A_27, %dma_wait3A] : memref<10000x128xf32, #tpu.memory_space<hbm>> -> memref<624x128xf32, #tpu.memory_space<hbm>>
        %dma_wait3A_37 = arith.constant 0 : i32
        %dma_wait3A_38 = tpu.memref_slice %arg12[%mul3A_25, %dma_wait3A_37] : memref<10000x128xf32, #tpu.memory_space<vmem_shared>> -> memref<624x128xf32, #tpu.memory_space<vmem_shared>>
        tpu.wait_dma2 semaphore(%run_scoped3A : memref<!tpu.dma_semaphore, #tpu.memory_space<semaphore_mem>>) src(%dma_wait3A_38 : memref<624x128xf32, #tpu.memory_space<vmem_shared>>) dst(%dma_wait3A_36 : memref<624x128xf32, #tpu.memory_space<hbm>>)
        tpu.yield
      }) : () -> ()
      %eq3A_28 = arith.constant 15 : i32
      %eq3A_29 = arith.cmpi eq, %arg1, %eq3A_28 : i32
      %convert_element_type3A_30 = arith.extui %eq3A_29 : i1 to i32
      %cond3A_31 = arith.constant 0 : i32
      %cond3A_32 = arith.cmpi ne, %convert_element_type3A_30, %cond3A_31 : i32
      scf.if %cond3A_32 {
        "tpu.region"() ({
          %run_scoped3A = tpu.sem_alloc : memref<!tpu.dma_semaphore, #tpu.memory_space<semaphore_mem>>
          %dma_start3A = arith.constant 9984 : i32
          %dma_start3A_33 = arith.constant 0 : i32
          %dma_start3A_34 = tpu.memref_slice %arg8[%dma_start3A, %dma_start3A_33] : memref<10000x128xf32, #tpu.memory_space<hbm>> -> memref<16x128xf32, #tpu.memory_space<hbm>>
          %dma_start3A_35 = arith.constant 9984 : i32
          %dma_start3A_36 = arith.constant 0 : i32
          %dma_start3A_37 = tpu.memref_slice %arg12[%dma_start3A_35, %dma_start3A_36] : memref<10000x128xf32, #tpu.memory_space<vmem_shared>> -> memref<16x128xf32, #tpu.memory_space<vmem_shared>>
          tpu.enqueue_dma source(%dma_start3A_37 : memref<16x128xf32, #tpu.memory_space<vmem_shared>>) target(%dma_start3A_34 : memref<16x128xf32, #tpu.memory_space<hbm>>) target_semaphore(%run_scoped3A : memref<!tpu.dma_semaphore, #tpu.memory_space<semaphore_mem>>)
          %dma_wait3A = arith.constant 9984 : i32
          %dma_wait3A_38 = arith.constant 0 : i32
          %dma_wait3A_39 = tpu.memref_slice %arg8[%dma_wait3A, %dma_wait3A_38] : memref<10000x128xf32, #tpu.memory_space<hbm>> -> memref<16x128xf32, #tpu.memory_space<hbm>>
          %dma_wait3A_40 = arith.constant 9984 : i32
          %dma_wait3A_41 = arith.constant 0 : i32
          %dma_wait3A_42 = tpu.memref_slice %arg12[%dma_wait3A_40, %dma_wait3A_41] : memref<10000x128xf32, #tpu.memory_space<vmem_shared>> -> memref<16x128xf32, #tpu.memory_space<vmem_shared>>
          tpu.wait_dma2 semaphore(%run_scoped3A : memref<!tpu.dma_semaphore, #tpu.memory_space<semaphore_mem>>) src(%dma_wait3A_42 : memref<16x128xf32, #tpu.memory_space<vmem_shared>>) dst(%dma_wait3A_39 : memref<16x128xf32, #tpu.memory_space<hbm>>)
          tpu.yield
        }) : () -> ()
      } else {
      }
    } else {
    }
    return
  }
}

#map = affine_map<(d0, d1) -> (0, 0)>
#map1 = affine_map<(d0, d1) -> (0)>
module attributes {stable_mosaic.version = 14 : i64} {
  func.func @_sc_conv_body(%arg0: i32, %arg1: i32, %arg2: memref<10000x128xf32, #tpu.memory_space<hbm>>, %arg3: memref<10000x128xf32, #tpu.memory_space<hbm>>, %arg4: memref<160000xi32, #tpu.memory_space<hbm>>, %arg5: memref<160000xi32, #tpu.memory_space<hbm>>, %arg6: memref<624x128xf32, #tpu.memory_space<hbm>>, %arg7: memref<10000x128xf32, #tpu.memory_space<hbm>>, %arg8: memref<10000x128xf32, #tpu.memory_space<hbm>>, %arg9: memref<80xi32, #tpu.memory_space<vmem>>, %arg10: memref<80xi32, #tpu.memory_space<vmem>>, %arg11: memref<80x128xf32, #tpu.memory_space<vmem>>, %arg12: memref<10000x128xf32, #tpu.memory_space<vmem_shared>>, %arg13: memref<!tpu.dma_semaphore, #tpu.memory_space<semaphore_mem>>) attributes {dimension_semantics = [#tpu.dimension_semantics<core_parallel>, #tpu.dimension_semantics<subcore_parallel>], iteration_bounds = array<i64: 2, 16>, scalar_prefetch = 0 : i64, scratch_operands = 5 : i64, tpu.core_type = #tpu.core_type<sc_vector_subcore>, window_params = [{transform_indices = #map}, {transform_indices = #map}, {transform_indices = #map1}, {transform_indices = #map1}, {transform_indices = #map}, {transform_indices = #map}, {transform_indices = #map}]} {
    %mul3A = arith.constant 624 : i32
    %mul3A_0 = arith.muli %arg1, %mul3A : i32
    "tpu.region"() ({
      %run_scoped3A = tpu.sem_alloc : memref<!tpu.dma_semaphore, #tpu.memory_space<semaphore_mem>>
      %dma_start3A = arith.constant 0 : i32
      %dma_start3A_24 = tpu.memref_slice %arg12[%mul3A_0, %dma_start3A] : memref<10000x128xf32, #tpu.memory_space<vmem_shared>> -> memref<624x128xf32, #tpu.memory_space<vmem_shared>>
      tpu.enqueue_dma source(%arg6 : memref<624x128xf32, #tpu.memory_space<hbm>>) target(%dma_start3A_24 : memref<624x128xf32, #tpu.memory_space<vmem_shared>>) target_semaphore(%run_scoped3A : memref<!tpu.dma_semaphore, #tpu.memory_space<semaphore_mem>>)
      %dma_wait3A = arith.constant 0 : i32
      %dma_wait3A_25 = tpu.memref_slice %arg12[%mul3A_0, %dma_wait3A] : memref<10000x128xf32, #tpu.memory_space<vmem_shared>> -> memref<624x128xf32, #tpu.memory_space<vmem_shared>>
      tpu.wait_dma2 semaphore(%run_scoped3A : memref<!tpu.dma_semaphore, #tpu.memory_space<semaphore_mem>>) src(%arg6 : memref<624x128xf32, #tpu.memory_space<hbm>>) dst(%dma_wait3A_25 : memref<624x128xf32, #tpu.memory_space<vmem_shared>>)
      tpu.yield
    }) : () -> ()
    %eq3A = arith.constant 15 : i32
    %eq3A_1 = arith.cmpi eq, %arg1, %eq3A : i32
    %convert_element_type3A = arith.extui %eq3A_1 : i1 to i32
    %cond3A = arith.constant 0 : i32
    %cond3A_2 = arith.cmpi ne, %convert_element_type3A, %cond3A : i32
    scf.if %cond3A_2 {
      "tpu.region"() ({
        %run_scoped3A = tpu.sem_alloc : memref<!tpu.dma_semaphore, #tpu.memory_space<semaphore_mem>>
        %dma_start3A = arith.constant 9984 : i32
        %dma_start3A_24 = arith.constant 0 : i32
        %dma_start3A_25 = tpu.memref_slice %arg12[%dma_start3A, %dma_start3A_24] : memref<10000x128xf32, #tpu.memory_space<vmem_shared>> -> memref<16x128xf32, #tpu.memory_space<vmem_shared>>
        %dma_start3A_26 = arith.constant 0 : i32
        %dma_start3A_27 = arith.constant 0 : i32
        %dma_start3A_28 = tpu.memref_slice %arg6[%dma_start3A_26, %dma_start3A_27] : memref<624x128xf32, #tpu.memory_space<hbm>> -> memref<16x128xf32, #tpu.memory_space<hbm>>
        tpu.enqueue_dma source(%dma_start3A_28 : memref<16x128xf32, #tpu.memory_space<hbm>>) target(%dma_start3A_25 : memref<16x128xf32, #tpu.memory_space<vmem_shared>>) target_semaphore(%run_scoped3A : memref<!tpu.dma_semaphore, #tpu.memory_space<semaphore_mem>>)
        %dma_wait3A = arith.constant 9984 : i32
        %dma_wait3A_29 = arith.constant 0 : i32
        %dma_wait3A_30 = tpu.memref_slice %arg12[%dma_wait3A, %dma_wait3A_29] : memref<10000x128xf32, #tpu.memory_space<vmem_shared>> -> memref<16x128xf32, #tpu.memory_space<vmem_shared>>
        %dma_wait3A_31 = arith.constant 0 : i32
        %dma_wait3A_32 = arith.constant 0 : i32
        %dma_wait3A_33 = tpu.memref_slice %arg6[%dma_wait3A_31, %dma_wait3A_32] : memref<624x128xf32, #tpu.memory_space<hbm>> -> memref<16x128xf32, #tpu.memory_space<hbm>>
        tpu.wait_dma2 semaphore(%run_scoped3A : memref<!tpu.dma_semaphore, #tpu.memory_space<semaphore_mem>>) src(%dma_wait3A_33 : memref<16x128xf32, #tpu.memory_space<hbm>>) dst(%dma_wait3A_30 : memref<16x128xf32, #tpu.memory_space<vmem_shared>>)
        tpu.yield
      }) : () -> ()
    } else {
    }
    %barrier3A = arith.constant 0 : index
    tpu.barrier barrier_id(%barrier3A)
    %eq3A_3 = arith.constant 0 : i32
    %eq3A_4 = arith.cmpi eq, %arg0, %eq3A_3 : i32
    %convert_element_type3A_5 = arith.extui %eq3A_4 : i1 to i32
    %cond3A_6 = arith.constant 0 : i32
    %cond3A_7 = arith.cmpi ne, %convert_element_type3A_5, %cond3A_6 : i32
    scf.if %cond3A_7 {
      %scan3A = arith.constant 0 : i32
      %scan3A_24 = arith.constant 0 : i32
      %scan3A_25 = arith.constant 125 : i32
      %scan3A_26 = arith.addi %scan3A_24, %scan3A_25 : i32
      %scan3A_27 = arith.constant 1 : i32
      scf.for %scan3A_29 = %scan3A_24 to %scan3A_26 step %scan3A_27  : i32 {
        %mul3A_30 = arith.constant 10000 : i32
        %mul3A_31 = arith.muli %arg1, %mul3A_30 : i32
        %mul3A_32 = arith.constant 80 : i32
        %mul3A_33 = arith.muli %scan3A_29, %mul3A_32 : i32
        %add3A = arith.addi %mul3A_31, %mul3A_33 : i32
        "tpu.region"() ({
          %run_scoped3A = tpu.sem_alloc : memref<!tpu.dma_semaphore, #tpu.memory_space<semaphore_mem>>
          %dma_start3A_38 = tpu.memref_slice %arg4[%add3A] : memref<160000xi32, #tpu.memory_space<hbm>> -> memref<80xi32, #tpu.memory_space<hbm>>
          %dma_start3A_39 = tpu.memref_slice %arg4[%add3A] : memref<160000xi32, #tpu.memory_space<hbm>> -> memref<80xi32, #tpu.memory_space<hbm>>
          tpu.enqueue_dma source(%dma_start3A_39 : memref<80xi32, #tpu.memory_space<hbm>>) target(%arg9 : memref<80xi32, #tpu.memory_space<vmem>>) target_semaphore(%run_scoped3A : memref<!tpu.dma_semaphore, #tpu.memory_space<semaphore_mem>>)
          %dma_wait3A_40 = tpu.memref_slice %arg4[%add3A] : memref<160000xi32, #tpu.memory_space<hbm>> -> memref<80xi32, #tpu.memory_space<hbm>>
          %dma_wait3A_41 = tpu.memref_slice %arg4[%add3A] : memref<160000xi32, #tpu.memory_space<hbm>> -> memref<80xi32, #tpu.memory_space<hbm>>
          tpu.wait_dma2 semaphore(%run_scoped3A : memref<!tpu.dma_semaphore, #tpu.memory_space<semaphore_mem>>) src(%dma_wait3A_41 : memref<80xi32, #tpu.memory_space<hbm>>) dst(%arg9 : memref<80xi32, #tpu.memory_space<vmem>>)
          tpu.yield
        }) : () -> ()
        "tpu.region"() ({
          %run_scoped3A = tpu.sem_alloc : memref<!tpu.dma_semaphore, #tpu.memory_space<semaphore_mem>>
          %dma_start3A_38 = tpu.memref_slice %arg5[%add3A] : memref<160000xi32, #tpu.memory_space<hbm>> -> memref<80xi32, #tpu.memory_space<hbm>>
          %dma_start3A_39 = tpu.memref_slice %arg5[%add3A] : memref<160000xi32, #tpu.memory_space<hbm>> -> memref<80xi32, #tpu.memory_space<hbm>>
          tpu.enqueue_dma source(%dma_start3A_39 : memref<80xi32, #tpu.memory_space<hbm>>) target(%arg10 : memref<80xi32, #tpu.memory_space<vmem>>) target_semaphore(%run_scoped3A : memref<!tpu.dma_semaphore, #tpu.memory_space<semaphore_mem>>)
          %dma_wait3A_40 = tpu.memref_slice %arg5[%add3A] : memref<160000xi32, #tpu.memory_space<hbm>> -> memref<80xi32, #tpu.memory_space<hbm>>
          %dma_wait3A_41 = tpu.memref_slice %arg5[%add3A] : memref<160000xi32, #tpu.memory_space<hbm>> -> memref<80xi32, #tpu.memory_space<hbm>>
          tpu.wait_dma2 semaphore(%run_scoped3A : memref<!tpu.dma_semaphore, #tpu.memory_space<semaphore_mem>>) src(%dma_wait3A_41 : memref<80xi32, #tpu.memory_space<hbm>>) dst(%arg10 : memref<80xi32, #tpu.memory_space<vmem>>)
          tpu.yield
        }) : () -> ()
        %dma_start3A = arith.constant 0 : i32
        %dma_start3A_34 = arith.constant 0 : i32
        %dma_start3A_35 = tpu.memref_slice %arg2[%dma_start3A, %dma_start3A_34] : memref<10000x128xf32, #tpu.memory_space<hbm>> -> memref<10000x128xf32, #tpu.memory_space<hbm>>
        tpu.enqueue_indirect_dma source(%dma_start3A_35 : memref<10000x128xf32, #tpu.memory_space<hbm>>) target(%arg11 : memref<80x128xf32, #tpu.memory_space<vmem>>) offsets(%arg9 : memref<80xi32, #tpu.memory_space<vmem>>) semaphore(%arg13 : memref<!tpu.dma_semaphore, #tpu.memory_space<semaphore_mem>>)
        %dma_wait3A = arith.constant 0 : i32
        %dma_wait3A_36 = arith.constant 0 : i32
        %dma_wait3A_37 = tpu.memref_slice %arg2[%dma_wait3A, %dma_wait3A_36] : memref<10000x128xf32, #tpu.memory_space<hbm>> -> memref<10000x128xf32, #tpu.memory_space<hbm>>
        tpu.wait_indirect_dma semaphore(%arg13 : memref<!tpu.dma_semaphore, #tpu.memory_space<semaphore_mem>>) src(%dma_wait3A_37 : memref<10000x128xf32, #tpu.memory_space<hbm>>) dst(%arg11 : memref<80x128xf32, #tpu.memory_space<vmem>>)
        "tpu.region"() ({
          %run_scoped3A = tpu.sem_alloc : memref<!tpu.dma_semaphore, #tpu.memory_space<semaphore_mem>>
          %dma_start3A_38 = arith.constant 0 : i32
          %dma_start3A_39 = arith.constant 0 : i32
          %dma_start3A_40 = tpu.memref_slice %arg12[%dma_start3A_38, %dma_start3A_39] : memref<10000x128xf32, #tpu.memory_space<vmem_shared>> -> memref<10000x128xf32, #tpu.memory_space<vmem_shared>>
          tpu.enqueue_indirect_dma source(%arg11 : memref<80x128xf32, #tpu.memory_space<vmem>>) target(%dma_start3A_40 : memref<10000x128xf32, #tpu.memory_space<vmem_shared>>) offsets(%arg10 : memref<80xi32, #tpu.memory_space<vmem>>) semaphore(%run_scoped3A : memref<!tpu.dma_semaphore, #tpu.memory_space<semaphore_mem>>) {add = true}
          %dma_wait3A_41 = arith.constant 0 : i32
          %dma_wait3A_42 = arith.constant 0 : i32
          %dma_wait3A_43 = tpu.memref_slice %arg12[%dma_wait3A_41, %dma_wait3A_42] : memref<10000x128xf32, #tpu.memory_space<vmem_shared>> -> memref<10000x128xf32, #tpu.memory_space<vmem_shared>>
          tpu.wait_indirect_dma semaphore(%run_scoped3A : memref<!tpu.dma_semaphore, #tpu.memory_space<semaphore_mem>>) src(%arg11 : memref<80x128xf32, #tpu.memory_space<vmem>>) dst(%dma_wait3A_43 : memref<10000x128xf32, #tpu.memory_space<vmem_shared>>)
          tpu.yield
        }) : () -> ()
      }
      %scan3A_28 = arith.constant 125 : i32
    } else {
    }
    %eq3A_8 = arith.constant 1 : i32
    %eq3A_9 = arith.cmpi eq, %arg0, %eq3A_8 : i32
    %convert_element_type3A_10 = arith.extui %eq3A_9 : i1 to i32
    %cond3A_11 = arith.constant 0 : i32
    %cond3A_12 = arith.cmpi ne, %convert_element_type3A_10, %cond3A_11 : i32
    scf.if %cond3A_12 {
      %scan3A = arith.constant 0 : i32
      %scan3A_24 = arith.constant 0 : i32
      %scan3A_25 = arith.constant 125 : i32
      %scan3A_26 = arith.addi %scan3A_24, %scan3A_25 : i32
      %scan3A_27 = arith.constant 1 : i32
      scf.for %scan3A_29 = %scan3A_24 to %scan3A_26 step %scan3A_27  : i32 {
        %mul3A_30 = arith.constant 10000 : i32
        %mul3A_31 = arith.muli %arg1, %mul3A_30 : i32
        %mul3A_32 = arith.constant 80 : i32
        %mul3A_33 = arith.muli %scan3A_29, %mul3A_32 : i32
        %add3A = arith.addi %mul3A_31, %mul3A_33 : i32
        "tpu.region"() ({
          %run_scoped3A = tpu.sem_alloc : memref<!tpu.dma_semaphore, #tpu.memory_space<semaphore_mem>>
          %dma_start3A_38 = tpu.memref_slice %arg4[%add3A] : memref<160000xi32, #tpu.memory_space<hbm>> -> memref<80xi32, #tpu.memory_space<hbm>>
          %dma_start3A_39 = tpu.memref_slice %arg4[%add3A] : memref<160000xi32, #tpu.memory_space<hbm>> -> memref<80xi32, #tpu.memory_space<hbm>>
          tpu.enqueue_dma source(%dma_start3A_39 : memref<80xi32, #tpu.memory_space<hbm>>) target(%arg9 : memref<80xi32, #tpu.memory_space<vmem>>) target_semaphore(%run_scoped3A : memref<!tpu.dma_semaphore, #tpu.memory_space<semaphore_mem>>)
          %dma_wait3A_40 = tpu.memref_slice %arg4[%add3A] : memref<160000xi32, #tpu.memory_space<hbm>> -> memref<80xi32, #tpu.memory_space<hbm>>
          %dma_wait3A_41 = tpu.memref_slice %arg4[%add3A] : memref<160000xi32, #tpu.memory_space<hbm>> -> memref<80xi32, #tpu.memory_space<hbm>>
          tpu.wait_dma2 semaphore(%run_scoped3A : memref<!tpu.dma_semaphore, #tpu.memory_space<semaphore_mem>>) src(%dma_wait3A_41 : memref<80xi32, #tpu.memory_space<hbm>>) dst(%arg9 : memref<80xi32, #tpu.memory_space<vmem>>)
          tpu.yield
        }) : () -> ()
        "tpu.region"() ({
          %run_scoped3A = tpu.sem_alloc : memref<!tpu.dma_semaphore, #tpu.memory_space<semaphore_mem>>
          %dma_start3A_38 = tpu.memref_slice %arg5[%add3A] : memref<160000xi32, #tpu.memory_space<hbm>> -> memref<80xi32, #tpu.memory_space<hbm>>
          %dma_start3A_39 = tpu.memref_slice %arg5[%add3A] : memref<160000xi32, #tpu.memory_space<hbm>> -> memref<80xi32, #tpu.memory_space<hbm>>
          tpu.enqueue_dma source(%dma_start3A_39 : memref<80xi32, #tpu.memory_space<hbm>>) target(%arg10 : memref<80xi32, #tpu.memory_space<vmem>>) target_semaphore(%run_scoped3A : memref<!tpu.dma_semaphore, #tpu.memory_space<semaphore_mem>>)
          %dma_wait3A_40 = tpu.memref_slice %arg5[%add3A] : memref<160000xi32, #tpu.memory_space<hbm>> -> memref<80xi32, #tpu.memory_space<hbm>>
          %dma_wait3A_41 = tpu.memref_slice %arg5[%add3A] : memref<160000xi32, #tpu.memory_space<hbm>> -> memref<80xi32, #tpu.memory_space<hbm>>
          tpu.wait_dma2 semaphore(%run_scoped3A : memref<!tpu.dma_semaphore, #tpu.memory_space<semaphore_mem>>) src(%dma_wait3A_41 : memref<80xi32, #tpu.memory_space<hbm>>) dst(%arg10 : memref<80xi32, #tpu.memory_space<vmem>>)
          tpu.yield
        }) : () -> ()
        %dma_start3A = arith.constant 0 : i32
        %dma_start3A_34 = arith.constant 0 : i32
        %dma_start3A_35 = tpu.memref_slice %arg3[%dma_start3A, %dma_start3A_34] : memref<10000x128xf32, #tpu.memory_space<hbm>> -> memref<10000x128xf32, #tpu.memory_space<hbm>>
        tpu.enqueue_indirect_dma source(%dma_start3A_35 : memref<10000x128xf32, #tpu.memory_space<hbm>>) target(%arg11 : memref<80x128xf32, #tpu.memory_space<vmem>>) offsets(%arg9 : memref<80xi32, #tpu.memory_space<vmem>>) semaphore(%arg13 : memref<!tpu.dma_semaphore, #tpu.memory_space<semaphore_mem>>)
        %dma_wait3A = arith.constant 0 : i32
        %dma_wait3A_36 = arith.constant 0 : i32
        %dma_wait3A_37 = tpu.memref_slice %arg3[%dma_wait3A, %dma_wait3A_36] : memref<10000x128xf32, #tpu.memory_space<hbm>> -> memref<10000x128xf32, #tpu.memory_space<hbm>>
        tpu.wait_indirect_dma semaphore(%arg13 : memref<!tpu.dma_semaphore, #tpu.memory_space<semaphore_mem>>) src(%dma_wait3A_37 : memref<10000x128xf32, #tpu.memory_space<hbm>>) dst(%arg11 : memref<80x128xf32, #tpu.memory_space<vmem>>)
        "tpu.region"() ({
          %run_scoped3A = tpu.sem_alloc : memref<!tpu.dma_semaphore, #tpu.memory_space<semaphore_mem>>
          %dma_start3A_38 = arith.constant 0 : i32
          %dma_start3A_39 = arith.constant 0 : i32
          %dma_start3A_40 = tpu.memref_slice %arg12[%dma_start3A_38, %dma_start3A_39] : memref<10000x128xf32, #tpu.memory_space<vmem_shared>> -> memref<10000x128xf32, #tpu.memory_space<vmem_shared>>
          tpu.enqueue_indirect_dma source(%arg11 : memref<80x128xf32, #tpu.memory_space<vmem>>) target(%dma_start3A_40 : memref<10000x128xf32, #tpu.memory_space<vmem_shared>>) offsets(%arg10 : memref<80xi32, #tpu.memory_space<vmem>>) semaphore(%run_scoped3A : memref<!tpu.dma_semaphore, #tpu.memory_space<semaphore_mem>>) {add = true}
          %dma_wait3A_41 = arith.constant 0 : i32
          %dma_wait3A_42 = arith.constant 0 : i32
          %dma_wait3A_43 = tpu.memref_slice %arg12[%dma_wait3A_41, %dma_wait3A_42] : memref<10000x128xf32, #tpu.memory_space<vmem_shared>> -> memref<10000x128xf32, #tpu.memory_space<vmem_shared>>
          tpu.wait_indirect_dma semaphore(%run_scoped3A : memref<!tpu.dma_semaphore, #tpu.memory_space<semaphore_mem>>) src(%arg11 : memref<80x128xf32, #tpu.memory_space<vmem>>) dst(%dma_wait3A_43 : memref<10000x128xf32, #tpu.memory_space<vmem_shared>>)
          tpu.yield
        }) : () -> ()
      }
      %scan3A_28 = arith.constant 125 : i32
    } else {
    }
    %barrier3A_13 = arith.constant 0 : index
    tpu.barrier barrier_id(%barrier3A_13)
    %eq3A_14 = arith.constant 0 : i32
    %eq3A_15 = arith.cmpi eq, %arg0, %eq3A_14 : i32
    %convert_element_type3A_16 = arith.extui %eq3A_15 : i1 to i32
    %cond3A_17 = arith.constant 0 : i32
    %cond3A_18 = arith.cmpi ne, %convert_element_type3A_16, %cond3A_17 : i32
    scf.if %cond3A_18 {
      %mul3A_24 = arith.constant 624 : i32
      %mul3A_25 = arith.muli %arg1, %mul3A_24 : i32
      %mul3A_26 = arith.constant 624 : i32
      %mul3A_27 = arith.muli %arg1, %mul3A_26 : i32
      "tpu.region"() ({
        %run_scoped3A = tpu.sem_alloc : memref<!tpu.dma_semaphore, #tpu.memory_space<semaphore_mem>>
        %dma_start3A = arith.constant 0 : i32
        %dma_start3A_33 = tpu.memref_slice %arg7[%mul3A_27, %dma_start3A] : memref<10000x128xf32, #tpu.memory_space<hbm>> -> memref<624x128xf32, #tpu.memory_space<hbm>>
        %dma_start3A_34 = arith.constant 0 : i32
        %dma_start3A_35 = tpu.memref_slice %arg12[%mul3A_25, %dma_start3A_34] : memref<10000x128xf32, #tpu.memory_space<vmem_shared>> -> memref<624x128xf32, #tpu.memory_space<vmem_shared>>
        tpu.enqueue_dma source(%dma_start3A_35 : memref<624x128xf32, #tpu.memory_space<vmem_shared>>) target(%dma_start3A_33 : memref<624x128xf32, #tpu.memory_space<hbm>>) target_semaphore(%run_scoped3A : memref<!tpu.dma_semaphore, #tpu.memory_space<semaphore_mem>>)
        %dma_wait3A = arith.constant 0 : i32
        %dma_wait3A_36 = tpu.memref_slice %arg7[%mul3A_27, %dma_wait3A] : memref<10000x128xf32, #tpu.memory_space<hbm>> -> memref<624x128xf32, #tpu.memory_space<hbm>>
        %dma_wait3A_37 = arith.constant 0 : i32
        %dma_wait3A_38 = tpu.memref_slice %arg12[%mul3A_25, %dma_wait3A_37] : memref<10000x128xf32, #tpu.memory_space<vmem_shared>> -> memref<624x128xf32, #tpu.memory_space<vmem_shared>>
        tpu.wait_dma2 semaphore(%run_scoped3A : memref<!tpu.dma_semaphore, #tpu.memory_space<semaphore_mem>>) src(%dma_wait3A_38 : memref<624x128xf32, #tpu.memory_space<vmem_shared>>) dst(%dma_wait3A_36 : memref<624x128xf32, #tpu.memory_space<hbm>>)
        tpu.yield
      }) : () -> ()
      %eq3A_28 = arith.constant 15 : i32
      %eq3A_29 = arith.cmpi eq, %arg1, %eq3A_28 : i32
      %convert_element_type3A_30 = arith.extui %eq3A_29 : i1 to i32
      %cond3A_31 = arith.constant 0 : i32
      %cond3A_32 = arith.cmpi ne, %convert_element_type3A_30, %cond3A_31 : i32
      scf.if %cond3A_32 {
        "tpu.region"() ({
          %run_scoped3A = tpu.sem_alloc : memref<!tpu.dma_semaphore, #tpu.memory_space<semaphore_mem>>
          %dma_start3A = arith.constant 9984 : i32
          %dma_start3A_33 = arith.constant 0 : i32
          %dma_start3A_34 = tpu.memref_slice %arg7[%dma_start3A, %dma_start3A_33] : memref<10000x128xf32, #tpu.memory_space<hbm>> -> memref<16x128xf32, #tpu.memory_space<hbm>>
          %dma_start3A_35 = arith.constant 9984 : i32
          %dma_start3A_36 = arith.constant 0 : i32
          %dma_start3A_37 = tpu.memref_slice %arg12[%dma_start3A_35, %dma_start3A_36] : memref<10000x128xf32, #tpu.memory_space<vmem_shared>> -> memref<16x128xf32, #tpu.memory_space<vmem_shared>>
          tpu.enqueue_dma source(%dma_start3A_37 : memref<16x128xf32, #tpu.memory_space<vmem_shared>>) target(%dma_start3A_34 : memref<16x128xf32, #tpu.memory_space<hbm>>) target_semaphore(%run_scoped3A : memref<!tpu.dma_semaphore, #tpu.memory_space<semaphore_mem>>)
          %dma_wait3A = arith.constant 9984 : i32
          %dma_wait3A_38 = arith.constant 0 : i32
          %dma_wait3A_39 = tpu.memref_slice %arg7[%dma_wait3A, %dma_wait3A_38] : memref<10000x128xf32, #tpu.memory_space<hbm>> -> memref<16x128xf32, #tpu.memory_space<hbm>>
          %dma_wait3A_40 = arith.constant 9984 : i32
          %dma_wait3A_41 = arith.constant 0 : i32
          %dma_wait3A_42 = tpu.memref_slice %arg12[%dma_wait3A_40, %dma_wait3A_41] : memref<10000x128xf32, #tpu.memory_space<vmem_shared>> -> memref<16x128xf32, #tpu.memory_space<vmem_shared>>
          tpu.wait_dma2 semaphore(%run_scoped3A : memref<!tpu.dma_semaphore, #tpu.memory_space<semaphore_mem>>) src(%dma_wait3A_42 : memref<16x128xf32, #tpu.memory_space<vmem_shared>>) dst(%dma_wait3A_39 : memref<16x128xf32, #tpu.memory_space<hbm>>)
          tpu.yield
        }) : () -> ()
      } else {
      }
    } else {
    }
    %eq3A_19 = arith.constant 1 : i32
    %eq3A_20 = arith.cmpi eq, %arg0, %eq3A_19 : i32
    %convert_element_type3A_21 = arith.extui %eq3A_20 : i1 to i32
    %cond3A_22 = arith.constant 0 : i32
    %cond3A_23 = arith.cmpi ne, %convert_element_type3A_21, %cond3A_22 : i32
    scf.if %cond3A_23 {
      %mul3A_24 = arith.constant 624 : i32
      %mul3A_25 = arith.muli %arg1, %mul3A_24 : i32
      %mul3A_26 = arith.constant 624 : i32
      %mul3A_27 = arith.muli %arg1, %mul3A_26 : i32
      "tpu.region"() ({
        %run_scoped3A = tpu.sem_alloc : memref<!tpu.dma_semaphore, #tpu.memory_space<semaphore_mem>>
        %dma_start3A = arith.constant 0 : i32
        %dma_start3A_33 = tpu.memref_slice %arg8[%mul3A_27, %dma_start3A] : memref<10000x128xf32, #tpu.memory_space<hbm>> -> memref<624x128xf32, #tpu.memory_space<hbm>>
        %dma_start3A_34 = arith.constant 0 : i32
        %dma_start3A_35 = tpu.memref_slice %arg12[%mul3A_25, %dma_start3A_34] : memref<10000x128xf32, #tpu.memory_space<vmem_shared>> -> memref<624x128xf32, #tpu.memory_space<vmem_shared>>
        tpu.enqueue_dma source(%dma_start3A_35 : memref<624x128xf32, #tpu.memory_space<vmem_shared>>) target(%dma_start3A_33 : memref<624x128xf32, #tpu.memory_space<hbm>>) target_semaphore(%run_scoped3A : memref<!tpu.dma_semaphore, #tpu.memory_space<semaphore_mem>>)
        %dma_wait3A = arith.constant 0 : i32
        %dma_wait3A_36 = tpu.memref_slice %arg8[%mul3A_27, %dma_wait3A] : memref<10000x128xf32, #tpu.memory_space<hbm>> -> memref<624x128xf32, #tpu.memory_space<hbm>>
        %dma_wait3A_37 = arith.constant 0 : i32
        %dma_wait3A_38 = tpu.memref_slice %arg12[%mul3A_25, %dma_wait3A_37] : memref<10000x128xf32, #tpu.memory_space<vmem_shared>> -> memref<624x128xf32, #tpu.memory_space<vmem_shared>>
        tpu.wait_dma2 semaphore(%run_scoped3A : memref<!tpu.dma_semaphore, #tpu.memory_space<semaphore_mem>>) src(%dma_wait3A_38 : memref<624x128xf32, #tpu.memory_space<vmem_shared>>) dst(%dma_wait3A_36 : memref<624x128xf32, #tpu.memory_space<hbm>>)
        tpu.yield
      }) : () -> ()
      %eq3A_28 = arith.constant 15 : i32
      %eq3A_29 = arith.cmpi eq, %arg1, %eq3A_28 : i32
      %convert_element_type3A_30 = arith.extui %eq3A_29 : i1 to i32
      %cond3A_31 = arith.constant 0 : i32
      %cond3A_32 = arith.cmpi ne, %convert_element_type3A_30, %cond3A_31 : i32
      scf.if %cond3A_32 {
        "tpu.region"() ({
          %run_scoped3A = tpu.sem_alloc : memref<!tpu.dma_semaphore, #tpu.memory_space<semaphore_mem>>
          %dma_start3A = arith.constant 9984 : i32
          %dma_start3A_33 = arith.constant 0 : i32
          %dma_start3A_34 = tpu.memref_slice %arg8[%dma_start3A, %dma_start3A_33] : memref<10000x128xf32, #tpu.memory_space<hbm>> -> memref<16x128xf32, #tpu.memory_space<hbm>>
          %dma_start3A_35 = arith.constant 9984 : i32
          %dma_start3A_36 = arith.constant 0 : i32
          %dma_start3A_37 = tpu.memref_slice %arg12[%dma_start3A_35, %dma_start3A_36] : memref<10000x128xf32, #tpu.memory_space<vmem_shared>> -> memref<16x128xf32, #tpu.memory_space<vmem_shared>>
          tpu.enqueue_dma source(%dma_start3A_37 : memref<16x128xf32, #tpu.memory_space<vmem_shared>>) target(%dma_start3A_34 : memref<16x128xf32, #tpu.memory_space<hbm>>) target_semaphore(%run_scoped3A : memref<!tpu.dma_semaphore, #tpu.memory_space<semaphore_mem>>)
          %dma_wait3A = arith.constant 9984 : i32
          %dma_wait3A_38 = arith.constant 0 : i32
          %dma_wait3A_39 = tpu.memref_slice %arg8[%dma_wait3A, %dma_wait3A_38] : memref<10000x128xf32, #tpu.memory_space<hbm>> -> memref<16x128xf32, #tpu.memory_space<hbm>>
          %dma_wait3A_40 = arith.constant 9984 : i32
          %dma_wait3A_41 = arith.constant 0 : i32
          %dma_wait3A_42 = tpu.memref_slice %arg12[%dma_wait3A_40, %dma_wait3A_41] : memref<10000x128xf32, #tpu.memory_space<vmem_shared>> -> memref<16x128xf32, #tpu.memory_space<vmem_shared>>
          tpu.wait_dma2 semaphore(%run_scoped3A : memref<!tpu.dma_semaphore, #tpu.memory_space<semaphore_mem>>) src(%dma_wait3A_42 : memref<16x128xf32, #tpu.memory_space<vmem_shared>>) dst(%dma_wait3A_39 : memref<16x128xf32, #tpu.memory_space<hbm>>)
          tpu.yield
        }) : () -> ()
      } else {
      }
    } else {
    }
    return
  }
}

module attributes {stable_mosaic.version = 14 : i64} {
  func.func @_tc_lin_body(%arg0: i32, %arg1: memref<2000x256xf32, #tpu.memory_space<vmem>>, %arg2: memref<256x512xf32, #tpu.memory_space<vmem>>, %arg3: memref<256xf32, #tpu.memory_space<vmem>>, %arg4: memref<2000x128xf32, #tpu.memory_space<vmem>>, %arg5: memref<2000x128xf32, #tpu.memory_space<vmem>>, %arg6: memref<2000x256xf32, #tpu.memory_space<vmem>>) attributes {dimension_semantics = [#tpu.dimension_semantics<arbitrary>], iteration_bounds = array<i64: 5>, scalar_prefetch = 0 : i64, scratch_operands = 0 : i64, tpu.core_type = #tpu.core_type<tc>, window_params = [{transform_indices = @transform_0, window_bounds = array<i64: 2000, 256>}, {pipeline_mode = #tpu.pipeline_mode<synchronous>, transform_indices = @transform_1, window_bounds = array<i64: 256, 512>}, {pipeline_mode = #tpu.pipeline_mode<synchronous>, transform_indices = @transform_2, window_bounds = array<i64: 256>}, {transform_indices = @transform_3, window_bounds = array<i64: 2000, 128>}, {transform_indices = @transform_4, window_bounds = array<i64: 2000, 128>}, {transform_indices = @transform_5, window_bounds = array<i64: 2000, 256>}]} {
    %get3A = arith.constant 0 : index
    %get3A_0 = arith.constant 0 : index
    %get3A_1 = vector.load %arg1[%get3A, %get3A_0] : memref<2000x256xf32, #tpu.memory_space<vmem>>, vector<2000x256xf32>
    %get3A_2 = arith.constant 0 : index
    %get3A_3 = arith.constant 0 : index
    %get3A_4 = vector.load %arg2[%get3A_2, %get3A_3] : memref<256x512xf32, #tpu.memory_space<vmem>>, vector<256x512xf32>
    %dot_general3A = arith.constant dense<0.000000e+00> : vector<2000x512xf32>
    %dot_general3A_5 = tpu.matmul %get3A_1, %get3A_4, %dot_general3A {dimension_numbers = #tpu.dot_dimension_numbers<[1], [0], [0], [1], [0, 0, 1, 1], [], []>, transpose_lhs_hint = false} : vector<2000x256xf32>, vector<256x512xf32>, vector<2000x512xf32> -> vector<2000x512xf32>
    %slice3A = vector.extract_strided_slice %dot_general3A_5 {offsets = [0, 0], sizes = [2000, 128], strides = [1, 1]} : vector<2000x512xf32> to vector<2000x128xf32>
    %swap3A = arith.constant 0 : index
    %swap3A_6 = arith.constant 0 : index
    %swap3A_7 = vector.load %arg4[%swap3A, %swap3A_6] : memref<2000x128xf32, #tpu.memory_space<vmem>>, vector<2000x128xf32>
    tpu.vector_store %arg4[%swap3A, %swap3A_6], %slice3A {strides = array<i32>} : memref<2000x128xf32, #tpu.memory_space<vmem>>, vector<2000x128xf32>,
    %slice3A_8 = vector.extract_strided_slice %dot_general3A_5 {offsets = [0, 128], sizes = [2000, 128], strides = [1, 1]} : vector<2000x512xf32> to vector<2000x128xf32>
    %swap3A_9 = arith.constant 0 : index
    %swap3A_10 = arith.constant 0 : index
    %swap3A_11 = vector.load %arg5[%swap3A_9, %swap3A_10] : memref<2000x128xf32, #tpu.memory_space<vmem>>, vector<2000x128xf32>
    tpu.vector_store %arg5[%swap3A_9, %swap3A_10], %slice3A_8 {strides = array<i32>} : memref<2000x128xf32, #tpu.memory_space<vmem>>, vector<2000x128xf32>,
    %slice3A_12 = vector.extract_strided_slice %dot_general3A_5 {offsets = [0, 256], sizes = [2000, 256], strides = [1, 1]} : vector<2000x512xf32> to vector<2000x256xf32>
    %get3A_13 = arith.constant 0 : index
    %get3A_14 = vector.load %arg3[%get3A_13] : memref<256xf32, #tpu.memory_space<vmem>>, vector<256xf32>
    %broadcast_in_dim3A = vector.shape_cast %get3A_14 : vector<256xf32> to vector<1x256xf32>
    %add3A = vector.broadcast %broadcast_in_dim3A : vector<1x256xf32> to vector<2000x256xf32>
    %add3A_15 = arith.addf %slice3A_12, %add3A : vector<2000x256xf32>
    %swap3A_16 = arith.constant 0 : index
    %swap3A_17 = arith.constant 0 : index
    %swap3A_18 = vector.load %arg6[%swap3A_16, %swap3A_17] : memref<2000x256xf32, #tpu.memory_space<vmem>>, vector<2000x256xf32>
    tpu.vector_store %arg6[%swap3A_16, %swap3A_17], %add3A_15 {strides = array<i32>} : memref<2000x256xf32, #tpu.memory_space<vmem>>, vector<2000x256xf32>,
    return
  }
  func.func @transform_0(%arg0: i32) -> (i32, i32) {
    %c0_i32 = arith.constant 0 : i32
    %c0_i32_0 = arith.constant 0 : i32
    return %arg0, %c0_i32 : i32, i32
  }
  func.func @transform_1(%arg0: i32) -> (i32, i32) {
    %c0_i32 = arith.constant 0 : i32
    %c0_i32_0 = arith.constant 0 : i32
    %c0_i32_1 = arith.constant 0 : i32
    return %c0_i32, %c0_i32_0 : i32, i32
  }
  func.func @transform_2(%arg0: i32) -> i32 {
    %c0_i32 = arith.constant 0 : i32
    %c0_i32_0 = arith.constant 0 : i32
    return %c0_i32 : i32
  }
  func.func @transform_3(%arg0: i32) -> (i32, i32) {
    %c0_i32 = arith.constant 0 : i32
    %c0_i32_0 = arith.constant 0 : i32
    return %arg0, %c0_i32 : i32, i32
  }
  func.func @transform_4(%arg0: i32) -> (i32, i32) {
    %c0_i32 = arith.constant 0 : i32
    %c0_i32_0 = arith.constant 0 : i32
    return %arg0, %c0_i32 : i32, i32
  }
  func.func @transform_5(%arg0: i32) -> (i32, i32) {
    %c0_i32 = arith.constant 0 : i32
    %c0_i32_0 = arith.constant 0 : i32
    return %arg0, %c0_i32 : i32, i32
  }
}

module attributes {stable_mosaic.version = 14 : i64} {
  func.func @_tc_mid_body(%arg0: i32, %arg1: memref<2000x128xf32, #tpu.memory_space<vmem>>, %arg2: memref<2000x128xf32, #tpu.memory_space<vmem>>, %arg3: memref<2000x128xf32, #tpu.memory_space<vmem>>, %arg4: memref<2000x256xf32, #tpu.memory_space<vmem>>, %arg5: memref<256x512xf32, #tpu.memory_space<vmem>>, %arg6: memref<256xf32, #tpu.memory_space<vmem>>, %arg7: memref<2000x128xf32, #tpu.memory_space<vmem>>, %arg8: memref<2000x128xf32, #tpu.memory_space<vmem>>, %arg9: memref<2000x256xf32, #tpu.memory_space<vmem>>) attributes {dimension_semantics = [#tpu.dimension_semantics<arbitrary>], iteration_bounds = array<i64: 5>, scalar_prefetch = 0 : i64, scratch_operands = 0 : i64, tpu.core_type = #tpu.core_type<tc>, window_params = [{transform_indices = @transform_0, window_bounds = array<i64: 2000, 128>}, {transform_indices = @transform_1, window_bounds = array<i64: 2000, 128>}, {transform_indices = @transform_2, window_bounds = array<i64: 2000, 128>}, {transform_indices = @transform_3, window_bounds = array<i64: 2000, 256>}, {pipeline_mode = #tpu.pipeline_mode<synchronous>, transform_indices = @transform_4, window_bounds = array<i64: 256, 512>}, {pipeline_mode = #tpu.pipeline_mode<synchronous>, transform_indices = @transform_5, window_bounds = array<i64: 256>}, {transform_indices = @transform_6, window_bounds = array<i64: 2000, 128>}, {transform_indices = @transform_7, window_bounds = array<i64: 2000, 128>}, {transform_indices = @transform_8, window_bounds = array<i64: 2000, 256>}]} {
    %get3A = arith.constant 0 : index
    %get3A_0 = arith.constant 0 : index
    %get3A_1 = vector.load %arg3[%get3A, %get3A_0] : memref<2000x128xf32, #tpu.memory_space<vmem>>, vector<2000x128xf32>
    %slice3A = vector.extract_strided_slice %get3A_1 {offsets = [0, 0], sizes = [2000, 1], strides = [1, 1]} : vector<2000x128xf32> to vector<2000x1xf32>
    %max3A = arith.constant 1.000000e+00 : f32
    %max3A_2 = vector.broadcast %max3A : f32 to vector<2000x1xf32>
    %max3A_3 = arith.maximumf %slice3A, %max3A_2 : vector<2000x1xf32>
    %div3A = arith.constant 1.000000e+00 : f32
    %div3A_4 = vector.broadcast %div3A : f32 to vector<2000x1xf32>
    %div3A_5 = arith.divf %div3A_4, %max3A_3 : vector<2000x1xf32>
    %get3A_6 = arith.constant 0 : index
    %get3A_7 = arith.constant 0 : index
    %get3A_8 = vector.load %arg1[%get3A_6, %get3A_7] : memref<2000x128xf32, #tpu.memory_space<vmem>>, vector<2000x128xf32>
    %get3A_9 = arith.constant 0 : index
    %get3A_10 = arith.constant 0 : index
    %get3A_11 = vector.load %arg2[%get3A_9, %get3A_10] : memref<2000x128xf32, #tpu.memory_space<vmem>>, vector<2000x128xf32>
    %concatenate3A = tpu.concatenate %get3A_8, %get3A_11 in 1 : vector<2000x128xf32>, vector<2000x128xf32> -> vector<2000x256xf32>
    %mul3A = vector.broadcast %div3A_5 : vector<2000x1xf32> to vector<2000x256xf32>
    %mul3A_12 = arith.mulf %concatenate3A, %mul3A : vector<2000x256xf32>
    %get3A_13 = arith.constant 0 : index
    %get3A_14 = arith.constant 0 : index
    %get3A_15 = vector.load %arg4[%get3A_13, %get3A_14] : memref<2000x256xf32, #tpu.memory_space<vmem>>, vector<2000x256xf32>
    %add3A = arith.addf %mul3A_12, %get3A_15 : vector<2000x256xf32>
    %max3A_16 = arith.constant 0.000000e+00 : f32
    %max3A_17 = vector.broadcast %max3A_16 : f32 to vector<2000x256xf32>
    %max3A_18 = arith.maximumf %add3A, %max3A_17 : vector<2000x256xf32>
    %get3A_19 = arith.constant 0 : index
    %get3A_20 = arith.constant 0 : index
    %get3A_21 = vector.load %arg5[%get3A_19, %get3A_20] : memref<256x512xf32, #tpu.memory_space<vmem>>, vector<256x512xf32>
    %dot_general3A = arith.constant dense<0.000000e+00> : vector<2000x512xf32>
    %dot_general3A_22 = tpu.matmul %max3A_18, %get3A_21, %dot_general3A {dimension_numbers = #tpu.dot_dimension_numbers<[1], [0], [0], [1], [0, 0, 1, 1], [], []>, transpose_lhs_hint = false} : vector<2000x256xf32>, vector<256x512xf32>, vector<2000x512xf32> -> vector<2000x512xf32>
    %slice3A_23 = vector.extract_strided_slice %dot_general3A_22 {offsets = [0, 0], sizes = [2000, 128], strides = [1, 1]} : vector<2000x512xf32> to vector<2000x128xf32>
    %swap3A = arith.constant 0 : index
    %swap3A_24 = arith.constant 0 : index
    %swap3A_25 = vector.load %arg7[%swap3A, %swap3A_24] : memref<2000x128xf32, #tpu.memory_space<vmem>>, vector<2000x128xf32>
    tpu.vector_store %arg7[%swap3A, %swap3A_24], %slice3A_23 {strides = array<i32>} : memref<2000x128xf32, #tpu.memory_space<vmem>>, vector<2000x128xf32>,
    %slice3A_26 = vector.extract_strided_slice %dot_general3A_22 {offsets = [0, 128], sizes = [2000, 128], strides = [1, 1]} : vector<2000x512xf32> to vector<2000x128xf32>
    %swap3A_27 = arith.constant 0 : index
    %swap3A_28 = arith.constant 0 : index
    %swap3A_29 = vector.load %arg8[%swap3A_27, %swap3A_28] : memref<2000x128xf32, #tpu.memory_space<vmem>>, vector<2000x128xf32>
    tpu.vector_store %arg8[%swap3A_27, %swap3A_28], %slice3A_26 {strides = array<i32>} : memref<2000x128xf32, #tpu.memory_space<vmem>>, vector<2000x128xf32>,
    %slice3A_30 = vector.extract_strided_slice %dot_general3A_22 {offsets = [0, 256], sizes = [2000, 256], strides = [1, 1]} : vector<2000x512xf32> to vector<2000x256xf32>
    %get3A_31 = arith.constant 0 : index
    %get3A_32 = vector.load %arg6[%get3A_31] : memref<256xf32, #tpu.memory_space<vmem>>, vector<256xf32>
    %broadcast_in_dim3A = vector.shape_cast %get3A_32 : vector<256xf32> to vector<1x256xf32>
    %add3A_33 = vector.broadcast %broadcast_in_dim3A : vector<1x256xf32> to vector<2000x256xf32>
    %add3A_34 = arith.addf %slice3A_30, %add3A_33 : vector<2000x256xf32>
    %swap3A_35 = arith.constant 0 : index
    %swap3A_36 = arith.constant 0 : index
    %swap3A_37 = vector.load %arg9[%swap3A_35, %swap3A_36] : memref<2000x256xf32, #tpu.memory_space<vmem>>, vector<2000x256xf32>
    tpu.vector_store %arg9[%swap3A_35, %swap3A_36], %add3A_34 {strides = array<i32>} : memref<2000x256xf32, #tpu.memory_space<vmem>>, vector<2000x256xf32>,
    return
  }
  func.func @transform_0(%arg0: i32) -> (i32, i32) {
    %c0_i32 = arith.constant 0 : i32
    %c0_i32_0 = arith.constant 0 : i32
    return %arg0, %c0_i32 : i32, i32
  }
  func.func @transform_1(%arg0: i32) -> (i32, i32) {
    %c0_i32 = arith.constant 0 : i32
    %c0_i32_0 = arith.constant 0 : i32
    return %arg0, %c0_i32 : i32, i32
  }
  func.func @transform_2(%arg0: i32) -> (i32, i32) {
    %c0_i32 = arith.constant 0 : i32
    %c0_i32_0 = arith.constant 0 : i32
    return %arg0, %c0_i32 : i32, i32
  }
  func.func @transform_3(%arg0: i32) -> (i32, i32) {
    %c0_i32 = arith.constant 0 : i32
    %c0_i32_0 = arith.constant 0 : i32
    return %arg0, %c0_i32 : i32, i32
  }
  func.func @transform_4(%arg0: i32) -> (i32, i32) {
    %c0_i32 = arith.constant 0 : i32
    %c0_i32_0 = arith.constant 0 : i32
    %c0_i32_1 = arith.constant 0 : i32
    return %c0_i32, %c0_i32_0 : i32, i32
  }
  func.func @transform_5(%arg0: i32) -> i32 {
    %c0_i32 = arith.constant 0 : i32
    %c0_i32_0 = arith.constant 0 : i32
    return %c0_i32 : i32
  }
  func.func @transform_6(%arg0: i32) -> (i32, i32) {
    %c0_i32 = arith.constant 0 : i32
    %c0_i32_0 = arith.constant 0 : i32
    return %arg0, %c0_i32 : i32, i32
  }
  func.func @transform_7(%arg0: i32) -> (i32, i32) {
    %c0_i32 = arith.constant 0 : i32
    %c0_i32_0 = arith.constant 0 : i32
    return %arg0, %c0_i32 : i32, i32
  }
  func.func @transform_8(%arg0: i32) -> (i32, i32) {
    %c0_i32 = arith.constant 0 : i32
    %c0_i32_0 = arith.constant 0 : i32
    return %arg0, %c0_i32 : i32, i32
  }
}

module attributes {stable_mosaic.version = 14 : i64} {
  func.func @_tc_nf2_body(%arg0: i32, %arg1: memref<2000x128xf32, #tpu.memory_space<vmem>>, %arg2: memref<2000x128xf32, #tpu.memory_space<vmem>>, %arg3: memref<2000x128xf32, #tpu.memory_space<vmem>>, %arg4: memref<2000x256xf32, #tpu.memory_space<vmem>>, %arg5: memref<2000x256xf32, #tpu.memory_space<vmem>>, %arg6: memref<8x256xf32, #tpu.memory_space<vmem>>) attributes {dimension_semantics = [#tpu.dimension_semantics<arbitrary>], iteration_bounds = array<i64: 5>, scalar_prefetch = 0 : i64, scratch_operands = 0 : i64, tpu.core_type = #tpu.core_type<tc>, window_params = [{transform_indices = @transform_0, window_bounds = array<i64: 2000, 128>}, {transform_indices = @transform_1, window_bounds = array<i64: 2000, 128>}, {transform_indices = @transform_2, window_bounds = array<i64: 2000, 128>}, {transform_indices = @transform_3, window_bounds = array<i64: 2000, 256>}, {transform_indices = @transform_4, window_bounds = array<i64: 2000, 256>}, {pipeline_mode = #tpu.pipeline_mode<synchronous>, transform_indices = @transform_5, window_bounds = array<i64: 8, 256>}]} {
    %get3A = arith.constant 0 : index
    %get3A_0 = arith.constant 0 : index
    %get3A_1 = vector.load %arg3[%get3A, %get3A_0] : memref<2000x128xf32, #tpu.memory_space<vmem>>, vector<2000x128xf32>
    %slice3A = vector.extract_strided_slice %get3A_1 {offsets = [0, 0], sizes = [2000, 1], strides = [1, 1]} : vector<2000x128xf32> to vector<2000x1xf32>
    %max3A = arith.constant 1.000000e+00 : f32
    %max3A_2 = vector.broadcast %max3A : f32 to vector<2000x1xf32>
    %max3A_3 = arith.maximumf %slice3A, %max3A_2 : vector<2000x1xf32>
    %div3A = arith.constant 1.000000e+00 : f32
    %div3A_4 = vector.broadcast %div3A : f32 to vector<2000x1xf32>
    %div3A_5 = arith.divf %div3A_4, %max3A_3 : vector<2000x1xf32>
    %get3A_6 = arith.constant 0 : index
    %get3A_7 = arith.constant 0 : index
    %get3A_8 = vector.load %arg1[%get3A_6, %get3A_7] : memref<2000x128xf32, #tpu.memory_space<vmem>>, vector<2000x128xf32>
    %get3A_9 = arith.constant 0 : index
    %get3A_10 = arith.constant 0 : index
    %get3A_11 = vector.load %arg2[%get3A_9, %get3A_10] : memref<2000x128xf32, #tpu.memory_space<vmem>>, vector<2000x128xf32>
    %concatenate3A = tpu.concatenate %get3A_8, %get3A_11 in 1 : vector<2000x128xf32>, vector<2000x128xf32> -> vector<2000x256xf32>
    %mul3A = vector.broadcast %div3A_5 : vector<2000x1xf32> to vector<2000x256xf32>
    %mul3A_12 = arith.mulf %concatenate3A, %mul3A : vector<2000x256xf32>
    %get3A_13 = arith.constant 0 : index
    %get3A_14 = arith.constant 0 : index
    %get3A_15 = vector.load %arg4[%get3A_13, %get3A_14] : memref<2000x256xf32, #tpu.memory_space<vmem>>, vector<2000x256xf32>
    %add3A = arith.addf %mul3A_12, %get3A_15 : vector<2000x256xf32>
    %swap3A = arith.constant 0 : index
    %swap3A_16 = arith.constant 0 : index
    %swap3A_17 = vector.load %arg5[%swap3A, %swap3A_16] : memref<2000x256xf32, #tpu.memory_space<vmem>>, vector<2000x256xf32>
    tpu.vector_store %arg5[%swap3A, %swap3A_16], %add3A {strides = array<i32>} : memref<2000x256xf32, #tpu.memory_space<vmem>>, vector<2000x256xf32>,
    %reduce_sum3A = arith.constant dense<0.000000e+00> : vector<256xf32>
    %reduce_sum3A_18 = vector.multi_reduction <add>, %add3A, %reduce_sum3A [0] : vector<2000x256xf32> to vector<256xf32>
    %broadcast_in_dim3A = vector.shape_cast %reduce_sum3A_18 : vector<256xf32> to vector<1x256xf32>
    %mul3A_19 = arith.mulf %add3A, %add3A : vector<2000x256xf32>
    %reduce_sum3A_20 = arith.constant dense<0.000000e+00> : vector<256xf32>
    %reduce_sum3A_21 = vector.multi_reduction <add>, %mul3A_19, %reduce_sum3A_20 [0] : vector<2000x256xf32> to vector<256xf32>
    %broadcast_in_dim3A_22 = vector.shape_cast %reduce_sum3A_21 : vector<256xf32> to vector<1x256xf32>
    %broadcast_in_dim3A_23 = arith.constant 0.000000e+00 : f32
    %broadcast_in_dim3A_24 = vector.broadcast %broadcast_in_dim3A_23 : f32 to vector<6x256xf32>
    %concatenate3A_25 = tpu.concatenate %broadcast_in_dim3A, %broadcast_in_dim3A_22, %broadcast_in_dim3A_24 in 0 : vector<1x256xf32>, vector<1x256xf32>, vector<6x256xf32> -> vector<8x256xf32>
    %eq3A = arith.constant 0 : i32
    %eq3A_26 = arith.cmpi eq, %arg0, %eq3A : i32
    %convert_element_type3A = arith.extui %eq3A_26 : i1 to i32
    %cond3A = arith.constant 0 : i32
    %cond3A_27 = arith.cmpi ne, %convert_element_type3A, %cond3A : i32
    scf.if %cond3A_27 {
      %swap3A_32 = arith.constant 0 : index
      %swap3A_33 = arith.constant 0 : index
      %swap3A_34 = vector.load %arg6[%swap3A_32, %swap3A_33] : memref<8x256xf32, #tpu.memory_space<vmem>>, vector<8x256xf32>
      tpu.vector_store %arg6[%swap3A_32, %swap3A_33], %concatenate3A_25 {strides = array<i32>} : memref<8x256xf32, #tpu.memory_space<vmem>>, vector<8x256xf32>,
    } else {
    }
    %gt3A = arith.constant 0 : i32
    %gt3A_28 = arith.cmpi sgt, %arg0, %gt3A : i32
    %convert_element_type3A_29 = arith.extui %gt3A_28 : i1 to i32
    %cond3A_30 = arith.constant 0 : i32
    %cond3A_31 = arith.cmpi ne, %convert_element_type3A_29, %cond3A_30 : i32
    scf.if %cond3A_31 {
      %get3A_32 = arith.constant 0 : index
      %get3A_33 = arith.constant 0 : index
      %get3A_34 = vector.load %arg6[%get3A_32, %get3A_33] : memref<8x256xf32, #tpu.memory_space<vmem>>, vector<8x256xf32>
      %add3A_35 = arith.addf %get3A_34, %concatenate3A_25 : vector<8x256xf32>
      %swap3A_36 = arith.constant 0 : index
      %swap3A_37 = arith.constant 0 : index
      %swap3A_38 = vector.load %arg6[%swap3A_36, %swap3A_37] : memref<8x256xf32, #tpu.memory_space<vmem>>, vector<8x256xf32>
      tpu.vector_store %arg6[%swap3A_36, %swap3A_37], %add3A_35 {strides = array<i32>} : memref<8x256xf32, #tpu.memory_space<vmem>>, vector<8x256xf32>,
    } else {
    }
    return
  }
  func.func @transform_0(%arg0: i32) -> (i32, i32) {
    %c0_i32 = arith.constant 0 : i32
    %c0_i32_0 = arith.constant 0 : i32
    return %arg0, %c0_i32 : i32, i32
  }
  func.func @transform_1(%arg0: i32) -> (i32, i32) {
    %c0_i32 = arith.constant 0 : i32
    %c0_i32_0 = arith.constant 0 : i32
    return %arg0, %c0_i32 : i32, i32
  }
  func.func @transform_2(%arg0: i32) -> (i32, i32) {
    %c0_i32 = arith.constant 0 : i32
    %c0_i32_0 = arith.constant 0 : i32
    return %arg0, %c0_i32 : i32, i32
  }
  func.func @transform_3(%arg0: i32) -> (i32, i32) {
    %c0_i32 = arith.constant 0 : i32
    %c0_i32_0 = arith.constant 0 : i32
    return %arg0, %c0_i32 : i32, i32
  }
  func.func @transform_4(%arg0: i32) -> (i32, i32) {
    %c0_i32 = arith.constant 0 : i32
    %c0_i32_0 = arith.constant 0 : i32
    return %arg0, %c0_i32 : i32, i32
  }
  func.func @transform_5(%arg0: i32) -> (i32, i32) {
    %c0_i32 = arith.constant 0 : i32
    %c0_i32_0 = arith.constant 0 : i32
    %c0_i32_1 = arith.constant 0 : i32
    return %c0_i32, %c0_i32_0 : i32, i32
  }
}

module attributes {stable_mosaic.version = 14 : i64} {
  func.func @_tc_head_body(%arg0: i32, %arg1: memref<2000x256xf32, #tpu.memory_space<vmem>>, %arg2: memref<8x256xf32, #tpu.memory_space<vmem>>, %arg3: memref<2000x256xf32, #tpu.memory_space<vmem>>, %arg4: memref<2000x8xf32, #tpu.memory_space<vmem>>, %arg5: memref<2000x8xi32, #tpu.memory_space<vmem>>, %arg6: memref<256x64xf32, #tpu.memory_space<vmem>>, %arg7: memref<8x64xf32, #tpu.memory_space<vmem>>, %arg8: memref<128x256xf32, #tpu.memory_space<vmem>>, %arg9: memref<128x256xf32, #tpu.memory_space<vmem>>, %arg10: memref<128x256xf32, #tpu.memory_space<vmem>>, %arg11: memref<1x1xf32, #tpu.memory_space<vmem>>, %arg12: memref<1x1xf32, #tpu.memory_space<vmem>>, %arg13: memref<2000x128xf32, #tpu.memory_space<vmem>>, %arg14: memref<8x256xf32, #tpu.memory_space<vmem>>, %arg15: memref<4xf32, #tpu.memory_space<smem>>) attributes {dimension_semantics = [#tpu.dimension_semantics<arbitrary>], iteration_bounds = array<i64: 5>, scalar_prefetch = 0 : i64, scratch_operands = 2 : i64, tpu.core_type = #tpu.core_type<tc>, window_params = [{transform_indices = @transform_0, window_bounds = array<i64: 2000, 256>}, {pipeline_mode = #tpu.pipeline_mode<synchronous>, transform_indices = @transform_1, window_bounds = array<i64: 8, 256>}, {transform_indices = @transform_2, window_bounds = array<i64: 2000, 256>}, {transform_indices = @transform_3, window_bounds = array<i64: 2000, 8>}, {transform_indices = @transform_4, window_bounds = array<i64: 2000, 8>}, {pipeline_mode = #tpu.pipeline_mode<synchronous>, transform_indices = @transform_5, window_bounds = array<i64: 256, 64>}, {pipeline_mode = #tpu.pipeline_mode<synchronous>, transform_indices = @transform_6, window_bounds = array<i64: 8, 64>}, {pipeline_mode = #tpu.pipeline_mode<synchronous>, transform_indices = @transform_7, window_bounds = array<i64: 128, 256>}, {pipeline_mode = #tpu.pipeline_mode<synchronous>, transform_indices = @transform_8, window_bounds = array<i64: 128, 256>}, {pipeline_mode = #tpu.pipeline_mode<synchronous>, transform_indices = @transform_9, window_bounds = array<i64: 128, 256>}, {pipeline_mode = #tpu.pipeline_mode<synchronous>, transform_indices = @transform_10, window_bounds = array<i64: 1, 1>}, {pipeline_mode = #tpu.pipeline_mode<synchronous>, transform_indices = @transform_11, window_bounds = array<i64: 1, 1>}, {transform_indices = @transform_12, window_bounds = array<i64: 2000, 128>}]} {
    %get3A = arith.constant 0 : index
    %get3A_0 = arith.constant 0 : index
    %get3A_1 = vector.load %arg1[%get3A, %get3A_0] : memref<2000x256xf32, #tpu.memory_space<vmem>>, vector<2000x256xf32>
    %get3A_2 = arith.constant 0 : index
    %get3A_3 = arith.constant 0 : index
    %get3A_4 = vector.load %arg6[%get3A_2, %get3A_3] : memref<256x64xf32, #tpu.memory_space<vmem>>, vector<256x64xf32>
    %dot_general3A = arith.constant dense<0.000000e+00> : vector<2000x64xf32>
    %dot_general3A_5 = tpu.matmul %get3A_1, %get3A_4, %dot_general3A {dimension_numbers = #tpu.dot_dimension_numbers<[1], [0], [0], [1], [0, 0, 1, 1], [], []>, transpose_lhs_hint = false} : vector<2000x256xf32>, vector<256x64xf32>, vector<2000x64xf32> -> vector<2000x64xf32>
    %get3A_6 = arith.constant 0 : index
    %get3A_7 = arith.constant 0 : index
    %get3A_8 = vector.load %arg7[%get3A_6, %get3A_7] : memref<8x64xf32, #tpu.memory_space<vmem>>, vector<1x64xf32>
    %get3A_9 = vector.shape_cast %get3A_8 : vector<1x64xf32> to vector<64xf32>
    %broadcast_in_dim3A = vector.shape_cast %get3A_9 : vector<64xf32> to vector<1x64xf32>
    %add3A = vector.broadcast %broadcast_in_dim3A : vector<1x64xf32> to vector<2000x64xf32>
    %add3A_10 = arith.addf %dot_general3A_5, %add3A : vector<2000x64xf32>
    %tanh3A = math.tanh %add3A_10 : vector<2000x64xf32>
    %get3A_11 = arith.constant 1 : index
    %get3A_12 = arith.constant 0 : index
    %get3A_13 = vector.load %arg7[%get3A_11, %get3A_12] : memref<8x64xf32, #tpu.memory_space<vmem>>, vector<1x64xf32>
    %get3A_14 = vector.shape_cast %get3A_13 : vector<1x64xf32> to vector<64xf32>
    %broadcast_in_dim3A_15 = vector.shape_cast %get3A_14 : vector<64xf32> to vector<1x64xf32>
    %mul3A = vector.broadcast %broadcast_in_dim3A_15 : vector<1x64xf32> to vector<2000x64xf32>
    %mul3A_16 = arith.mulf %tanh3A, %mul3A : vector<2000x64xf32>
    %reduce_sum3A = arith.constant dense<0.000000e+00> : vector<2000xf32>
    %reduce_sum3A_17 = vector.multi_reduction <add>, %mul3A_16, %reduce_sum3A [1] : vector<2000x64xf32> to vector<2000xf32>
    %get3A_18 = arith.constant 2 : index
    %get3A_19 = arith.constant 0 : index
    %get3A_20 = vector.load %arg7[%get3A_18, %get3A_19] : memref<8x64xf32, #tpu.memory_space<vmem>>, vector<1x1xf32>
    %get3A_21 = vector.extract %get3A_20[0, 0] : f32 from vector<1x1xf32>
    %add3A_22 = vector.broadcast %get3A_21 : f32 to vector<2000xf32>
    %add3A_23 = arith.addf %reduce_sum3A_17, %add3A_22 : vector<2000xf32>
    %neg3A = arith.constant 0.000000e+00 : f32
    %neg3A_24 = vector.broadcast %neg3A : f32 to vector<2000xf32>
    %neg3A_25 = arith.subf %neg3A_24, %add3A_23 : vector<2000xf32>
    %exp3A = math.exp %neg3A_25 : vector<2000xf32>
    %add3A_26 = arith.constant 1.000000e+00 : f32
    %add3A_27 = vector.broadcast %add3A_26 : f32 to vector<2000xf32>
    %add3A_28 = arith.addf %add3A_27, %exp3A : vector<2000xf32>
    %div3A = arith.constant 1.000000e+00 : f32
    %div3A_29 = vector.broadcast %div3A : f32 to vector<2000xf32>
    %div3A_30 = arith.divf %div3A_29, %add3A_28 : vector<2000xf32>
    %mul3A_31 = arith.constant 2.000000e+00 : f32
    %mul3A_32 = vector.broadcast %mul3A_31 : f32 to vector<2000xf32>
    %mul3A_33 = arith.mulf %mul3A_32, %div3A_30 : vector<2000xf32>
    %sub3A = arith.constant 1.000000e+00 : f32
    %sub3A_34 = vector.broadcast %sub3A : f32 to vector<2000xf32>
    %sub3A_35 = arith.subf %mul3A_33, %sub3A_34 : vector<2000xf32>
    %get3A_36 = arith.constant 0 : index
    %get3A_37 = arith.constant 0 : index
    %get3A_38 = vector.load %arg4[%get3A_36, %get3A_37] : memref<2000x8xf32, #tpu.memory_space<vmem>>, vector<2000x8xf32>
    %slice3A = vector.extract_strided_slice %get3A_38 {offsets = [0, 0], sizes = [2000, 1], strides = [1, 1]} : vector<2000x8xf32> to vector<2000x1xf32>
    %squeeze3A = vector.shape_cast %slice3A : vector<2000x1xf32> to vector<2000xf32>
    %add3A_39 = arith.addf %sub3A_35, %squeeze3A : vector<2000xf32>
    %neg3A_40 = arith.constant 0.000000e+00 : f32
    %neg3A_41 = vector.broadcast %neg3A_40 : f32 to vector<2000xf32>
    %neg3A_42 = arith.subf %neg3A_41, %add3A_39 : vector<2000xf32>
    %exp3A_43 = math.exp %neg3A_42 : vector<2000xf32>
    %add3A_44 = arith.constant 1.000000e+00 : f32
    %add3A_45 = vector.broadcast %add3A_44 : f32 to vector<2000xf32>
    %add3A_46 = arith.addf %add3A_45, %exp3A_43 : vector<2000xf32>
    %div3A_47 = arith.constant 1.000000e+00 : f32
    %div3A_48 = vector.broadcast %div3A_47 : f32 to vector<2000xf32>
    %div3A_49 = arith.divf %div3A_48, %add3A_46 : vector<2000xf32>
    %sub3A_50 = arith.constant 1.000000e+00 : f32
    %sub3A_51 = vector.broadcast %sub3A_50 : f32 to vector<2000xf32>
    %sub3A_52 = arith.subf %sub3A_51, %div3A_49 : vector<2000xf32>
    %broadcast_in_dim3A_53 = vector.shape_cast %div3A_30 : vector<2000xf32> to vector<2000x1xf32>
    %broadcast_in_dim3A_54 = vector.shape_cast %broadcast_in_dim3A_53 : vector<2000x1xf32> to vector<2000x1xf32>
    %broadcast_in_dim3A_55 = vector.broadcast %broadcast_in_dim3A_54 : vector<2000x1xf32> to vector<2000x128xf32>
    %swap3A = arith.constant 0 : index
    %swap3A_56 = arith.constant 0 : index
    %swap3A_57 = vector.load %arg13[%swap3A, %swap3A_56] : memref<2000x128xf32, #tpu.memory_space<vmem>>, vector<2000x128xf32>
    tpu.vector_store %arg13[%swap3A, %swap3A_56], %broadcast_in_dim3A_55 {strides = array<i32>} : memref<2000x128xf32, #tpu.memory_space<vmem>>, vector<2000x128xf32>,
    %get3A_58 = arith.constant 0 : index
    %get3A_59 = arith.constant 0 : index
    %get3A_60 = vector.load %arg2[%get3A_58, %get3A_59] : memref<8x256xf32, #tpu.memory_space<vmem>>, vector<1x256xf32>
    %get3A_61 = vector.shape_cast %get3A_60 : vector<1x256xf32> to vector<256xf32>
    %div3A_62 = arith.constant 1.000000e+04 : f32
    %div3A_63 = vector.broadcast %div3A_62 : f32 to vector<256xf32>
    %div3A_64 = arith.divf %get3A_61, %div3A_63 : vector<256xf32>
    %get3A_65 = arith.constant 1 : index
    %get3A_66 = arith.constant 0 : index
    %get3A_67 = vector.load %arg2[%get3A_65, %get3A_66] : memref<8x256xf32, #tpu.memory_space<vmem>>, vector<1x256xf32>
    %get3A_68 = vector.shape_cast %get3A_67 : vector<1x256xf32> to vector<256xf32>
    %mul3A_69 = arith.constant 1.000000e+04 : f32
    %mul3A_70 = vector.broadcast %mul3A_69 : f32 to vector<256xf32>
    %mul3A_71 = arith.mulf %mul3A_70, %div3A_64 : vector<256xf32>
    %mul3A_72 = arith.mulf %mul3A_71, %div3A_64 : vector<256xf32>
    %sub3A_73 = arith.subf %get3A_68, %mul3A_72 : vector<256xf32>
    %div3A_74 = arith.constant 9.999000e+03 : f32
    %div3A_75 = vector.broadcast %div3A_74 : f32 to vector<256xf32>
    %div3A_76 = arith.divf %sub3A_73, %div3A_75 : vector<256xf32>
    %max3A = arith.constant 0.000000e+00 : f32
    %max3A_77 = vector.broadcast %max3A : f32 to vector<256xf32>
    %max3A_78 = arith.maximumf %div3A_76, %max3A_77 : vector<256xf32>
    %sqrt3A = math.sqrt %max3A_78 : vector<256xf32>
    %broadcast_in_dim3A_79 = vector.shape_cast %div3A_64 : vector<256xf32> to vector<1x256xf32>
    %get3A_80 = arith.constant 0 : index
    %get3A_81 = arith.constant 0 : index
    %get3A_82 = vector.load %arg3[%get3A_80, %get3A_81] : memref<2000x256xf32, #tpu.memory_space<vmem>>, vector<2000x256xf32>
    %broadcast_in_dim3A_83 = vector.shape_cast %sqrt3A : vector<256xf32> to vector<1x256xf32>
    %mul3A_84 = vector.broadcast %broadcast_in_dim3A_83 : vector<1x256xf32> to vector<2000x256xf32>
    %mul3A_85 = arith.mulf %get3A_82, %mul3A_84 : vector<2000x256xf32>
    %add3A_86 = vector.broadcast %broadcast_in_dim3A_79 : vector<1x256xf32> to vector<2000x256xf32>
    %add3A_87 = arith.addf %add3A_86, %mul3A_85 : vector<2000x256xf32>
    %get3A_88 = arith.constant 0 : index
    %get3A_89 = arith.constant 0 : index
    %get3A_90 = vector.load %arg5[%get3A_88, %get3A_89] : memref<2000x8xi32, #tpu.memory_space<vmem>>, vector<2000x8xi32>
    %slice3A_91 = vector.extract_strided_slice %get3A_90 {offsets = [0, 0], sizes = [2000, 1], strides = [1, 1]} : vector<2000x8xi32> to vector<2000x1xi32>
    %iota3A = tpu.iota {dimensions = array<i32: 1>} : vector<2000x128xi32>
    %eq3A = vector.broadcast %slice3A_91 : vector<2000x1xi32> to vector<2000x128xi32>
    %eq3A_92 = arith.cmpi eq, %eq3A, %iota3A : vector<2000x128xi32>
    %convert_element_type3A = arith.extui %eq3A_92 : vector<2000x128xi1> to vector<2000x128xi32>
    %convert_element_type3A_93 = arith.sitofp %convert_element_type3A : vector<2000x128xi32> to vector<2000x128xf32>
    %dot_general3A_94 = arith.constant dense<0.000000e+00> : vector<128x256xf32>
    %dot_general3A_95 = tpu.matmul %convert_element_type3A_93, %get3A_1, %dot_general3A_94 {dimension_numbers = #tpu.dot_dimension_numbers<[0], [0], [1], [1], [0, 1, 1, 1], [], []>, transpose_lhs_hint = false} : vector<2000x128xf32>, vector<2000x256xf32>, vector<128x256xf32> -> vector<128x256xf32>
    %broadcast_in_dim3A_96 = vector.shape_cast %div3A_49 : vector<2000xf32> to vector<2000x1xf32>
    %mul3A_97 = vector.broadcast %broadcast_in_dim3A_96 : vector<2000x1xf32> to vector<2000x128xf32>
    %mul3A_98 = arith.mulf %convert_element_type3A_93, %mul3A_97 : vector<2000x128xf32>
    %dot_general3A_99 = arith.constant dense<0.000000e+00> : vector<128x256xf32>
    %dot_general3A_100 = tpu.matmul %mul3A_98, %get3A_1, %dot_general3A_99 {dimension_numbers = #tpu.dot_dimension_numbers<[0], [0], [1], [1], [0, 1, 1, 1], [], []>, transpose_lhs_hint = false} : vector<2000x128xf32>, vector<2000x256xf32>, vector<128x256xf32> -> vector<128x256xf32>
    %broadcast_in_dim3A_101 = vector.shape_cast %sub3A_52 : vector<2000xf32> to vector<2000x1xf32>
    %mul3A_102 = vector.broadcast %broadcast_in_dim3A_101 : vector<2000x1xf32> to vector<2000x128xf32>
    %mul3A_103 = arith.mulf %convert_element_type3A_93, %mul3A_102 : vector<2000x128xf32>
    %dot_general3A_104 = arith.constant dense<0.000000e+00> : vector<128x256xf32>
    %dot_general3A_105 = tpu.matmul %mul3A_103, %add3A_87, %dot_general3A_104 {dimension_numbers = #tpu.dot_dimension_numbers<[0], [0], [1], [1], [0, 1, 1, 1], [], []>, transpose_lhs_hint = false} : vector<2000x128xf32>, vector<2000x256xf32>, vector<128x256xf32> -> vector<128x256xf32>
    %add3A_106 = arith.addf %dot_general3A_100, %dot_general3A_105 : vector<128x256xf32>
    %mul3A_107 = arith.mulf %div3A_49, %div3A_49 : vector<2000xf32>
    %broadcast_in_dim3A_108 = vector.shape_cast %mul3A_107 : vector<2000xf32> to vector<2000x1xf32>
    %mul3A_109 = vector.broadcast %broadcast_in_dim3A_108 : vector<2000x1xf32> to vector<2000x256xf32>
    %mul3A_110 = arith.mulf %mul3A_109, %get3A_1 : vector<2000x256xf32>
    %reduce_sum3A_111 = arith.constant dense<0.000000e+00> : vector<256xf32>
    %reduce_sum3A_112 = vector.multi_reduction <add>, %mul3A_110, %reduce_sum3A_111 [0] : vector<2000x256xf32> to vector<256xf32>
    %broadcast_in_dim3A_113 = vector.shape_cast %mul3A_107 : vector<2000xf32> to vector<2000x1xf32>
    %mul3A_114 = vector.broadcast %broadcast_in_dim3A_113 : vector<2000x1xf32> to vector<2000x256xf32>
    %mul3A_115 = arith.mulf %mul3A_114, %get3A_1 : vector<2000x256xf32>
    %mul3A_116 = arith.mulf %mul3A_115, %get3A_1 : vector<2000x256xf32>
    %reduce_sum3A_117 = arith.constant dense<0.000000e+00> : vector<256xf32>
    %reduce_sum3A_118 = vector.multi_reduction <add>, %mul3A_116, %reduce_sum3A_117 [0] : vector<2000x256xf32> to vector<256xf32>
    %broadcast_in_dim3A_119 = vector.shape_cast %reduce_sum3A_112 : vector<256xf32> to vector<1x256xf32>
    %broadcast_in_dim3A_120 = vector.shape_cast %reduce_sum3A_118 : vector<256xf32> to vector<1x256xf32>
    %broadcast_in_dim3A_121 = arith.constant 0.000000e+00 : f32
    %broadcast_in_dim3A_122 = vector.broadcast %broadcast_in_dim3A_121 : f32 to vector<6x256xf32>
    %concatenate3A = tpu.concatenate %broadcast_in_dim3A_119, %broadcast_in_dim3A_120, %broadcast_in_dim3A_122 in 0 : vector<1x256xf32>, vector<1x256xf32>, vector<6x256xf32> -> vector<8x256xf32>
    %mul3A_123 = arith.mulf %sub3A_52, %sub3A_52 : vector<2000xf32>
    %reduce_sum3A_124 = vector.shape_cast %mul3A_123 : vector<2000xf32> to vector<1x2000xf32>
    %reduce_sum3A_125 = arith.constant dense<0.000000e+00> : vector<1xf32>
    %reduce_sum3A_126 = vector.multi_reduction <add>, %reduce_sum3A_124, %reduce_sum3A_125 [1] : vector<1x2000xf32> to vector<1xf32>
    %reduce_sum3A_127 = vector.shape_cast %reduce_sum3A_126 : vector<1xf32> to vector<1x1xf32>
    %reduce_sum3A_128 = vector.extract %reduce_sum3A_127[0, 0] : f32 from vector<1x1xf32>
    %reduce_sum3A_129 = vector.shape_cast %mul3A_107 : vector<2000xf32> to vector<1x2000xf32>
    %reduce_sum3A_130 = arith.constant dense<0.000000e+00> : vector<1xf32>
    %reduce_sum3A_131 = vector.multi_reduction <add>, %reduce_sum3A_129, %reduce_sum3A_130 [1] : vector<1x2000xf32> to vector<1xf32>
    %reduce_sum3A_132 = vector.shape_cast %reduce_sum3A_131 : vector<1xf32> to vector<1x1xf32>
    %reduce_sum3A_133 = vector.extract %reduce_sum3A_132[0, 0] : f32 from vector<1x1xf32>
    %gt3A = arith.constant 5.000000e-01 : f32
    %gt3A_134 = vector.broadcast %gt3A : f32 to vector<2000xf32>
    %gt3A_135 = arith.cmpf ogt, %div3A_30, %gt3A_134 : vector<2000xf32>
    %convert_element_type3A_136 = arith.extui %gt3A_135 : vector<2000xi1> to vector<2000xi32>
    %convert_element_type3A_137 = arith.sitofp %convert_element_type3A_136 : vector<2000xi32> to vector<2000xf32>
    %reduce_sum3A_138 = vector.shape_cast %convert_element_type3A_137 : vector<2000xf32> to vector<1x2000xf32>
    %reduce_sum3A_139 = arith.constant dense<0.000000e+00> : vector<1xf32>
    %reduce_sum3A_140 = vector.multi_reduction <add>, %reduce_sum3A_138, %reduce_sum3A_139 [1] : vector<1x2000xf32> to vector<1xf32>
    %reduce_sum3A_141 = vector.shape_cast %reduce_sum3A_140 : vector<1xf32> to vector<1x1xf32>
    %reduce_sum3A_142 = vector.extract %reduce_sum3A_141[0, 0] : f32 from vector<1x1xf32>
    %eq3A_143 = arith.constant 0 : i32
    %eq3A_144 = arith.cmpi eq, %arg0, %eq3A_143 : i32
    %convert_element_type3A_145 = arith.extui %eq3A_144 : i1 to i32
    %cond3A = arith.constant 0 : i32
    %cond3A_146 = arith.cmpi ne, %convert_element_type3A_145, %cond3A : i32
    scf.if %cond3A_146 {
      %swap3A_157 = arith.constant 0 : index
      %swap3A_158 = arith.constant 0 : index
      %swap3A_159 = vector.load %arg8[%swap3A_157, %swap3A_158] : memref<128x256xf32, #tpu.memory_space<vmem>>, vector<128x256xf32>
      tpu.vector_store %arg8[%swap3A_157, %swap3A_158], %dot_general3A_95 {strides = array<i32>} : memref<128x256xf32, #tpu.memory_space<vmem>>, vector<128x256xf32>,
      %swap3A_160 = arith.constant 0 : index
      %swap3A_161 = arith.constant 0 : index
      %swap3A_162 = vector.load %arg10[%swap3A_160, %swap3A_161] : memref<128x256xf32, #tpu.memory_space<vmem>>, vector<128x256xf32>
      tpu.vector_store %arg10[%swap3A_160, %swap3A_161], %dot_general3A_100 {strides = array<i32>} : memref<128x256xf32, #tpu.memory_space<vmem>>, vector<128x256xf32>,
      %swap3A_163 = arith.constant 0 : index
      %swap3A_164 = arith.constant 0 : index
      %swap3A_165 = vector.load %arg9[%swap3A_163, %swap3A_164] : memref<128x256xf32, #tpu.memory_space<vmem>>, vector<128x256xf32>
      tpu.vector_store %arg9[%swap3A_163, %swap3A_164], %add3A_106 {strides = array<i32>} : memref<128x256xf32, #tpu.memory_space<vmem>>, vector<128x256xf32>,
      %swap3A_166 = arith.constant 0 : index
      %swap3A_167 = arith.constant 0 : index
      %swap3A_168 = vector.load %arg14[%swap3A_166, %swap3A_167] : memref<8x256xf32, #tpu.memory_space<vmem>>, vector<8x256xf32>
      tpu.vector_store %arg14[%swap3A_166, %swap3A_167], %concatenate3A {strides = array<i32>} : memref<8x256xf32, #tpu.memory_space<vmem>>, vector<8x256xf32>,
      %swap3A_169 = arith.constant 0 : index
      %swap3A_170 = memref.load %arg15[%swap3A_169] : memref<4xf32, #tpu.memory_space<smem>>
      memref.store %reduce_sum3A_128, %arg15[%swap3A_169] : memref<4xf32, #tpu.memory_space<smem>>
      %swap3A_171 = arith.constant 1 : index
      %swap3A_172 = memref.load %arg15[%swap3A_171] : memref<4xf32, #tpu.memory_space<smem>>
      memref.store %reduce_sum3A_133, %arg15[%swap3A_171] : memref<4xf32, #tpu.memory_space<smem>>
      %swap3A_173 = arith.constant 2 : index
      %swap3A_174 = memref.load %arg15[%swap3A_173] : memref<4xf32, #tpu.memory_space<smem>>
      memref.store %reduce_sum3A_142, %arg15[%swap3A_173] : memref<4xf32, #tpu.memory_space<smem>>
      %broadcast_in_dim3A_175 = arith.constant 0.000000e+00 : f32
      %broadcast_in_dim3A_176 = vector.broadcast %broadcast_in_dim3A_175 : f32 to vector<1x1xf32>
      %swap3A_177 = arith.constant 0 : index
      %swap3A_178 = arith.constant 0 : index
      %swap3A_179 = vector.load %arg11[%swap3A_177, %swap3A_178] : memref<1x1xf32, #tpu.memory_space<vmem>>, vector<1x1xf32>
      tpu.vector_store %arg11[%swap3A_177, %swap3A_178], %broadcast_in_dim3A_176 {strides = array<i32>} : memref<1x1xf32, #tpu.memory_space<vmem>>, vector<1x1xf32>,
      %broadcast_in_dim3A_180 = arith.constant 0.000000e+00 : f32
      %broadcast_in_dim3A_181 = vector.broadcast %broadcast_in_dim3A_180 : f32 to vector<1x1xf32>
      %swap3A_182 = arith.constant 0 : index
      %swap3A_183 = arith.constant 0 : index
      %swap3A_184 = vector.load %arg12[%swap3A_182, %swap3A_183] : memref<1x1xf32, #tpu.memory_space<vmem>>, vector<1x1xf32>
      tpu.vector_store %arg12[%swap3A_182, %swap3A_183], %broadcast_in_dim3A_181 {strides = array<i32>} : memref<1x1xf32, #tpu.memory_space<vmem>>, vector<1x1xf32>,
    } else {
    }
    %gt3A_147 = arith.constant 0 : i32
    %gt3A_148 = arith.cmpi sgt, %arg0, %gt3A_147 : i32
    %convert_element_type3A_149 = arith.extui %gt3A_148 : i1 to i32
    %cond3A_150 = arith.constant 0 : i32
    %cond3A_151 = arith.cmpi ne, %convert_element_type3A_149, %cond3A_150 : i32
    scf.if %cond3A_151 {
      %get3A_157 = arith.constant 0 : index
      %get3A_158 = arith.constant 0 : index
      %get3A_159 = vector.load %arg8[%get3A_157, %get3A_158] : memref<128x256xf32, #tpu.memory_space<vmem>>, vector<128x256xf32>
      %add3A_160 = arith.addf %get3A_159, %dot_general3A_95 : vector<128x256xf32>
      %swap3A_161 = arith.constant 0 : index
      %swap3A_162 = arith.constant 0 : index
      %swap3A_163 = vector.load %arg8[%swap3A_161, %swap3A_162] : memref<128x256xf32, #tpu.memory_space<vmem>>, vector<128x256xf32>
      tpu.vector_store %arg8[%swap3A_161, %swap3A_162], %add3A_160 {strides = array<i32>} : memref<128x256xf32, #tpu.memory_space<vmem>>, vector<128x256xf32>,
      %get3A_164 = arith.constant 0 : index
      %get3A_165 = arith.constant 0 : index
      %get3A_166 = vector.load %arg10[%get3A_164, %get3A_165] : memref<128x256xf32, #tpu.memory_space<vmem>>, vector<128x256xf32>
      %add3A_167 = arith.addf %get3A_166, %dot_general3A_100 : vector<128x256xf32>
      %swap3A_168 = arith.constant 0 : index
      %swap3A_169 = arith.constant 0 : index
      %swap3A_170 = vector.load %arg10[%swap3A_168, %swap3A_169] : memref<128x256xf32, #tpu.memory_space<vmem>>, vector<128x256xf32>
      tpu.vector_store %arg10[%swap3A_168, %swap3A_169], %add3A_167 {strides = array<i32>} : memref<128x256xf32, #tpu.memory_space<vmem>>, vector<128x256xf32>,
      %get3A_171 = arith.constant 0 : index
      %get3A_172 = arith.constant 0 : index
      %get3A_173 = vector.load %arg9[%get3A_171, %get3A_172] : memref<128x256xf32, #tpu.memory_space<vmem>>, vector<128x256xf32>
      %add3A_174 = arith.addf %get3A_173, %add3A_106 : vector<128x256xf32>
      %swap3A_175 = arith.constant 0 : index
      %swap3A_176 = arith.constant 0 : index
      %swap3A_177 = vector.load %arg9[%swap3A_175, %swap3A_176] : memref<128x256xf32, #tpu.memory_space<vmem>>, vector<128x256xf32>
      tpu.vector_store %arg9[%swap3A_175, %swap3A_176], %add3A_174 {strides = array<i32>} : memref<128x256xf32, #tpu.memory_space<vmem>>, vector<128x256xf32>,
      %get3A_178 = arith.constant 0 : index
      %get3A_179 = arith.constant 0 : index
      %get3A_180 = vector.load %arg14[%get3A_178, %get3A_179] : memref<8x256xf32, #tpu.memory_space<vmem>>, vector<8x256xf32>
      %add3A_181 = arith.addf %get3A_180, %concatenate3A : vector<8x256xf32>
      %swap3A_182 = arith.constant 0 : index
      %swap3A_183 = arith.constant 0 : index
      %swap3A_184 = vector.load %arg14[%swap3A_182, %swap3A_183] : memref<8x256xf32, #tpu.memory_space<vmem>>, vector<8x256xf32>
      tpu.vector_store %arg14[%swap3A_182, %swap3A_183], %add3A_181 {strides = array<i32>} : memref<8x256xf32, #tpu.memory_space<vmem>>, vector<8x256xf32>,
      %get3A_185 = arith.constant 0 : index
      %get3A_186 = memref.load %arg15[%get3A_185] : memref<4xf32, #tpu.memory_space<smem>>
      %add3A_187 = arith.addf %get3A_186, %reduce_sum3A_128 : f32
      %swap3A_188 = arith.constant 0 : index
      %swap3A_189 = memref.load %arg15[%swap3A_188] : memref<4xf32, #tpu.memory_space<smem>>
      memref.store %add3A_187, %arg15[%swap3A_188] : memref<4xf32, #tpu.memory_space<smem>>
      %get3A_190 = arith.constant 1 : index
      %get3A_191 = memref.load %arg15[%get3A_190] : memref<4xf32, #tpu.memory_space<smem>>
      %add3A_192 = arith.addf %get3A_191, %reduce_sum3A_133 : f32
      %swap3A_193 = arith.constant 1 : index
      %swap3A_194 = memref.load %arg15[%swap3A_193] : memref<4xf32, #tpu.memory_space<smem>>
      memref.store %add3A_192, %arg15[%swap3A_193] : memref<4xf32, #tpu.memory_space<smem>>
      %get3A_195 = arith.constant 2 : index
      %get3A_196 = memref.load %arg15[%get3A_195] : memref<4xf32, #tpu.memory_space<smem>>
      %add3A_197 = arith.addf %get3A_196, %reduce_sum3A_142 : f32
      %swap3A_198 = arith.constant 2 : index
      %swap3A_199 = memref.load %arg15[%swap3A_198] : memref<4xf32, #tpu.memory_space<smem>>
      memref.store %add3A_197, %arg15[%swap3A_198] : memref<4xf32, #tpu.memory_space<smem>>
    } else {
    }
    %eq3A_152 = arith.constant 4 : i32
    %eq3A_153 = arith.cmpi eq, %arg0, %eq3A_152 : i32
    %convert_element_type3A_154 = arith.extui %eq3A_153 : i1 to i32
    %cond3A_155 = arith.constant 0 : i32
    %cond3A_156 = arith.cmpi ne, %convert_element_type3A_154, %cond3A_155 : i32
    scf.if %cond3A_156 {
      %add3A_157 = arith.constant 9.99999997E-7 : f32
      %add3A_158 = vector.broadcast %add3A_157 : f32 to vector<256xf32>
      %add3A_159 = arith.addf %sqrt3A, %add3A_158 : vector<256xf32>
      %add3A_160 = arith.constant 9.99999997E-7 : f32
      %add3A_161 = vector.broadcast %add3A_160 : f32 to vector<256xf32>
      %add3A_162 = arith.addf %sqrt3A, %add3A_161 : vector<256xf32>
      %mul3A_163 = arith.mulf %add3A_159, %add3A_162 : vector<256xf32>
      %get3A_164 = arith.constant 0 : index
      %get3A_165 = memref.load %arg15[%get3A_164] : memref<4xf32, #tpu.memory_space<smem>>
      %mul3A_166 = arith.constant 5.000000e-01 : f32
      %mul3A_167 = arith.mulf %mul3A_166, %get3A_165 : f32
      %mul3A_168 = arith.mulf %sqrt3A, %sqrt3A : vector<256xf32>
      %div3A_169 = arith.divf %mul3A_168, %mul3A_163 : vector<256xf32>
      %reduce_sum3A_170 = vector.shape_cast %div3A_169 : vector<256xf32> to vector<1x256xf32>
      %reduce_sum3A_171 = arith.constant dense<0.000000e+00> : vector<1xf32>
      %reduce_sum3A_172 = vector.multi_reduction <add>, %reduce_sum3A_170, %reduce_sum3A_171 [1] : vector<1x256xf32> to vector<1xf32>
      %reduce_sum3A_173 = vector.shape_cast %reduce_sum3A_172 : vector<1xf32> to vector<1x1xf32>
      %reduce_sum3A_174 = vector.extract %reduce_sum3A_173[0, 0] : f32 from vector<1x1xf32>
      %mul3A_175 = arith.mulf %mul3A_167, %reduce_sum3A_174 : f32
      %div3A_176 = arith.constant 2.560000e+06 : f32
      %div3A_177 = arith.divf %mul3A_175, %div3A_176 : f32
      %get3A_178 = arith.constant 1 : index
      %get3A_179 = arith.constant 0 : index
      %get3A_180 = vector.load %arg14[%get3A_178, %get3A_179] : memref<8x256xf32, #tpu.memory_space<vmem>>, vector<1x256xf32>
      %get3A_181 = vector.shape_cast %get3A_180 : vector<1x256xf32> to vector<256xf32>
      %mul3A_182 = arith.constant 2.000000e+00 : f32
      %mul3A_183 = vector.broadcast %mul3A_182 : f32 to vector<256xf32>
      %mul3A_184 = arith.mulf %mul3A_183, %div3A_64 : vector<256xf32>
      %get3A_185 = arith.constant 0 : index
      %get3A_186 = arith.constant 0 : index
      %get3A_187 = vector.load %arg14[%get3A_185, %get3A_186] : memref<8x256xf32, #tpu.memory_space<vmem>>, vector<1x256xf32>
      %get3A_188 = vector.shape_cast %get3A_187 : vector<1x256xf32> to vector<256xf32>
      %mul3A_189 = arith.mulf %mul3A_184, %get3A_188 : vector<256xf32>
      %sub3A_190 = arith.subf %get3A_181, %mul3A_189 : vector<256xf32>
      %mul3A_191 = arith.mulf %div3A_64, %div3A_64 : vector<256xf32>
      %get3A_192 = arith.constant 1 : index
      %get3A_193 = memref.load %arg15[%get3A_192] : memref<4xf32, #tpu.memory_space<smem>>
      %mul3A_194 = vector.broadcast %get3A_193 : f32 to vector<256xf32>
      %mul3A_195 = arith.mulf %mul3A_191, %mul3A_194 : vector<256xf32>
      %add3A_196 = arith.addf %sub3A_190, %mul3A_195 : vector<256xf32>
      %div3A_197 = arith.divf %add3A_196, %mul3A_163 : vector<256xf32>
      %reduce_sum3A_198 = vector.shape_cast %div3A_197 : vector<256xf32> to vector<1x256xf32>
      %reduce_sum3A_199 = arith.constant dense<0.000000e+00> : vector<1xf32>
      %reduce_sum3A_200 = vector.multi_reduction <add>, %reduce_sum3A_198, %reduce_sum3A_199 [1] : vector<1x256xf32> to vector<1xf32>
      %reduce_sum3A_201 = vector.shape_cast %reduce_sum3A_200 : vector<1xf32> to vector<1x1xf32>
      %reduce_sum3A_202 = vector.extract %reduce_sum3A_201[0, 0] : f32 from vector<1x1xf32>
      %div3A_203 = arith.constant 2.560000e+02 : f32
      %div3A_204 = arith.divf %reduce_sum3A_202, %div3A_203 : f32
      %add3A_205 = arith.addf %div3A_177, %div3A_204 : f32
      %broadcast_in_dim3A_206 = vector.broadcast %add3A_205 : f32 to vector<1x1xf32>
      %swap3A_207 = arith.constant 0 : index
      %swap3A_208 = arith.constant 0 : index
      %swap3A_209 = vector.load %arg11[%swap3A_207, %swap3A_208] : memref<1x1xf32, #tpu.memory_space<vmem>>, vector<1x1xf32>
      tpu.vector_store %arg11[%swap3A_207, %swap3A_208], %broadcast_in_dim3A_206 {strides = array<i32>} : memref<1x1xf32, #tpu.memory_space<vmem>>, vector<1x1xf32>,
      %get3A_210 = arith.constant 2 : index
      %get3A_211 = memref.load %arg15[%get3A_210] : memref<4xf32, #tpu.memory_space<smem>>
      %div3A_212 = arith.constant 1.000000e+04 : f32
      %div3A_213 = arith.divf %get3A_211, %div3A_212 : f32
      %broadcast_in_dim3A_214 = vector.broadcast %div3A_213 : f32 to vector<1x1xf32>
      %swap3A_215 = arith.constant 0 : index
      %swap3A_216 = arith.constant 0 : index
      %swap3A_217 = vector.load %arg12[%swap3A_215, %swap3A_216] : memref<1x1xf32, #tpu.memory_space<vmem>>, vector<1x1xf32>
      tpu.vector_store %arg12[%swap3A_215, %swap3A_216], %broadcast_in_dim3A_214 {strides = array<i32>} : memref<1x1xf32, #tpu.memory_space<vmem>>, vector<1x1xf32>,
    } else {
    }
    return
  }
  func.func @transform_0(%arg0: i32) -> (i32, i32) {
    %c0_i32 = arith.constant 0 : i32
    %c0_i32_0 = arith.constant 0 : i32
    return %arg0, %c0_i32 : i32, i32
  }
  func.func @transform_1(%arg0: i32) -> (i32, i32) {
    %c0_i32 = arith.constant 0 : i32
    %c0_i32_0 = arith.constant 0 : i32
    %c0_i32_1 = arith.constant 0 : i32
    return %c0_i32, %c0_i32_0 : i32, i32
  }
  func.func @transform_2(%arg0: i32) -> (i32, i32) {
    %c0_i32 = arith.constant 0 : i32
    %c0_i32_0 = arith.constant 0 : i32
    return %arg0, %c0_i32 : i32, i32
  }
  func.func @transform_3(%arg0: i32) -> (i32, i32) {
    %c0_i32 = arith.constant 0 : i32
    %c0_i32_0 = arith.constant 0 : i32
    return %arg0, %c0_i32 : i32, i32
  }
  func.func @transform_4(%arg0: i32) -> (i32, i32) {
    %c0_i32 = arith.constant 0 : i32
    %c0_i32_0 = arith.constant 0 : i32
    return %arg0, %c0_i32 : i32, i32
  }
  func.func @transform_5(%arg0: i32) -> (i32, i32) {
    %c0_i32 = arith.constant 0 : i32
    %c0_i32_0 = arith.constant 0 : i32
    %c0_i32_1 = arith.constant 0 : i32
    return %c0_i32, %c0_i32_0 : i32, i32
  }
  func.func @transform_6(%arg0: i32) -> (i32, i32) {
    %c0_i32 = arith.constant 0 : i32
    %c0_i32_0 = arith.constant 0 : i32
    %c0_i32_1 = arith.constant 0 : i32
    return %c0_i32, %c0_i32_0 : i32, i32
  }
  func.func @transform_7(%arg0: i32) -> (i32, i32) {
    %c0_i32 = arith.constant 0 : i32
    %c0_i32_0 = arith.constant 0 : i32
    %c0_i32_1 = arith.constant 0 : i32
    return %c0_i32, %c0_i32_0 : i32, i32
  }
  func.func @transform_8(%arg0: i32) -> (i32, i32) {
    %c0_i32 = arith.constant 0 : i32
    %c0_i32_0 = arith.constant 0 : i32
    %c0_i32_1 = arith.constant 0 : i32
    return %c0_i32, %c0_i32_0 : i32, i32
  }
  func.func @transform_9(%arg0: i32) -> (i32, i32) {
    %c0_i32 = arith.constant 0 : i32
    %c0_i32_0 = arith.constant 0 : i32
    %c0_i32_1 = arith.constant 0 : i32
    return %c0_i32, %c0_i32_0 : i32, i32
  }
  func.func @transform_10(%arg0: i32) -> (i32, i32) {
    %c0_i32 = arith.constant 0 : i32
    %c0_i32_0 = arith.constant 0 : i32
    %c0_i32_1 = arith.constant 0 : i32
    return %c0_i32, %c0_i32_0 : i32, i32
  }
  func.func @transform_11(%arg0: i32) -> (i32, i32) {
    %c0_i32 = arith.constant 0 : i32
    %c0_i32_0 = arith.constant 0 : i32
    %c0_i32_1 = arith.constant 0 : i32
    return %c0_i32, %c0_i32_0 : i32, i32
  }
  func.func @transform_12(%arg0: i32) -> (i32, i32) {
    %c0_i32 = arith.constant 0 : i32
    %c0_i32_0 = arith.constant 0 : i32
    return %arg0, %c0_i32 : i32, i32
  }
}

module attributes {stable_mosaic.version = 14 : i64} {
  func.func @_tc_pos_body(%arg0: i32, %arg1: memref<2000x128xf32, #tpu.memory_space<vmem>>, %arg2: memref<2000x128xf32, #tpu.memory_space<vmem>>, %arg3: memref<2000x128xf32, #tpu.memory_space<vmem>>, %arg4: memref<2000x128xf32, #tpu.memory_space<vmem>>, %arg5: memref<1x1xf32, #tpu.memory_space<vmem>>, %arg6: memref<4xf32, #tpu.memory_space<smem>>) attributes {dimension_semantics = [#tpu.dimension_semantics<arbitrary>], iteration_bounds = array<i64: 5>, scalar_prefetch = 0 : i64, scratch_operands = 1 : i64, tpu.core_type = #tpu.core_type<tc>, window_params = [{transform_indices = @transform_0, window_bounds = array<i64: 2000, 128>}, {transform_indices = @transform_1, window_bounds = array<i64: 2000, 128>}, {transform_indices = @transform_2, window_bounds = array<i64: 2000, 128>}, {transform_indices = @transform_3, window_bounds = array<i64: 2000, 128>}, {pipeline_mode = #tpu.pipeline_mode<synchronous>, transform_indices = @transform_4, window_bounds = array<i64: 1, 1>}]} {
    %get3A = arith.constant 0 : index
    %get3A_0 = arith.constant 0 : index
    %get3A_1 = vector.load %arg1[%get3A, %get3A_0] : memref<2000x128xf32, #tpu.memory_space<vmem>>, vector<2000x128xf32>
    %get3A_2 = arith.constant 0 : index
    %get3A_3 = arith.constant 0 : index
    %get3A_4 = vector.load %arg2[%get3A_2, %get3A_3] : memref<2000x128xf32, #tpu.memory_space<vmem>>, vector<2000x128xf32>
    %get3A_5 = arith.constant 0 : index
    %get3A_6 = arith.constant 0 : index
    %get3A_7 = vector.load %arg3[%get3A_5, %get3A_6] : memref<2000x128xf32, #tpu.memory_space<vmem>>, vector<2000x128xf32>
    %add3A = arith.addf %get3A_4, %get3A_7 : vector<2000x128xf32>
    %mul3A = arith.mulf %get3A_1, %add3A : vector<2000x128xf32>
    %reduce_sum3A = vector.shape_cast %mul3A : vector<2000x128xf32> to vector<1x2000x128xf32>
    %reduce_sum3A_8 = arith.constant dense<0.000000e+00> : vector<1xf32>
    %reduce_sum3A_9 = vector.multi_reduction <add>, %reduce_sum3A, %reduce_sum3A_8 [1, 2] : vector<1x2000x128xf32> to vector<1xf32>
    %reduce_sum3A_10 = vector.shape_cast %reduce_sum3A_9 : vector<1xf32> to vector<1x1x1xf32>
    %reduce_sum3A_11 = vector.extract %reduce_sum3A_10[0, 0, 0] : f32 from vector<1x1x1xf32>
    %div3A = arith.constant 1.280000e+02 : f32
    %div3A_12 = arith.divf %reduce_sum3A_11, %div3A : f32
    %reduce_sum3A_13 = vector.shape_cast %add3A : vector<2000x128xf32> to vector<1x2000x128xf32>
    %reduce_sum3A_14 = arith.constant dense<0.000000e+00> : vector<1xf32>
    %reduce_sum3A_15 = vector.multi_reduction <add>, %reduce_sum3A_13, %reduce_sum3A_14 [1, 2] : vector<1x2000x128xf32> to vector<1xf32>
    %reduce_sum3A_16 = vector.shape_cast %reduce_sum3A_15 : vector<1xf32> to vector<1x1x1xf32>
    %reduce_sum3A_17 = vector.extract %reduce_sum3A_16[0, 0, 0] : f32 from vector<1x1x1xf32>
    %div3A_18 = arith.constant 1.280000e+02 : f32
    %div3A_19 = arith.divf %reduce_sum3A_17, %div3A_18 : f32
    %get3A_20 = arith.constant 0 : index
    %get3A_21 = arith.constant 0 : index
    %get3A_22 = vector.load %arg4[%get3A_20, %get3A_21] : memref<2000x128xf32, #tpu.memory_space<vmem>>, vector<2000x128xf32>
    %mul3A_23 = arith.mulf %get3A_1, %get3A_22 : vector<2000x128xf32>
    %reduce_sum3A_24 = vector.shape_cast %mul3A_23 : vector<2000x128xf32> to vector<1x2000x128xf32>
    %reduce_sum3A_25 = arith.constant dense<0.000000e+00> : vector<1xf32>
    %reduce_sum3A_26 = vector.multi_reduction <add>, %reduce_sum3A_24, %reduce_sum3A_25 [1, 2] : vector<1x2000x128xf32> to vector<1xf32>
    %reduce_sum3A_27 = vector.shape_cast %reduce_sum3A_26 : vector<1xf32> to vector<1x1x1xf32>
    %reduce_sum3A_28 = vector.extract %reduce_sum3A_27[0, 0, 0] : f32 from vector<1x1x1xf32>
    %div3A_29 = arith.constant 1.280000e+02 : f32
    %div3A_30 = arith.divf %reduce_sum3A_28, %div3A_29 : f32
    %eq3A = arith.constant 0 : i32
    %eq3A_31 = arith.cmpi eq, %arg0, %eq3A : i32
    %convert_element_type3A = arith.extui %eq3A_31 : i1 to i32
    %cond3A = arith.constant 0 : i32
    %cond3A_32 = arith.cmpi ne, %convert_element_type3A, %cond3A : i32
    scf.if %cond3A_32 {
      %swap3A = arith.constant 0 : index
      %swap3A_42 = memref.load %arg6[%swap3A] : memref<4xf32, #tpu.memory_space<smem>>
      memref.store %div3A_12, %arg6[%swap3A] : memref<4xf32, #tpu.memory_space<smem>>
      %swap3A_43 = arith.constant 1 : index
      %swap3A_44 = memref.load %arg6[%swap3A_43] : memref<4xf32, #tpu.memory_space<smem>>
      memref.store %div3A_19, %arg6[%swap3A_43] : memref<4xf32, #tpu.memory_space<smem>>
      %swap3A_45 = arith.constant 2 : index
      %swap3A_46 = memref.load %arg6[%swap3A_45] : memref<4xf32, #tpu.memory_space<smem>>
      memref.store %div3A_30, %arg6[%swap3A_45] : memref<4xf32, #tpu.memory_space<smem>>
      %broadcast_in_dim3A = arith.constant 0.000000e+00 : f32
      %broadcast_in_dim3A_47 = vector.broadcast %broadcast_in_dim3A : f32 to vector<1x1xf32>
      %swap3A_48 = arith.constant 0 : index
      %swap3A_49 = arith.constant 0 : index
      %swap3A_50 = vector.load %arg5[%swap3A_48, %swap3A_49] : memref<1x1xf32, #tpu.memory_space<vmem>>, vector<1x1xf32>
      tpu.vector_store %arg5[%swap3A_48, %swap3A_49], %broadcast_in_dim3A_47 {strides = array<i32>} : memref<1x1xf32, #tpu.memory_space<vmem>>, vector<1x1xf32>,
    } else {
    }
    %gt3A = arith.constant 0 : i32
    %gt3A_33 = arith.cmpi sgt, %arg0, %gt3A : i32
    %convert_element_type3A_34 = arith.extui %gt3A_33 : i1 to i32
    %cond3A_35 = arith.constant 0 : i32
    %cond3A_36 = arith.cmpi ne, %convert_element_type3A_34, %cond3A_35 : i32
    scf.if %cond3A_36 {
      %get3A_42 = arith.constant 0 : index
      %get3A_43 = memref.load %arg6[%get3A_42] : memref<4xf32, #tpu.memory_space<smem>>
      %add3A_44 = arith.addf %get3A_43, %div3A_12 : f32
      %swap3A = arith.constant 0 : index
      %swap3A_45 = memref.load %arg6[%swap3A] : memref<4xf32, #tpu.memory_space<smem>>
      memref.store %add3A_44, %arg6[%swap3A] : memref<4xf32, #tpu.memory_space<smem>>
      %get3A_46 = arith.constant 1 : index
      %get3A_47 = memref.load %arg6[%get3A_46] : memref<4xf32, #tpu.memory_space<smem>>
      %add3A_48 = arith.addf %get3A_47, %div3A_19 : f32
      %swap3A_49 = arith.constant 1 : index
      %swap3A_50 = memref.load %arg6[%swap3A_49] : memref<4xf32, #tpu.memory_space<smem>>
      memref.store %add3A_48, %arg6[%swap3A_49] : memref<4xf32, #tpu.memory_space<smem>>
      %get3A_51 = arith.constant 2 : index
      %get3A_52 = memref.load %arg6[%get3A_51] : memref<4xf32, #tpu.memory_space<smem>>
      %add3A_53 = arith.addf %get3A_52, %div3A_30 : f32
      %swap3A_54 = arith.constant 2 : index
      %swap3A_55 = memref.load %arg6[%swap3A_54] : memref<4xf32, #tpu.memory_space<smem>>
      memref.store %add3A_53, %arg6[%swap3A_54] : memref<4xf32, #tpu.memory_space<smem>>
    } else {
    }
    %eq3A_37 = arith.constant 4 : i32
    %eq3A_38 = arith.cmpi eq, %arg0, %eq3A_37 : i32
    %convert_element_type3A_39 = arith.extui %eq3A_38 : i1 to i32
    %cond3A_40 = arith.constant 0 : i32
    %cond3A_41 = arith.cmpi ne, %convert_element_type3A_39, %cond3A_40 : i32
    scf.if %cond3A_41 {
      %get3A_42 = arith.constant 0 : index
      %get3A_43 = memref.load %arg6[%get3A_42] : memref<4xf32, #tpu.memory_space<smem>>
      %get3A_44 = arith.constant 1 : index
      %get3A_45 = memref.load %arg6[%get3A_44] : memref<4xf32, #tpu.memory_space<smem>>
      %get3A_46 = arith.constant 2 : index
      %get3A_47 = memref.load %arg6[%get3A_46] : memref<4xf32, #tpu.memory_space<smem>>
      %div3A_48 = arith.divf %get3A_43, %get3A_47 : f32
      %sub3A = arith.constant 1.600000e+05 : f32
      %sub3A_49 = arith.subf %sub3A, %get3A_47 : f32
      %sub3A_50 = arith.subf %sub3A_49, %get3A_45 : f32
      %add3A_51 = arith.addf %sub3A_50, %get3A_43 : f32
      %sub3A_52 = arith.constant 1.600000e+05 : f32
      %sub3A_53 = arith.subf %sub3A_52, %get3A_47 : f32
      %div3A_54 = arith.divf %add3A_51, %sub3A_53 : f32
      %sub3A_55 = arith.constant 1.000000e+00 : f32
      %sub3A_56 = arith.subf %div3A_48, %sub3A_55 : f32
      %sub3A_57 = arith.constant 1.000000e+00 : f32
      %sub3A_58 = arith.subf %div3A_48, %sub3A_57 : f32
      %mul3A_59 = arith.mulf %sub3A_56, %sub3A_58 : f32
      %sub3A_60 = arith.constant 1.000000e+00 : f32
      %sub3A_61 = arith.subf %div3A_54, %sub3A_60 : f32
      %sub3A_62 = arith.constant 1.000000e+00 : f32
      %sub3A_63 = arith.subf %div3A_54, %sub3A_62 : f32
      %mul3A_64 = arith.mulf %sub3A_61, %sub3A_63 : f32
      %add3A_65 = arith.addf %mul3A_59, %mul3A_64 : f32
      %mul3A_66 = arith.constant 5.000000e-01 : f32
      %mul3A_67 = arith.mulf %add3A_65, %mul3A_66 : f32
      %broadcast_in_dim3A = vector.broadcast %mul3A_67 : f32 to vector<1x1xf32>
      %swap3A = arith.constant 0 : index
      %swap3A_68 = arith.constant 0 : index
      %swap3A_69 = vector.load %arg5[%swap3A, %swap3A_68] : memref<1x1xf32, #tpu.memory_space<vmem>>, vector<1x1xf32>
      tpu.vector_store %arg5[%swap3A, %swap3A_68], %broadcast_in_dim3A {strides = array<i32>} : memref<1x1xf32, #tpu.memory_space<vmem>>, vector<1x1xf32>,
    } else {
    }
    return
  }
  func.func @transform_0(%arg0: i32) -> (i32, i32) {
    %c0_i32 = arith.constant 0 : i32
    %c0_i32_0 = arith.constant 0 : i32
    return %arg0, %c0_i32 : i32, i32
  }
  func.func @transform_1(%arg0: i32) -> (i32, i32) {
    %c0_i32 = arith.constant 0 : i32
    %c0_i32_0 = arith.constant 0 : i32
    return %arg0, %c0_i32 : i32, i32
  }
  func.func @transform_2(%arg0: i32) -> (i32, i32) {
    %c0_i32 = arith.constant 0 : i32
    %c0_i32_0 = arith.constant 0 : i32
    return %arg0, %c0_i32 : i32, i32
  }
  func.func @transform_3(%arg0: i32) -> (i32, i32) {
    %c0_i32 = arith.constant 0 : i32
    %c0_i32_0 = arith.constant 0 : i32
    return %arg0, %c0_i32 : i32, i32
  }
  func.func @transform_4(%arg0: i32) -> (i32, i32) {
    %c0_i32 = arith.constant 0 : i32
    %c0_i32_0 = arith.constant 0 : i32
    %c0_i32_1 = arith.constant 0 : i32
    return %c0_i32, %c0_i32_0 : i32, i32
  }
}

</mosaic_0001>

<sc_bundles>
// kernel: kernel.11.cloned.1.call-start
scs
__scs_entry_jumppad:
0x0: {  	(pc) =	sbr.rel $0x88, $3  }
0x1: {  	(tag) =	ssettag $0x0;
	lr =	simm.s32 $0x1  }
0x2: {  	[smem:$0x3F94] =	sst lr;
	_ =	strace $0xD0000000  }
0x3: {  	_ = 	snop  }
0x4: {  	_ = 	snop  }
0x5: {  	_ = 	snop  }
0x6: {  	_ = 	snop  }
0x7: {  	_ = 	snop  }
__scs_overlays_trampoline_lowered:
0x8: {  	[smem:$0x3FA3] =	sst s0  }
0x9: {  	[smem:$0x3FA4] =	sst s1  }
0xa: {  	[smem:$0x3FA5] =	sst s2  }
0xb: {  	[smem:$0x3FA6] =	sst s3  }
0xc: {  	[smem:$0x3FA7] =	sst s4  }
0xd: {  	[smem:$0x3FA8] =	sst s5  }
0xe: {  	[smem:$0x3FA9] =	sst s6  }
0xf: {  	[smem:$0x3FAA] =	sst s7  }
0x10: {  	[smem:$0x3FAB] =	sst s8  }
0x11: {  	[smem:$0x3FAC] =	sst s9;
	s0 =	simm.s32 @!p0 $0x0  }
0x12: {  	s1 =	sld [smem:$0x3F92];
	s0 =	simm.s32 @p0 $0x1  }
0x13: {  	[smem:$0x3FAD] =	sst s0;
	s0 =	simm.s32 @!p1 $0x0  }
0x14: {  	s2 =	sld [smem:$0x3F91];
	s0 =	simm.s32 @p1 $0x1  }
0x15: {  	[smem:$0x3FAE] =	sst s0;
	s0 =	simm.s32 @!p2 $0x0  }
0x16: {  	s3 =	sld [smem:$0x3FDB];
	s0 =	simm.s32 @p2 $0x1  }
0x17: {  	s4 =	simm.s32 $0x1BF5;
	[smem:$0x3FB0] =	sst s0  }
0x18: {  	s0 =	sld [smem:$0x3F93];
	_ =	swait.ge [sflag:s4], $0x0  }
0x19: {  	s7 =	sld [smem:$0x3F94]  }
0x1a: {  	s8 =	sadd.s32 $0xFFFFE003, lr  }
0x1b: {  	s9 =	sadd.s32 $0xFFFFFEF7, lr;
	s5 =	simm.s32 $0xFFFFFFFF;
	p2 =	slt.u32 s8, $0xFFFFF086  }
0x1c: {  	p1 =	slt.u32 s9, $0xF7A;
	s5 =	simm.s32 @!p2 $0x0  }
0x1d: {  	s5 =	simm.s32 @p1 $0x1;
	p0 =	seq.s32 s7, s2  }
0x1e: {  	s7 =	smul.u32 @!p0 $0xF7A, s2;
	p2 =	seq.s32 @!p0 s5, $0x0  }
0x1f: {  	s9 =	smul.u32 $0xF7A, s1;
	s8 =	simm.s32 @!p0 $0x1BF5;
	p2 =	por !p2, p0  }
0x20: {  	[sflag:s8] =	ssyncset.s32 @!p0 $0xFFFFF086;
	s6 =	sadd.s32 @!p0 s3, s7;
	s7 =	simm.s32 @!p0 $0x108  }
0x21: {  	s3 =	sadd.s32 s3, s9;
	s6 =	sadd.s32 @!p0 $0x88, s6;
	s7 =	simm.s32 @p2 $0x1082  }
0x22: {  	[simem:s7], [sflag:s8] =	dma.local @!p0 [hbm:s6], $0xF7A  }
0x23: {  	s9 =	sor.u32 $0xD0000000, s2;
	s6 =	simm.s32 $0x108;
	_ =	swait.ge @!p0 [sflag:s8], $0x0  }
0x24: {  	s3 =	sadd.s32 $0x88, s3;
	s6 =	simm.s32 @!p1 $0x1082;
	[sflag:s4] =	ssyncset.s32 $0xFFFFF086  }
0x25: {  	[simem:s6], [sflag:s4] =	dma.local [hbm:s3], $0xF7A  }
0x26: {  	[smem:$0x3F94] =	sst s1;
	(tag) =	ssettag s2;
	_ =	strace s9  }
0x27: {  	s1 =	sld [smem:$0x3FA4]  }
0x28: {  	s2 =	sld [smem:$0x3FA5]  }
0x29: {  	s4 =	sld [smem:$0x3FA7]  }
0x2a: {  	p0 =	seq.s32 s5, $0x0;
	s5 =	sld [smem:$0x3FA8]  }
0x2b: {  	s6 =	sld [smem:$0x3FA9]  }
0x2c: {  	s7 =	sld [smem:$0x3FAA]  }
0x2d: {  	s3 =	simm.s32 $0x108;
	s8 =	sld [smem:$0x3FAB]  }
0x2e: {  	s3 =	simm.s32 @!p0 $0x1082;
	s9 =	sld [smem:$0x3FAC]  }
0x2f: {  	lr =	sadd.s32 s0, s3;
	s0 =	sld [smem:$0x3FA3]  }
0x30: {  	s3 =	sld [smem:$0x3FA6]  }
0x31: {  	[smem:$0x3FAF] =	sst s10  }
0x32: {  	s10 =	sld [smem:$0x3FAD];
	_ =	sdelay $0x3  }
0x33: {  	p0 =	seq.s32 s10, $0x1;
	s10 =	sld [smem:$0x3FAF];
	_ =	sdelay $0x3  }
0x34: {  	[smem:$0x3FAF] =	sst s10  }
0x35: {  	s10 =	sld [smem:$0x3FAE];
	_ =	sdelay $0x3  }
0x36: {  	p1 =	seq.s32 s10, $0x1;
	s10 =	sld [smem:$0x3FAF];
	_ =	sdelay $0x3  }
0x37: {  	[smem:$0x3FAF] =	sst s10  }
0x38: {  	s10 =	sld [smem:$0x3FB0]  }
0x39: {  	_ = 	snop;
	(pc) =	sbr.ind lr, $3  }
0x3a: {  	_ = 	snop  }
0x3b: {  	_ = 	snop  }
0x3c: {  	p2 =	seq.s32 s10, $0x1;
	s10 =	sld [smem:$0x3FAF]  }
0x3d: {  	_ =	shalt  }
0x3e: {  	_ =	shalt  }
0x3f: {  	_ =	shalt  }
0x40: {  	_ =	shalt  }
0x41: {  	_ =	shalt  }
0x42: {  	_ =	shalt  }
0x43: {  	_ =	shalt  }
0x44: {  	_ =	shalt  }
0x45: {  	_ =	shalt  }
0x46: {  	_ =	shalt  }
0x47: {  	_ =	shalt  }
0x48: {  	_ =	shalt  }
0x49: {  	_ =	shalt  }
0x4a: {  	_ =	shalt  }
0x4b: {  	_ =	shalt  }
0x4c: {  	_ =	shalt  }
0x4d: {  	_ =	shalt  }
0x4e: {  	_ =	shalt  }
0x4f: {  	_ =	shalt  }
0x50: {  	_ =	shalt  }
0x51: {  	_ =	shalt  }
0x52: {  	_ =	shalt  }
0x53: {  	_ =	shalt  }
0x54: {  	_ =	shalt  }
0x55: {  	_ =	shalt  }
0x56: {  	_ =	shalt  }
0x57: {  	_ =	shalt  }
0x58: {  	_ =	shalt  }
0x59: {  	_ =	shalt  }
0x5a: {  	_ =	shalt  }
0x5b: {  	_ =	shalt  }
0x5c: {  	_ =	shalt  }
0x5d: {  	_ =	shalt  }
0x5e: {  	_ =	shalt  }
0x5f: {  	_ =	shalt  }
0x60: {  	_ =	shalt  }
0x61: {  	_ =	shalt  }
0x62: {  	_ =	shalt  }
0x63: {  	_ =	shalt  }
0x64: {  	_ =	shalt  }
0x65: {  	_ =	shalt  }
0x66: {  	_ =	shalt  }
0x67: {  	_ =	shalt  }
0x68: {  	_ =	shalt  }
0x69: {  	_ =	shalt  }
0x6a: {  	_ =	shalt  }
0x6b: {  	_ =	shalt  }
0x6c: {  	_ =	shalt  }
0x6d: {  	_ =	shalt  }
0x6e: {  	_ =	shalt  }
0x6f: {  	_ =	shalt  }
0x70: {  	_ =	shalt  }
0x71: {  	_ =	shalt  }
0x72: {  	_ =	shalt  }
0x73: {  	_ =	shalt  }
0x74: {  	_ =	shalt  }
0x75: {  	_ =	shalt  }
0x76: {  	_ =	shalt  }
0x77: {  	_ =	shalt  }
0x78: {  	_ =	shalt  }
0x79: {  	_ =	shalt  }
0x7a: {  	_ =	shalt  }
0x7b: {  	_ =	shalt  }
0x7c: {  	_ =	shalt  }
0x7d: {  	_ =	shalt  }
0x7e: {  	_ =	shalt  }
0x7f: {  	_ =	shalt  }
0x80: {  	_ =	shalt  }
0x81: {  	_ =	shalt  }
0x82: {  	_ =	shalt  }
0x83: {  	_ =	shalt  }
0x84: {  	_ =	shalt  }
0x85: {  	_ =	shalt  }
0x86: {  	_ =	shalt  }
0x87: {  	_ =	shalt  }
.Lfunc_end0:
.L_simem_size_0:
called_computation_lowered:
.L_overlay_start_0:
0x88: {  	s2 =	sld [smem:$0x3FD9]  }
0x89: {  	s3 =	sld [smem:$0x3FFE];
	_ =	sdelay $0x1  }
0x8a: {  	s1 =	srdreg.scid  }
0x8b: {  	s0 =	sand.u32 $0x1, s1  }
0x8c: {  	s16 =	sshll.u32 s0, $0xA;
	s2 =	sadd.s32 s3, s2  }
0x8d: {  	s2 =	sadd.s32 s2, s16  }
0x8e: {  	[smem:$0x3FBB] =	sst s2  }
0x8f: {  	_ = 	snop  }
0x90: {  	(tm) =	ssettm $0x1  }
0x91: {  	s17 =	sld [smem:$0x3FFB];
	_ =	sdelay $0x3  }
0x92: {  	_ =	strace s17  }
0x93: {  	s2 =	sld [smem:$0x3FFC];
	_ =	sdelay $0x3  }
0x94: {  	_ =	strace s2  }
0x95: {  	s2 =	sld [smem:$0x3FFD];
	_ =	sdelay $0x3  }
0x96: {  	_ =	strace s2  }
0x97: {  	_ =	strace $0x8FFFFFFF  }
0x98: {  	s18 =	sld [smem:$0x3FDB];
	_ =	sdelay $0x1  }
0x99: {  	s19 =	simm.s32 $_scs_section_size  }
0x9a: {  	s4 =	simm.s32 $_size__tile_overlayer_lowered;
	s5 =	simm.s32 $_tile_overlayer_lowered  }
0x9b: {  	s22 =	simm.s32 $0x1BFF;
	s21 =	sshll.u32 s5, $0x1;
	s2 =	sadd.s32 s19, s18  }
0x9c: {  	s6 =	simm.s32 $0x0;
	s20 =	sshll.u32 s4, $0x1;
	s4 =	sadd.s32 s21, s2  }
0x9d: {  	[timem:s6], [sflag:s22] =	dma.local [hbm:s4], s20  }
0x9e: {  	_ =	swait.ge [sflag:s22], s20  }
0x9f: {  	s3 =	ssub.s32 $0x0, s20;
	[sflag:s22] =	ssyncset.done $0x0  }
0xa0: {  	[sflag:s22] =	ssyncadd.s32 s3;
	_ =	sdelay $0x1  }
0xa1: {  	s23 =	simm.s32 $0x1B8B  }
0xa2: {  	_ =	swait.ge [sflag:s23], $0x1  }
0xa3: {  	[sflag:s23] =	ssyncset.done $0x0  }
0xa4: {  	s25 =	simm.s32 $0x1B8E;
	s24 =	sld [smem:$0x3FFE];
	[sflag:s23] =	ssyncadd.s32 $0xFFFFFFFF  }
0xa5: {  	s26 =	simm.s32 $execute0_lowered;
	[smem:$0x3FD2] =	sst s25  }
0xa6: {  	s4 =	sshll.u32 s26, $0x1;
	_ =	strace $0x80000046;
	[dreg:$0x1] =	wrdreg $0xFFFFFFFF  }
0xa7: {  	s28 =	simm.s32 $_size_execute0_lowered;
	s2 =	sadd.s32 s2, s4;
	[dreg:$0x0] =	wrdreg $0x0  }
0xa8: {  	s4 =	sshll.u32 s28, $0x1;
	[dreg:$0x2] =	wrdreg s2  }
0xa9: {  	[dreg:$0x3] =	wrdreg s4  }
0xaa: {  	[dreg:$0x4] =	wrdreg $0xC0  }
0xab: {  	_ =	task [dreg:s6], $0x5FFFF  }
0xac: {  	[dreg:$0x1] =	wrdreg $0xFFFFFFFF  }
0xad: {  	[dreg:$0x0] =	wrdreg $0x60  }
0xae: {  	[dreg:$0x2] =	wrdreg s24  }
0xaf: {  	[dreg:$0x3] =	wrdreg $0x29000  }
0xb0: {  	[dreg:$0x4] =	wrdreg $0x9  }
0xb1: {  	_ =	task.clear_ibuf [dreg:s6], $0x5FFFF;
	_ =	strace $0x90000046  }
0xb2: {  	s29 =	simm.s32 $0x9;
	_ =	strace $0x80000048  }
0xb3: {  	_ =	swait.ge [sflag:s29], $0x1  }
0xb4: {  	[sflag:s29] =	ssyncadd.s32 $0xFFFFFFFF  }
0xb5: {  	_ =	strace $0x90000048  }
0xb6: {  	_ =	sfence  }
0xb7: {  	s30 =	sld [smem:$0x0];
	_ =	sdelay $0x2  }
0xb8: {  	s31 =	sshll.u32 s1, $0xD;
	s1 =	sshrl.u32 s1, $0x2  }
0xb9: {  	s3 =	sand.u32 $0x4000, s31;
	s1 =	sadd.s32 s1, s30  }
0xba: {  	s0 =	sor.u32 s3, s0;
	s1 =	sshll.u32 s1, $0x11  }
0xbb: {  	s0 =	sor.u32 s1, s0  }
0xbc: {  	s0 =	sadd.s32 $0x8F2B, s0  }
0xbd: {  	[sflag:s0] =	ssyncadd.remote.s32 $0x1  }
0xbe: {  	_ =	sfence.sel $0xFFFF  }
0xbf: {  	[dreg:$0x0] =	wrdreg $0xFFFFFFFF;
	(pc) =	sbr.abs _section_cstart, $3  }
0xc0: {  	[dreg:$0x1] =	wrdreg $0xFFFFFFFF  }
0xc1: {  	_ =	task.clear_ibuf [dreg:s6], $0x2FFFF;
	_ =	strace $0x9FFFFFFF  }
0xc2: {  	(tm) =	ssettm $0x7FFFFFFF  }
0xc3: {  	_ =	shalt  }
tec
execute0_lowered:
.L_overlay_start_1:
0x0: {  	(tag) =	ssettag $0x1  }
0x1: {  	s8 =	rddreg [dreg:$0x0]  }
0x2: {  	s2 =	rddreg [dreg:$0x1]  }
0x3: {  	s0 =	rddreg [dreg:$0x2];
	s3 =	simm.s32 $0x0;
	s1 =	stileid.u32  }
0x4: {  	s7 =	srdreg.scid;
	s19 =	simm.s32 $0x50;
	s20 =	simm.s32 $0x100  }
0x5: {  	s21 =	simm.s32 $0x1;
	s23 =	simm.s32 $0x0;
	[smem:$0x7FF] =	sst s3  }
0x6: {  	s6 =	smul.u32 $0x4E2, s1;
	s4 =	sadd.s32 $0x10200, s8;
	s5 =	sadd.s32 $0x37400, s8  }
0x7: {  	s18 =	sand.u32 $0x1, s7;
	s10 =	smul.u32 $0x4E000, s1;
	s7 =	sadd.s32 $0xAF000, s8  }
0x8: {  	s12 =	sshll.u32 s1, $0x6;
	s13 =	smul.u32 $0x2700, s1;
	s22 =	sadd.s32 $0x138000, s2  }
0x9: {  	p0 =	sne.s32 s1, $0xF;
	p2 =	seq.s32 s1, $0xF;
	_ =	strace $0x80000047  }
0xa: {  	s9 =	ssub.s32 $0x2, s18;
	s17 =	sshrl.u32 @!p0 s22, $0x3;
	p1 =	sne.s32 s18, $0x0  }
0xb: {  	s18 =	simm.s32 $0x80;
	s22 =	sshrl.u32 s22, $0x3;
	s14 =	sadd.s32 s6, s8  }
.Ltmp0:
0xc: {  	s6 =	sadd.s32 $0xAC800, s8;
	s11 =	sshrl.u32 s9, $0x1;
	(pc) =	sbr.rel .LBB2_1-.Ltmp0, $4  }
0xd: {  	s8 =	sadd.s32 $0xD6200, s8;
	s10 =	sshrl.u32 s10, $0x2;
	s15 =	ssub.s32 s9, s11  }
0xe: {  	s16 =	sadd.s32 s10, s2;
	s9 =	sor.u32 $0x1C02, s12;
	s10 =	sadd.s32 s8, s13  }
0xf: {  	s11 =	sadd.s32 s7, s13;
	s13 =	sadd.s32 $0x6200, s14;
	s14 =	sadd.s32 $0xB200, s14  }
0x10: {  	s12 =	smax.u32 s15, $0x1;
	s15 =	sshrl.u32 s16, $0x3;
	s16 =	simm.s32 $0x2  }
.LBB2_8:
0x11: {  	s24 =	sadd.s32 $0x27000, s24  }
0x12: {  	[hbm:s24], [sflag:s9] =	dma.local [spmem:s22], $0x100  }
0x13: {  	_ =	swait.ge [sflag:s16], $0x100  }
0x14: {  	[sflag:s16] =	ssyncset.done $0x0  }
0x15: {  	[sflag:s16] =	ssyncadd.s32 $0xFFFFFF00  }
.LBB2_9:
0x16: {  	s23 =	sadd.s32 $0x1, s23  }
0x17: {  	p3 =	sne.s32 s23, s12  }
.Ltmp1:
0x18: {  	_ = 	snop;
	(pc) =	sbr.rel @!p3 .LBB2_10-.Ltmp1, $1  }
0x19: {  	_ =	sdelay $0x3  }
.LBB2_1:
0x1a: {  	[spmem:s15], [sflag:s9] =	dma.local [hbm:s6], $0x2700  }
0x1b: {  	_ =	swait.ge [sflag:s16], $0x2700  }
0x1c: {  	[sflag:s16] =	ssyncset.done $0x0  }
0x1d: {  	s24 =	simm.s32 @!p0 $0x2;
	[sflag:s16] =	ssyncadd.s32 $0xFFFFD900  }
0x1e: {  	[spmem:s17], [sflag:s9] =	dma.local @!p0 [hbm:s6], $0x100  }
.Ltmp2:
0x1f: {  	_ =	swait.ge @!p0 [sflag:s24], $0x100;
	(pc) =	sbr.rel @p1 .LBB2_5-.Ltmp2, $4  }
0x20: {  	[sflag:s24] =	ssyncset.done @!p0 $0x0  }
0x21: {  	[sflag:s24] =	ssyncadd.s32 @!p0 $0xFFFFFF00  }
0x22: {  	[bflag:$0x0] =	sbarrier.arrive $0xFFFF  }
0x23: {  	s24 =	sadd.s32 $0x0, s14  }
0x24: {  	[tilespmem:s3], [sflag:$0x2] =	stream.linear.gather [hbm4b:s24+s3], $0x50, $0x38;
	[tilespmem:$0x16180] =	vst v63  }
0x25: {  	_ =	swait.ge [sflag:s16], $0x50  }
0x26: {  	[sflag:s16] =	ssyncset.done $0x0  }
0x27: {  	s31 =	sadd.s32 $0x0, s13;
	[sflag:s16] =	ssyncadd.s32 $0xFFFFFFB0  }
0x28: {  	[tilespmem:s18], [sflag:$0x2] =	stream.linear.gather [hbm4b:s31+s3], $0x50, $0x38;
	[tilespmem:$0x16180] =	vst v63  }
0x29: {  	_ =	swait.ge [sflag:s16], $0x50  }
0x2a: {  	[sflag:s16] =	ssyncset.done $0x0  }
0x2b: {  	[sflag:s16] =	ssyncadd.s32 $0xFFFFFFB0  }
0x2c: {  	[tilespmem:s20], [sflag:$0x1] =	stream.indirect.gather [hbm4b:s4+s19], $0x80, s3, s19, $0xb8;
	[tilespmem:$0x16180] =	vst v63  }
0x2d: {  	_ =	swait.ge [sflag:s21], $0x2800  }
0x2e: {  	[sflag:s21] =	ssyncset.done $0x0  }
0x2f: {  	[sflag:s21] =	ssyncadd.s32 $0xFFFFD800  }
0x30: {  	[spmem:s2] =	stream.indirect.scatter.add.f32 [tilespmem:s20], [sflag:$0x2], $0x80, s18, s19, $0xb8;
	[tilespmem:$0x16180] =	vst v63  }
0x31: {  	_ =	swait.ge [sflag:s16], $0x2800  }
0x32: {  	s24 =	simm.s32 $0xA;
	s25 =	simm.s32 $0x14;
	[sflag:s16] =	ssyncset.done $0x0  }
.LBB2_3:
0x33: {  	s26 =	sadd.s32 s24, s14  }
0x34: {  	[sflag:s16] =	ssyncadd.s32 $0xFFFFD800;
	s28 =	smov.u32 s25;
	s29 =	sadd.s32 $0xA, s25  }
0x35: {  	[tilespmem:s3], [sflag:$0x2] =	stream.linear.gather [hbm4b:s26+s3], $0x50, $0x38;
	[tilespmem:$0x16180] =	vst v63  }
0x36: {  	p3 =	sne.s32 s25, $0x4D8;
	_ =	swait.ge [sflag:s16], $0x50  }
0x37: {  	[sflag:s16] =	ssyncset.done $0x0  }
0x38: {  	s25 =	sadd.s32 s24, s13;
	s24 =	smov.u32 s28;
	[sflag:s16] =	ssyncadd.s32 $0xFFFFFFB0  }
0x39: {  	[tilespmem:s18], [sflag:$0x2] =	stream.linear.gather [hbm4b:s25+s3], $0x50, $0x38;
	[tilespmem:$0x16180] =	vst v63  }
0x3a: {  	_ =	swait.ge [sflag:s16], $0x50  }
0x3b: {  	[sflag:s16] =	ssyncset.done $0x0  }
0x3c: {  	[sflag:s16] =	ssyncadd.s32 $0xFFFFFFB0  }
0x3d: {  	[tilespmem:s20], [sflag:$0x1] =	stream.indirect.gather [hbm4b:s4+s19], $0x80, s3, s19, $0xb8;
	[tilespmem:$0x16180] =	vst v63  }
0x3e: {  	_ =	swait.ge [sflag:s21], $0x2800  }
.Ltmp3:
0x3f: {  	[sflag:s21] =	ssyncset.done $0x0;
	(pc) =	sbr.rel @p3 .LBB2_3-.Ltmp3, $4  }
0x40: {  	[sflag:s21] =	ssyncadd.s32 $0xFFFFD800  }
0x41: {  	[spmem:s2] =	stream.indirect.scatter.add.f32 [tilespmem:s20], [sflag:$0x2], $0x80, s18, s19, $0xb8;
	[tilespmem:$0x16180] =	vst v63  }
0x42: {  	_ =	swait.ge [sflag:s16], $0x2800  }
0x43: {  	s25 =	smov.u32 s29;
	[sflag:s16] =	ssyncset.done $0x0  }
0x44: {  	s25 =	sadd.s32 s24, s14;
	[sflag:s16] =	ssyncadd.s32 $0xFFFFD800  }
0x45: {  	[tilespmem:s3], [sflag:$0x2] =	stream.linear.gather [hbm4b:s25+s3], $0x50, $0x38;
	[tilespmem:$0x16180] =	vst v63  }
0x46: {  	_ =	swait.ge [sflag:s16], $0x50  }
0x47: {  	[sflag:s16] =	ssyncset.done $0x0  }
0x48: {  	s31 =	sadd.s32 s24, s13;
	[sflag:s16] =	ssyncadd.s32 $0xFFFFFFB0  }
0x49: {  	[tilespmem:s18], [sflag:$0x2] =	stream.linear.gather [hbm4b:s31+s3], $0x50, $0x38;
	[tilespmem:$0x16180] =	vst v63  }
0x4a: {  	_ =	swait.ge [sflag:s16], $0x50  }
0x4b: {  	[sflag:s16] =	ssyncset.done $0x0  }
0x4c: {  	[sflag:s16] =	ssyncadd.s32 $0xFFFFFFB0  }
0x4d: {  	[tilespmem:s20], [sflag:$0x1] =	stream.indirect.gather [hbm4b:s4+s19], $0x80, s3, s19, $0xb8;
	[tilespmem:$0x16180] =	vst v63  }
0x4e: {  	_ =	swait.ge [sflag:s21], $0x2800  }
0x4f: {  	[sflag:s21] =	ssyncset.done $0x0  }
0x50: {  	[sflag:s21] =	ssyncadd.s32 $0xFFFFD800  }
0x51: {  	[spmem:s2] =	stream.indirect.scatter.add.f32 [tilespmem:s20], [sflag:$0x2], $0x80, s18, s19, $0xb8;
	[tilespmem:$0x16180] =	vst v63  }
0x52: {  	_ =	swait.ge [sflag:s16], $0x2800  }
0x53: {  	[sflag:s16] =	ssyncset.done $0x0  }
0x54: {  	[sflag:s16] =	ssyncadd.s32 $0xFFFFD800  }
0x55: {  	[bflag:$0x0] =	sbarrier.arrive $0xFFFF  }
0x56: {  	[hbm:s11], [sflag:s9] =	dma.local [spmem:s15], $0x2700  }
.Ltmp4:
0x57: {  	_ = 	snop;
	(pc) =	sbr.rel @p2 .LBB2_8-.Ltmp4, $4  }
.Ltmp5:
0x58: {  	_ = 	snop;
	(pc) =	sbr.rel @!p2 .LBB2_9-.Ltmp5, $4  }
0x59: {  	_ =	swait.ge [sflag:s16], $0x2700  }
0x5a: {  	[sflag:s16] =	ssyncset.done $0x0  }
0x5b: {  	s24 =	smov.u32 s7;
	[sflag:s16] =	ssyncadd.s32 $0xFFFFD900  }
0x5c: {  	_ = 	snop  }
.LBB2_5:
0x5d: {  	[tilespmem:s3], [sflag:$0x2] =	stream.linear.gather [hbm4b:s24+s3], $0x50, $0x38;
	[tilespmem:$0x16180] =	vst v63  }
0x5e: {  	_ =	swait.ge [sflag:s16], $0x50  }
0x5f: {  	[sflag:s16] =	ssyncset.done $0x0  }
0x60: {  	s31 =	sadd.s32 $0x0, s13;
	[sflag:s16] =	ssyncadd.s32 $0xFFFFFFB0  }
0x61: {  	[tilespmem:s18], [sflag:$0x2] =	stream.linear.gather [hbm4b:s31+s3], $0x50, $0x38;
	[tilespmem:$0x16180] =	vst v63  }
0x62: {  	_ =	swait.ge [sflag:s16], $0x50  }
0x63: {  	[sflag:s16] =	ssyncset.done $0x0  }
0x64: {  	[sflag:s16] =	ssyncadd.s32 $0xFFFFFFB0  }
0x65: {  	[tilespmem:s20], [sflag:$0x1] =	stream.indirect.gather [hbm4b:s5+s19], $0x80, s3, s19, $0xb8;
	[tilespmem:$0x16180] =	vst v63  }
0x66: {  	_ =	swait.ge [sflag:s21], $0x2800  }
0x67: {  	[sflag:s21] =	ssyncset.done $0x0  }
0x68: {  	[sflag:s21] =	ssyncadd.s32 $0xFFFFD800  }
0x69: {  	[spmem:s2] =	stream.indirect.scatter.add.f32 [tilespmem:s20], [sflag:$0x2], $0x80, s18, s19, $0xb8;
	[tilespmem:$0x16180] =	vst v63  }
0x6a: {  	_ =	swait.ge [sflag:s16], $0x2800  }
0x6b: {  	s24 =	simm.s32 $0xA;
	s25 =	simm.s32 $0x14;
	[sflag:s16] =	ssyncset.done $0x0  }
.LBB2_6:
0x6c: {  	s26 =	sadd.s32 s24, s14  }
0x6d: {  	[sflag:s16] =	ssyncadd.s32 $0xFFFFD800;
	s28 =	smov.u32 s25;
	s29 =	sadd.s32 $0xA, s25  }
0x6e: {  	[tilespmem:s3], [sflag:$0x2] =	stream.linear.gather [hbm4b:s26+s3], $0x50, $0x38;
	[tilespmem:$0x16180] =	vst v63  }
0x6f: {  	p3 =	sne.s32 s25, $0x4D8;
	_ =	swait.ge [sflag:s16], $0x50  }
0x70: {  	[sflag:s16] =	ssyncset.done $0x0  }
0x71: {  	s25 =	sadd.s32 s24, s13;
	s24 =	smov.u32 s28;
	[sflag:s16] =	ssyncadd.s32 $0xFFFFFFB0  }
0x72: {  	[tilespmem:s18], [sflag:$0x2] =	stream.linear.gather [hbm4b:s25+s3], $0x50, $0x38;
	[tilespmem:$0x16180] =	vst v63  }
0x73: {  	_ =	swait.ge [sflag:s16], $0x50  }
0x74: {  	[sflag:s16] =	ssyncset.done $0x0  }
0x75: {  	[sflag:s16] =	ssyncadd.s32 $0xFFFFFFB0  }
0x76: {  	[tilespmem:s20], [sflag:$0x1] =	stream.indirect.gather [hbm4b:s5+s19], $0x80, s3, s19, $0xb8;
	[tilespmem:$0x16180] =	vst v63  }
0x77: {  	_ =	swait.ge [sflag:s21], $0x2800  }
.Ltmp6:
0x78: {  	[sflag:s21] =	ssyncset.done $0x0;
	(pc) =	sbr.rel @p3 .LBB2_6-.Ltmp6, $4  }
0x79: {  	[sflag:s21] =	ssyncadd.s32 $0xFFFFD800  }
0x7a: {  	[spmem:s2] =	stream.indirect.scatter.add.f32 [tilespmem:s20], [sflag:$0x2], $0x80, s18, s19, $0xb8;
	[tilespmem:$0x16180] =	vst v63  }
0x7b: {  	_ =	swait.ge [sflag:s16], $0x2800  }
0x7c: {  	s25 =	smov.u32 s29;
	[sflag:s16] =	ssyncset.done $0x0  }
0x7d: {  	s25 =	sadd.s32 s24, s14;
	[sflag:s16] =	ssyncadd.s32 $0xFFFFD800  }
0x7e: {  	[tilespmem:s3], [sflag:$0x2] =	stream.linear.gather [hbm4b:s25+s3], $0x50, $0x38;
	[tilespmem:$0x16180] =	vst v63  }
0x7f: {  	_ =	swait.ge [sflag:s16], $0x50  }
0x80: {  	[sflag:s16] =	ssyncset.done $0x0  }
0x81: {  	s31 =	sadd.s32 s24, s13;
	[sflag:s16] =	ssyncadd.s32 $0xFFFFFFB0  }
0x82: {  	[tilespmem:s18], [sflag:$0x2] =	stream.linear.gather [hbm4b:s31+s3], $0x50, $0x38;
	[tilespmem:$0x16180] =	vst v63  }
0x83: {  	_ =	swait.ge [sflag:s16], $0x50  }
0x84: {  	[sflag:s16] =	ssyncset.done $0x0  }
0x85: {  	[sflag:s16] =	ssyncadd.s32 $0xFFFFFFB0  }
0x86: {  	[tilespmem:s20], [sflag:$0x1] =	stream.indirect.gather [hbm4b:s5+s19], $0x80, s3, s19, $0xb8;
	[tilespmem:$0x16180] =	vst v63  }
0x87: {  	_ =	swait.ge [sflag:s21], $0x2800  }
0x88: {  	[sflag:s21] =	ssyncset.done $0x0  }
0x89: {  	[sflag:s21] =	ssyncadd.s32 $0xFFFFD800  }
0x8a: {  	[spmem:s2] =	stream.indirect.scatter.add.f32 [tilespmem:s20], [sflag:$0x2], $0x80, s18, s19, $0xb8;
	[tilespmem:$0x16180] =	vst v63  }
0x8b: {  	_ =	swait.ge [sflag:s16], $0x2800  }
0x8c: {  	[sflag:s16] =	ssyncset.done $0x0  }
0x8d: {  	[sflag:s16] =	ssyncadd.s32 $0xFFFFD800  }
0x8e: {  	[bflag:$0x0] =	sbarrier.arrive $0xFFFF  }
0x8f: {  	[hbm:s10], [sflag:s9] =	dma.local [spmem:s15], $0x2700  }
.Ltmp7:
0x90: {  	_ = 	snop;
	(pc) =	sbr.rel @p0 .LBB2_9-.Ltmp7, $4  }
.Ltmp8:
0x91: {  	_ = 	snop;
	(pc) =	sbr.rel @!p0 .LBB2_8-.Ltmp8, $4  }
0x92: {  	_ =	swait.ge [sflag:s16], $0x2700  }
0x93: {  	[sflag:s16] =	ssyncset.done $0x0  }
0x94: {  	s24 =	smov.u32 s8;
	[sflag:s16] =	ssyncadd.s32 $0xFFFFD900  }
0x95: {  	_ = 	snop  }
.LBB2_10:
0x96: {  	_ =	sfence.sel $0x180000  }
0x97: {  	[bflag:$0x0] =	sbarrier.arrive $0xFFFF  }
0x98: {  	p0 =	sne.s32 s1, $0x0;
	_ =	strace $0x90000047  }
0x99: {  	s0 =	sadd.s32 @!p0 $0x100000, s0;
	[bflag:$0x2] =	sbarrier.arrive $0xFFFF  }
0x9a: {  	[sflag:s0] =	ssyncadd.tile.s32 @!p0 $0x1;
	_ =	shalt  }
.Lfunc_end2:
_tile_overlayer_lowered:
.L_overlay_start_2:
0x9b: {  	(tag) =	ssettag $0x2  }
0x9c: {  	s0 =	rddreg [dreg:$0x0];
	s2 =	stileid.u32  }
0x9d: {  	s1 =	rddreg [dreg:$0x1];
	p0 =	sne.s32 s2, $0x0  }
0x9e: {  	s3 =	rddreg [dreg:$0x2];
	[bflag:$0x3] =	sbarrier.arrive $0xFFFF;
	s2 =	simm.s32 @!p0 $0x1C02  }
0x9f: {  	[timem:s3], [sflag:s2] =	dma.local @!p0 [hbm:s0], s1  }
0xa0: {  	s0 =	simm.s32 @!p0 $0x2  }
0xa1: {  	_ =	swait.ge @!p0 [sflag:s0], s1  }
0xa2: {  	s1 =	ssub.s32 @!p0 $0x0, s1;
	[sflag:s0] =	ssyncset.done @!p0 $0x0  }
0xa3: {  	[sflag:s0] =	ssyncadd.s32 @!p0 s1  }
0xa4: {  	[bflag:$0x3] =	sbarrier.arrive $0xFFFF  }
0xa5: {  	_ =	shalt  }

// kernel: kernel.14.cloned.1.call-start
scs
__scs_entry_jumppad:
0x0: {  	(pc) =	sbr.rel $0x88, $3  }
0x1: {  	(tag) =	ssettag $0x0;
	lr =	simm.s32 $0x1  }
0x2: {  	[smem:$0x3F94] =	sst lr;
	_ =	strace $0xD0000000  }
0x3: {  	_ = 	snop  }
0x4: {  	_ = 	snop  }
0x5: {  	_ = 	snop  }
0x6: {  	_ = 	snop  }
0x7: {  	_ = 	snop  }
__scs_overlays_trampoline_lowered:
0x8: {  	[smem:$0x3FA3] =	sst s0  }
0x9: {  	[smem:$0x3FA4] =	sst s1  }
0xa: {  	[smem:$0x3FA5] =	sst s2  }
0xb: {  	[smem:$0x3FA6] =	sst s3  }
0xc: {  	[smem:$0x3FA7] =	sst s4  }
0xd: {  	[smem:$0x3FA8] =	sst s5  }
0xe: {  	[smem:$0x3FA9] =	sst s6  }
0xf: {  	[smem:$0x3FAA] =	sst s7  }
0x10: {  	[smem:$0x3FAB] =	sst s8  }
0x11: {  	[smem:$0x3FAC] =	sst s9;
	s0 =	simm.s32 @!p0 $0x0  }
0x12: {  	s1 =	sld [smem:$0x3F92];
	s0 =	simm.s32 @p0 $0x1  }
0x13: {  	[smem:$0x3FAD] =	sst s0;
	s0 =	simm.s32 @!p1 $0x0  }
0x14: {  	s2 =	sld [smem:$0x3F91];
	s0 =	simm.s32 @p1 $0x1  }
0x15: {  	[smem:$0x3FAE] =	sst s0;
	s0 =	simm.s32 @!p2 $0x0  }
0x16: {  	s3 =	sld [smem:$0x3FDB];
	s0 =	simm.s32 @p2 $0x1  }
0x17: {  	s4 =	simm.s32 $0x1BF5;
	[smem:$0x3FB0] =	sst s0  }
0x18: {  	s0 =	sld [smem:$0x3F93];
	_ =	swait.ge [sflag:s4], $0x0  }
0x19: {  	s7 =	sld [smem:$0x3F94]  }
0x1a: {  	s8 =	sadd.s32 $0xFFFFE003, lr  }
0x1b: {  	s9 =	sadd.s32 $0xFFFFFEF7, lr;
	s5 =	simm.s32 $0xFFFFFFFF;
	p2 =	slt.u32 s8, $0xFFFFF086  }
0x1c: {  	p1 =	slt.u32 s9, $0xF7A;
	s5 =	simm.s32 @!p2 $0x0  }
0x1d: {  	s5 =	simm.s32 @p1 $0x1;
	p0 =	seq.s32 s7, s2  }
0x1e: {  	s7 =	smul.u32 @!p0 $0xF7A, s2;
	p2 =	seq.s32 @!p0 s5, $0x0  }
0x1f: {  	s9 =	smul.u32 $0xF7A, s1;
	s8 =	simm.s32 @!p0 $0x1BF5;
	p2 =	por !p2, p0  }
0x20: {  	[sflag:s8] =	ssyncset.s32 @!p0 $0xFFFFF086;
	s6 =	sadd.s32 @!p0 s3, s7;
	s7 =	simm.s32 @!p0 $0x108  }
0x21: {  	s3 =	sadd.s32 s3, s9;
	s6 =	sadd.s32 @!p0 $0x88, s6;
	s7 =	simm.s32 @p2 $0x1082  }
0x22: {  	[simem:s7], [sflag:s8] =	dma.local @!p0 [hbm:s6], $0xF7A  }
0x23: {  	s9 =	sor.u32 $0xD0000000, s2;
	s6 =	simm.s32 $0x108;
	_ =	swait.ge @!p0 [sflag:s8], $0x0  }
0x24: {  	s3 =	sadd.s32 $0x88, s3;
	s6 =	simm.s32 @!p1 $0x1082;
	[sflag:s4] =	ssyncset.s32 $0xFFFFF086  }
0x25: {  	[simem:s6], [sflag:s4] =	dma.local [hbm:s3], $0xF7A  }
0x26: {  	[smem:$0x3F94] =	sst s1;
	(tag) =	ssettag s2;
	_ =	strace s9  }
0x27: {  	s1 =	sld [smem:$0x3FA4]  }
0x28: {  	s2 =	sld [smem:$0x3FA5]  }
0x29: {  	s4 =	sld [smem:$0x3FA7]  }
0x2a: {  	p0 =	seq.s32 s5, $0x0;
	s5 =	sld [smem:$0x3FA8]  }
0x2b: {  	s6 =	sld [smem:$0x3FA9]  }
0x2c: {  	s7 =	sld [smem:$0x3FAA]  }
0x2d: {  	s3 =	simm.s32 $0x108;
	s8 =	sld [smem:$0x3FAB]  }
0x2e: {  	s3 =	simm.s32 @!p0 $0x1082;
	s9 =	sld [smem:$0x3FAC]  }
0x2f: {  	lr =	sadd.s32 s0, s3;
	s0 =	sld [smem:$0x3FA3]  }
0x30: {  	s3 =	sld [smem:$0x3FA6]  }
0x31: {  	[smem:$0x3FAF] =	sst s10  }
0x32: {  	s10 =	sld [smem:$0x3FAD];
	_ =	sdelay $0x3  }
0x33: {  	p0 =	seq.s32 s10, $0x1;
	s10 =	sld [smem:$0x3FAF];
	_ =	sdelay $0x3  }
0x34: {  	[smem:$0x3FAF] =	sst s10  }
0x35: {  	s10 =	sld [smem:$0x3FAE];
	_ =	sdelay $0x3  }
0x36: {  	p1 =	seq.s32 s10, $0x1;
	s10 =	sld [smem:$0x3FAF];
	_ =	sdelay $0x3  }
0x37: {  	[smem:$0x3FAF] =	sst s10  }
0x38: {  	s10 =	sld [smem:$0x3FB0]  }
0x39: {  	_ = 	snop;
	(pc) =	sbr.ind lr, $3  }
0x3a: {  	_ = 	snop  }
0x3b: {  	_ = 	snop  }
0x3c: {  	p2 =	seq.s32 s10, $0x1;
	s10 =	sld [smem:$0x3FAF]  }
0x3d: {  	_ =	shalt  }
0x3e: {  	_ =	shalt  }
0x3f: {  	_ =	shalt  }
0x40: {  	_ =	shalt  }
0x41: {  	_ =	shalt  }
0x42: {  	_ =	shalt  }
0x43: {  	_ =	shalt  }
0x44: {  	_ =	shalt  }
0x45: {  	_ =	shalt  }
0x46: {  	_ =	shalt  }
0x47: {  	_ =	shalt  }
0x48: {  	_ =	shalt  }
0x49: {  	_ =	shalt  }
0x4a: {  	_ =	shalt  }
0x4b: {  	_ =	shalt  }
0x4c: {  	_ =	shalt  }
0x4d: {  	_ =	shalt  }
0x4e: {  	_ =	shalt  }
0x4f: {  	_ =	shalt  }
0x50: {  	_ =	shalt  }
0x51: {  	_ =	shalt  }
0x52: {  	_ =	shalt  }
0x53: {  	_ =	shalt  }
0x54: {  	_ =	shalt  }
0x55: {  	_ =	shalt  }
0x56: {  	_ =	shalt  }
0x57: {  	_ =	shalt  }
0x58: {  	_ =	shalt  }
0x59: {  	_ =	shalt  }
0x5a: {  	_ =	shalt  }
0x5b: {  	_ =	shalt  }
0x5c: {  	_ =	shalt  }
0x5d: {  	_ =	shalt  }
0x5e: {  	_ =	shalt  }
0x5f: {  	_ =	shalt  }
0x60: {  	_ =	shalt  }
0x61: {  	_ =	shalt  }
0x62: {  	_ =	shalt  }
0x63: {  	_ =	shalt  }
0x64: {  	_ =	shalt  }
0x65: {  	_ =	shalt  }
0x66: {  	_ =	shalt  }
0x67: {  	_ =	shalt  }
0x68: {  	_ =	shalt  }
0x69: {  	_ =	shalt  }
0x6a: {  	_ =	shalt  }
0x6b: {  	_ =	shalt  }
0x6c: {  	_ =	shalt  }
0x6d: {  	_ =	shalt  }
0x6e: {  	_ =	shalt  }
0x6f: {  	_ =	shalt  }
0x70: {  	_ =	shalt  }
0x71: {  	_ =	shalt  }
0x72: {  	_ =	shalt  }
0x73: {  	_ =	shalt  }
0x74: {  	_ =	shalt  }
0x75: {  	_ =	shalt  }
0x76: {  	_ =	shalt  }
0x77: {  	_ =	shalt  }
0x78: {  	_ =	shalt  }
0x79: {  	_ =	shalt  }
0x7a: {  	_ =	shalt  }
0x7b: {  	_ =	shalt  }
0x7c: {  	_ =	shalt  }
0x7d: {  	_ =	shalt  }
0x7e: {  	_ =	shalt  }
0x7f: {  	_ =	shalt  }
0x80: {  	_ =	shalt  }
0x81: {  	_ =	shalt  }
0x82: {  	_ =	shalt  }
0x83: {  	_ =	shalt  }
0x84: {  	_ =	shalt  }
0x85: {  	_ =	shalt  }
0x86: {  	_ =	shalt  }
0x87: {  	_ =	shalt  }
.Lfunc_end0:
.L_simem_size_0:
called_computation.1_lowered:
.L_overlay_start_0:
0x88: {  	s2 =	sld [smem:$0x3FD9]  }
0x89: {  	s3 =	sld [smem:$0x3FFE];
	_ =	sdelay $0x1  }
0x8a: {  	s1 =	srdreg.scid  }
0x8b: {  	s0 =	sand.u32 $0x1, s1  }
0x8c: {  	s15 =	sshll.u32 s0, $0xA;
	s2 =	sadd.s32 s3, s2  }
0x8d: {  	s2 =	sadd.s32 s2, s15  }
0x8e: {  	[smem:$0x3FBB] =	sst s2  }
0x8f: {  	_ = 	snop  }
0x90: {  	s2 =	sld [smem:$0x3FD0];
	_ =	sdelay $0x2  }
0x91: {  	s16 =	simm.s32 $0xB;
	s4 =	simm.s32 $0x10  }
0x92: {  	[smem:s4], [sflag:s16] =	dma.local [hbm:s2], $0x1  }
0x93: {  	_ =	swait.eq [sflag:s16], $0x1  }
0x94: {  	[sflag:s16] =	ssyncset.done $0x0  }
0x95: {  	[sflag:s16] =	ssyncadd.s32 $0xFFFFFFFF  }
0x96: {  	s17 =	sld [smem:$0x12];
	(tm) =	ssettm $0x1  }
0x97: {  	s18 =	sld [smem:$0x3FFB];
	_ =	sdelay $0x3  }
0x98: {  	_ =	strace s18  }
0x99: {  	s2 =	sld [smem:$0x3FFC];
	_ =	sdelay $0x3  }
0x9a: {  	_ =	strace s2  }
0x9b: {  	s2 =	sld [smem:$0x3FFD];
	_ =	sdelay $0x3  }
0x9c: {  	_ =	strace s2  }
0x9d: {  	_ =	strace $0x8FFFFFFF  }
0x9e: {  	s19 =	sld [smem:$0x3FDB];
	_ =	sdelay $0x1  }
0x9f: {  	s20 =	simm.s32 $_scs_section_size  }
0xa0: {  	s5 =	simm.s32 $_size__tile_overlayer_lowered;
	s6 =	simm.s32 $_tile_overlayer_lowered  }
0xa1: {  	s7 =	simm.s32 $0x1BFF;
	s21 =	sshll.u32 s6, $0x1;
	s4 =	sadd.s32 s20, s19  }
0xa2: {  	s22 =	simm.s32 $0x0;
	s5 =	sshll.u32 s5, $0x1;
	s6 =	sadd.s32 s21, s4  }
0xa3: {  	[timem:s22], [sflag:s7] =	dma.local [hbm:s6], s5  }
0xa4: {  	_ =	swait.ge [sflag:s7], s5  }
0xa5: {  	s5 =	ssub.s32 $0x0, s5;
	[sflag:s7] =	ssyncset.done $0x0  }
0xa6: {  	[sflag:s7] =	ssyncadd.s32 s5;
	_ =	sdelay $0x1  }
0xa7: {  	s23 =	simm.s32 $0x1B8B  }
0xa8: {  	_ =	swait.ge [sflag:s23], $0x1  }
0xa9: {  	[sflag:s23] =	ssyncset.done $0x0  }
0xaa: {  	[sflag:s23] =	ssyncadd.s32 $0xFFFFFFFF  }
0xab: {  	s5 =	sld [smem:$0x0]  }
0xac: {  	s6 =	sand.u32 $0xFFFFFFFE, s1  }
0xad: {  	p0 =	sne.s32 s1, s6  }
0xae: {  	s6 =	sshll.u32 @p0 s6, $0xE  }
0xaf: {  	s6 =	sadd.s32 @p0 $0x11B8D, s6;
	s7 =	sshll.u32 @p0 s5, $0x11  }
0xb0: {  	s6 =	sor.u32 @p0 s7, s6  }
0xb1: {  	[sflag:s6] =	ssyncadd.remote.s32 @p0 $0x1;
	_ =	sdelay $0x1  }
0xb2: {  	s6 =	simm.s32 @p0 $0x1B8D  }
0xb3: {  	_ =	swait.eq @p0 [sflag:s6], $0x1  }
0xb4: {  	[sflag:s6] =	ssyncadd.s32 @p0 $0xFFFFFFFF  }
0xb5: {  	s7 =	sshll.u32 @!p0 s1, $0xE  }
0xb6: {  	s7 =	sor.u32 @!p0 $0x4000, s7;
	s6 =	simm.s32 @!p0 $0x1B8D  }
0xb7: {  	s5 =	sshll.u32 @!p0 s5, $0x11;
	s7 =	sadd.s32 @!p0 $0x11B8D, s7;
	_ =	swait.eq @!p0 [sflag:s6], $0x1  }
0xb8: {  	s5 =	sor.u32 @!p0 s5, s7;
	[sflag:s6] =	ssyncadd.s32 @!p0 $0xFFFFFFFF  }
0xb9: {  	s25 =	simm.s32 $0x1B8E;
	s24 =	sld [smem:$0x3FFE];
	[sflag:s5] =	ssyncadd.remote.s32 @!p0 $0x1  }
0xba: {  	s26 =	simm.s32 $execute0_lowered;
	[smem:$0x3FD2] =	sst s25  }
0xbb: {  	s6 =	sshll.u32 s26, $0x1;
	_ =	strace $0x80000049;
	[dreg:$0x1] =	wrdreg $0xFFFFFFFF  }
0xbc: {  	s28 =	simm.s32 $_size_execute0_lowered;
	s4 =	sadd.s32 s4, s6;
	[dreg:$0x0] =	wrdreg $0x0  }
0xbd: {  	s6 =	sshll.u32 s28, $0x1;
	[dreg:$0x2] =	wrdreg s4  }
0xbe: {  	[dreg:$0x3] =	wrdreg s6  }
0xbf: {  	[dreg:$0x4] =	wrdreg $0xC0  }
0xc0: {  	_ =	task [dreg:s22], $0x5FFFF  }
0xc1: {  	[dreg:$0x1] =	wrdreg $0xFFFFFFFF  }
0xc2: {  	[dreg:$0x0] =	wrdreg $0x60  }
0xc3: {  	[dreg:$0x2] =	wrdreg s24  }
0xc4: {  	[dreg:$0x3] =	wrdreg s17  }
0xc5: {  	[dreg:$0x4] =	wrdreg $0x28800  }
0xc6: {  	[dreg:$0x5] =	wrdreg $0xA  }
0xc7: {  	_ =	task.clear_ibuf [dreg:s22], $0x6FFFF;
	_ =	strace $0x90000049  }
0xc8: {  	s29 =	simm.s32 $0xA;
	_ =	strace $0x8000004B  }
0xc9: {  	_ =	swait.ge [sflag:s29], $0x1  }
0xca: {  	[sflag:s29] =	ssyncadd.s32 $0xFFFFFFFF  }
0xcb: {  	_ =	strace $0x9000004B  }
0xcc: {  	_ =	sfence  }
0xcd: {  	s30 =	sld [smem:$0x0];
	_ =	sdelay $0x2  }
0xce: {  	s31 =	sshll.u32 s1, $0xD;
	s1 =	sshrl.u32 s1, $0x2  }
0xcf: {  	s4 =	sand.u32 $0x4000, s31;
	s1 =	sadd.s32 s1, s30  }
0xd0: {  	s0 =	sor.u32 s4, s0;
	s1 =	sshll.u32 s1, $0x11  }
0xd1: {  	s0 =	sor.u32 s1, s0  }
0xd2: {  	s0 =	sadd.s32 $0x8F2B, s0  }
0xd3: {  	[sflag:s0] =	ssyncadd.remote.s32 $0x1  }
0xd4: {  	_ =	sfence.sel $0xFFFF  }
0xd5: {  	[dreg:$0x0] =	wrdreg $0xFFFFFFFF;
	(pc) =	sbr.abs _section_cstart, $3  }
0xd6: {  	[dreg:$0x1] =	wrdreg $0xFFFFFFFF  }
0xd7: {  	_ =	task.clear_ibuf [dreg:s22], $0x2FFFF;
	_ =	strace $0x9FFFFFFF  }
0xd8: {  	(tm) =	ssettm $0x7FFFFFFF  }
0xd9: {  	_ =	shalt  }
tec
execute0_lowered:
.L_overlay_start_1:
0x0: {  	(tag) =	ssettag $0x1  }
0x1: {  	s7 =	rddreg [dreg:$0x0]  }
0x2: {  	s2 =	rddreg [dreg:$0x1]  }
0x3: {  	s3 =	rddreg [dreg:$0x2]  }
0x4: {  	s0 =	rddreg [dreg:$0x3];
	s1 =	stileid.u32  }
0x5: {  	s4 =	simm.s32 $0x0;
	s6 =	srdreg.scid;
	s15 =	simm.s32 $0x1  }
0x6: {  	s18 =	simm.s32 $0x50;
	s20 =	simm.s32 $0x0;
	s5 =	smul.u32 $0x4E2, s1  }
0x7: {  	[smem:$0x7FF] =	sst s4;
	s17 =	sand.u32 $0x1, s6;
	s10 =	smul.u32 $0x4E000, s1  }
0x8: {  	s6 =	sadd.s32 $0xFD400, s7;
	s30 =	sshll.u32 s1, $0x6;
	s31 =	smul.u32 $0x2700, s1  }
0x9: {  	s19 =	sadd.s32 $0x138000, s3;
	p0 =	sne.s32 s1, $0xF;
	p2 =	seq.s32 s1, $0xF  }
0xa: {  	_ =	strace $0x8000004A;
	s8 =	ssub.s32 $0x2, s17;
	s16 =	sshrl.u32 @!p0 s19, $0x3  }
0xb: {  	p1 =	sne.s32 s17, $0x0;
	s17 =	simm.s32 $0x80;
	s19 =	sshrl.u32 s19, $0x3  }
.Ltmp0:
0xc: {  	s13 =	sadd.s32 s5, s7;
	s5 =	sadd.s32 $0xAC800, s7;
	(pc) =	sbr.rel .LBB2_1-.Ltmp0, $4  }
0xd: {  	s9 =	sshrl.u32 s8, $0x1;
	s7 =	sadd.s32 $0x124600, s7;
	s29 =	sshrl.u32 s10, $0x2  }
0xe: {  	s10 =	sadd.s32 s6, s31;
	s11 =	ssub.s32 s8, s9;
	s14 =	sadd.s32 s29, s3  }
0xf: {  	s8 =	sor.u32 $0x1C01, s30;
	s9 =	sadd.s32 s7, s31;
	s12 =	sadd.s32 $0xB200, s13  }
0x10: {  	s13 =	sadd.s32 $0x6200, s13;
	s11 =	smax.u32 s11, $0x1;
	s14 =	sshrl.u32 s14, $0x3  }
.LBB2_8:
0x11: {  	s21 =	sadd.s32 $0x27000, s21  }
0x12: {  	[hbm:s21], [sflag:s8] =	dma.local [spmem:s19], $0x100  }
0x13: {  	_ =	swait.ge [sflag:s15], $0x100  }
0x14: {  	[sflag:s15] =	ssyncset.done $0x0  }
0x15: {  	[sflag:s15] =	ssyncadd.s32 $0xFFFFFF00  }
.LBB2_9:
0x16: {  	s20 =	sadd.s32 $0x1, s20  }
0x17: {  	p3 =	sne.s32 s20, s11  }
.Ltmp1:
0x18: {  	_ = 	snop;
	(pc) =	sbr.rel @!p3 .LBB2_10-.Ltmp1, $1  }
0x19: {  	_ =	sdelay $0x3  }
.LBB2_1:
0x1a: {  	[spmem:s14], [sflag:s8] =	dma.local [hbm:s5], $0x2700  }
0x1b: {  	_ =	swait.ge [sflag:s15], $0x2700  }
0x1c: {  	[sflag:s15] =	ssyncset.done $0x0  }
0x1d: {  	s21 =	simm.s32 @!p0 $0x1;
	[sflag:s15] =	ssyncadd.s32 $0xFFFFD900  }
0x1e: {  	[spmem:s16], [sflag:s8] =	dma.local @!p0 [hbm:s5], $0x100  }
0x1f: {  	_ =	swait.ge @!p0 [sflag:s21], $0x100  }
0x20: {  	[sflag:s21] =	ssyncset.done @!p0 $0x0  }
0x21: {  	[sflag:s21] =	ssyncadd.s32 @!p0 $0xFFFFFF00  }
0x22: {  	[tilespmem:s17], [sflag:$0x1] =	stream.linear.gather [hbm4b:s2+s4], $0x2800, $0x38;
	[tilespmem:$0x16100] =	vst v63  }
.Ltmp2:
0x23: {  	_ =	swait.ge [sflag:s15], $0x2800;
	(pc) =	sbr.rel @p1 .LBB2_5-.Ltmp2, $3  }
0x24: {  	[sflag:s15] =	ssyncset.done $0x0  }
0x25: {  	[sflag:s15] =	ssyncadd.s32 $0xFFFFD800  }
0x26: {  	[bflag:$0x0] =	sbarrier.arrive $0xFFFF;
	_ =	sdelay $0x1  }
0x27: {  	s21 =	sadd.s32 $0x0, s13  }
0x28: {  	[tilespmem:s4], [sflag:$0x1] =	stream.linear.gather [hbm4b:s21+s4], $0x50, $0x38;
	[tilespmem:$0x16100] =	vst v63  }
0x29: {  	_ =	swait.ge [sflag:s15], $0x50  }
0x2a: {  	[sflag:s15] =	ssyncset.done $0x0  }
0x2b: {  	[sflag:s15] =	ssyncadd.s32 $0xFFFFFFB0  }
0x2c: {  	[spmem:s3] =	stream.indirect.scatter.add.f32 [tilespmem:s17], [sflag:$0x1], $0x80, s4, s18, $0xb8;
	[tilespmem:$0x16100] =	vst v63  }
0x2d: {  	_ =	swait.ge [sflag:s15], $0x2800  }
0x2e: {  	s22 =	simm.s32 $0x14;
	s21 =	simm.s32 $0xA;
	[sflag:s15] =	ssyncset.done $0x0  }
.LBB2_3:
0x2f: {  	s23 =	sadd.s32 s21, s13  }
0x30: {  	[sflag:s15] =	ssyncadd.s32 $0xFFFFD800;
	s21 =	smov.u32 s22;
	s24 =	sadd.s32 $0xA, s22  }
0x31: {  	[tilespmem:s4], [sflag:$0x1] =	stream.linear.gather [hbm4b:s23+s4], $0x50, $0x38;
	[tilespmem:$0x16100] =	vst v63  }
0x32: {  	p3 =	sne.s32 s22, $0x4D8;
	_ =	swait.ge [sflag:s15], $0x50  }
.Ltmp3:
0x33: {  	[sflag:s15] =	ssyncset.done $0x0;
	(pc) =	sbr.rel @p3 .LBB2_3-.Ltmp3, $4  }
0x34: {  	[sflag:s15] =	ssyncadd.s32 $0xFFFFFFB0  }
0x35: {  	[spmem:s3] =	stream.indirect.scatter.add.f32 [tilespmem:s17], [sflag:$0x1], $0x80, s4, s18, $0xb8;
	[tilespmem:$0x16100] =	vst v63  }
0x36: {  	_ =	swait.ge [sflag:s15], $0x2800  }
0x37: {  	s22 =	smov.u32 s24;
	[sflag:s15] =	ssyncset.done $0x0  }
0x38: {  	s21 =	sadd.s32 s21, s13;
	[sflag:s15] =	ssyncadd.s32 $0xFFFFD800  }
0x39: {  	[tilespmem:s4], [sflag:$0x1] =	stream.linear.gather [hbm4b:s21+s4], $0x50, $0x38;
	[tilespmem:$0x16100] =	vst v63  }
0x3a: {  	_ =	swait.ge [sflag:s15], $0x50  }
0x3b: {  	[sflag:s15] =	ssyncset.done $0x0  }
0x3c: {  	[sflag:s15] =	ssyncadd.s32 $0xFFFFFFB0  }
0x3d: {  	[spmem:s3] =	stream.indirect.scatter.add.f32 [tilespmem:s17], [sflag:$0x1], $0x80, s4, s18, $0xb8;
	[tilespmem:$0x16100] =	vst v63  }
0x3e: {  	_ =	swait.ge [sflag:s15], $0x2800  }
0x3f: {  	[sflag:s15] =	ssyncset.done $0x0  }
0x40: {  	[sflag:s15] =	ssyncadd.s32 $0xFFFFD800  }
0x41: {  	[bflag:$0x0] =	sbarrier.arrive $0xFFFF  }
0x42: {  	[hbm:s10], [sflag:s8] =	dma.local [spmem:s14], $0x2700  }
.Ltmp4:
0x43: {  	_ = 	snop;
	(pc) =	sbr.rel @p2 .LBB2_8-.Ltmp4, $4  }
.Ltmp5:
0x44: {  	_ = 	snop;
	(pc) =	sbr.rel @!p2 .LBB2_9-.Ltmp5, $4  }
0x45: {  	_ =	swait.ge [sflag:s15], $0x2700  }
0x46: {  	[sflag:s15] =	ssyncset.done $0x0  }
0x47: {  	s21 =	smov.u32 s6;
	[sflag:s15] =	ssyncadd.s32 $0xFFFFD900  }
0x48: {  	_ = 	snop  }
.LBB2_5:
0x49: {  	s21 =	sadd.s32 $0x0, s12  }
0x4a: {  	[tilespmem:s4], [sflag:$0x1] =	stream.linear.gather [hbm4b:s21+s4], $0x50, $0x38;
	[tilespmem:$0x16100] =	vst v63  }
0x4b: {  	_ =	swait.ge [sflag:s15], $0x50  }
0x4c: {  	[sflag:s15] =	ssyncset.done $0x0  }
0x4d: {  	[sflag:s15] =	ssyncadd.s32 $0xFFFFFFB0  }
0x4e: {  	[spmem:s3] =	stream.indirect.scatter.add.f32 [tilespmem:s17], [sflag:$0x1], $0x80, s4, s18, $0xb8;
	[tilespmem:$0x16100] =	vst v63  }
0x4f: {  	_ =	swait.ge [sflag:s15], $0x2800  }
0x50: {  	s22 =	simm.s32 $0x14;
	s21 =	simm.s32 $0xA;
	[sflag:s15] =	ssyncset.done $0x0  }
.LBB2_6:
0x51: {  	s23 =	sadd.s32 s21, s12  }
0x52: {  	[sflag:s15] =	ssyncadd.s32 $0xFFFFD800;
	s21 =	smov.u32 s22;
	s24 =	sadd.s32 $0xA, s22  }
0x53: {  	[tilespmem:s4], [sflag:$0x1] =	stream.linear.gather [hbm4b:s23+s4], $0x50, $0x38;
	[tilespmem:$0x16100] =	vst v63  }
0x54: {  	p3 =	sne.s32 s22, $0x4D8;
	_ =	swait.ge [sflag:s15], $0x50  }
.Ltmp6:
0x55: {  	[sflag:s15] =	ssyncset.done $0x0;
	(pc) =	sbr.rel @p3 .LBB2_6-.Ltmp6, $4  }
0x56: {  	[sflag:s15] =	ssyncadd.s32 $0xFFFFFFB0  }
0x57: {  	[spmem:s3] =	stream.indirect.scatter.add.f32 [tilespmem:s17], [sflag:$0x1], $0x80, s4, s18, $0xb8;
	[tilespmem:$0x16100] =	vst v63  }
0x58: {  	_ =	swait.ge [sflag:s15], $0x2800  }
0x59: {  	s22 =	smov.u32 s24;
	[sflag:s15] =	ssyncset.done $0x0  }
0x5a: {  	s21 =	sadd.s32 s21, s12;
	[sflag:s15] =	ssyncadd.s32 $0xFFFFD800  }
0x5b: {  	[tilespmem:s4], [sflag:$0x1] =	stream.linear.gather [hbm4b:s21+s4], $0x50, $0x38;
	[tilespmem:$0x16100] =	vst v63  }
0x5c: {  	_ =	swait.ge [sflag:s15], $0x50  }
0x5d: {  	[sflag:s15] =	ssyncset.done $0x0  }
0x5e: {  	[sflag:s15] =	ssyncadd.s32 $0xFFFFFFB0  }
0x5f: {  	[spmem:s3] =	stream.indirect.scatter.add.f32 [tilespmem:s17], [sflag:$0x1], $0x80, s4, s18, $0xb8;
	[tilespmem:$0x16100] =	vst v63  }
0x60: {  	_ =	swait.ge [sflag:s15], $0x2800  }
0x61: {  	[sflag:s15] =	ssyncset.done $0x0  }
0x62: {  	[sflag:s15] =	ssyncadd.s32 $0xFFFFD800  }
0x63: {  	[bflag:$0x0] =	sbarrier.arrive $0xFFFF  }
0x64: {  	[hbm:s9], [sflag:s8] =	dma.local [spmem:s14], $0x2700  }
.Ltmp7:
0x65: {  	_ = 	snop;
	(pc) =	sbr.rel @p0 .LBB2_9-.Ltmp7, $4  }
.Ltmp8:
0x66: {  	_ = 	snop;
	(pc) =	sbr.rel @!p0 .LBB2_8-.Ltmp8, $4  }
0x67: {  	_ =	swait.ge [sflag:s15], $0x2700  }
0x68: {  	[sflag:s15] =	ssyncset.done $0x0  }
0x69: {  	s21 =	smov.u32 s7;
	[sflag:s15] =	ssyncadd.s32 $0xFFFFD900  }
0x6a: {  	_ = 	snop  }
.LBB2_10:
0x6b: {  	_ =	sfence.sel $0x180000  }
0x6c: {  	[bflag:$0x0] =	sbarrier.arrive $0xFFFF  }
0x6d: {  	p0 =	sne.s32 s1, $0x0;
	_ =	strace $0x9000004A  }
0x6e: {  	s0 =	sadd.s32 @!p0 $0x100000, s0;
	[bflag:$0x2] =	sbarrier.arrive $0xFFFF  }
0x6f: {  	[sflag:s0] =	ssyncadd.tile.s32 @!p0 $0x1;
	_ =	shalt  }
.Lfunc_end2:
_tile_overlayer_lowered:
.L_overlay_start_2:
0x70: {  	(tag) =	ssettag $0x2  }
0x71: {  	s0 =	rddreg [dreg:$0x0];
	s2 =	stileid.u32  }
0x72: {  	s1 =	rddreg [dreg:$0x1];
	p0 =	sne.s32 s2, $0x0  }
0x73: {  	s3 =	rddreg [dreg:$0x2];
	[bflag:$0x3] =	sbarrier.arrive $0xFFFF;
	s2 =	simm.s32 @!p0 $0x1C01  }
0x74: {  	[timem:s3], [sflag:s2] =	dma.local @!p0 [hbm:s0], s1  }
0x75: {  	s0 =	simm.s32 @!p0 $0x1  }
0x76: {  	_ =	swait.ge @!p0 [sflag:s0], s1  }
0x77: {  	s1 =	ssub.s32 @!p0 $0x0, s1;
	[sflag:s0] =	ssyncset.done @!p0 $0x0  }
0x78: {  	[sflag:s0] =	ssyncadd.s32 @!p0 s1  }
0x79: {  	[bflag:$0x3] =	sbarrier.arrive $0xFFFF  }
0x7a: {  	_ =	shalt  }

// kernel: kernel.17.cloned.1.call-start
scs
__scs_entry_jumppad:
0x0: {  	(pc) =	sbr.rel $0x88, $3  }
0x1: {  	(tag) =	ssettag $0x0;
	lr =	simm.s32 $0x1  }
0x2: {  	[smem:$0x3F94] =	sst lr;
	_ =	strace $0xD0000000  }
0x3: {  	_ = 	snop  }
0x4: {  	_ = 	snop  }
0x5: {  	_ = 	snop  }
0x6: {  	_ = 	snop  }
0x7: {  	_ = 	snop  }
__scs_overlays_trampoline_lowered:
0x8: {  	[smem:$0x3FA3] =	sst s0  }
0x9: {  	[smem:$0x3FA4] =	sst s1  }
0xa: {  	[smem:$0x3FA5] =	sst s2  }
0xb: {  	[smem:$0x3FA6] =	sst s3  }
0xc: {  	[smem:$0x3FA7] =	sst s4  }
0xd: {  	[smem:$0x3FA8] =	sst s5  }
0xe: {  	[smem:$0x3FA9] =	sst s6  }
0xf: {  	[smem:$0x3FAA] =	sst s7  }
0x10: {  	[smem:$0x3FAB] =	sst s8  }
0x11: {  	[smem:$0x3FAC] =	sst s9;
	s0 =	simm.s32 @!p0 $0x0  }
0x12: {  	s1 =	sld [smem:$0x3F92];
	s0 =	simm.s32 @p0 $0x1  }
0x13: {  	[smem:$0x3FAD] =	sst s0;
	s0 =	simm.s32 @!p1 $0x0  }
0x14: {  	s2 =	sld [smem:$0x3F91];
	s0 =	simm.s32 @p1 $0x1  }
0x15: {  	[smem:$0x3FAE] =	sst s0;
	s0 =	simm.s32 @!p2 $0x0  }
0x16: {  	s3 =	sld [smem:$0x3FDB];
	s0 =	simm.s32 @p2 $0x1  }
0x17: {  	s4 =	simm.s32 $0x1BF5;
	[smem:$0x3FB0] =	sst s0  }
0x18: {  	s0 =	sld [smem:$0x3F93];
	_ =	swait.ge [sflag:s4], $0x0  }
0x19: {  	s7 =	sld [smem:$0x3F94]  }
0x1a: {  	s8 =	sadd.s32 $0xFFFFE003, lr  }
0x1b: {  	s9 =	sadd.s32 $0xFFFFFEF7, lr;
	s5 =	simm.s32 $0xFFFFFFFF;
	p2 =	slt.u32 s8, $0xFFFFF086  }
0x1c: {  	p1 =	slt.u32 s9, $0xF7A;
	s5 =	simm.s32 @!p2 $0x0  }
0x1d: {  	s5 =	simm.s32 @p1 $0x1;
	p0 =	seq.s32 s7, s2  }
0x1e: {  	s7 =	smul.u32 @!p0 $0xF7A, s2;
	p2 =	seq.s32 @!p0 s5, $0x0  }
0x1f: {  	s9 =	smul.u32 $0xF7A, s1;
	s8 =	simm.s32 @!p0 $0x1BF5;
	p2 =	por !p2, p0  }
0x20: {  	[sflag:s8] =	ssyncset.s32 @!p0 $0xFFFFF086;
	s6 =	sadd.s32 @!p0 s3, s7;
	s7 =	simm.s32 @!p0 $0x108  }
0x21: {  	s3 =	sadd.s32 s3, s9;
	s6 =	sadd.s32 @!p0 $0x88, s6;
	s7 =	simm.s32 @p2 $0x1082  }
0x22: {  	[simem:s7], [sflag:s8] =	dma.local @!p0 [hbm:s6], $0xF7A  }
0x23: {  	s9 =	sor.u32 $0xD0000000, s2;
	s6 =	simm.s32 $0x108;
	_ =	swait.ge @!p0 [sflag:s8], $0x0  }
0x24: {  	s3 =	sadd.s32 $0x88, s3;
	s6 =	simm.s32 @!p1 $0x1082;
	[sflag:s4] =	ssyncset.s32 $0xFFFFF086  }
0x25: {  	[simem:s6], [sflag:s4] =	dma.local [hbm:s3], $0xF7A  }
0x26: {  	[smem:$0x3F94] =	sst s1;
	(tag) =	ssettag s2;
	_ =	strace s9  }
0x27: {  	s1 =	sld [smem:$0x3FA4]  }
0x28: {  	s2 =	sld [smem:$0x3FA5]  }
0x29: {  	s4 =	sld [smem:$0x3FA7]  }
0x2a: {  	p0 =	seq.s32 s5, $0x0;
	s5 =	sld [smem:$0x3FA8]  }
0x2b: {  	s6 =	sld [smem:$0x3FA9]  }
0x2c: {  	s7 =	sld [smem:$0x3FAA]  }
0x2d: {  	s3 =	simm.s32 $0x108;
	s8 =	sld [smem:$0x3FAB]  }
0x2e: {  	s3 =	simm.s32 @!p0 $0x1082;
	s9 =	sld [smem:$0x3FAC]  }
0x2f: {  	lr =	sadd.s32 s0, s3;
	s0 =	sld [smem:$0x3FA3]  }
0x30: {  	s3 =	sld [smem:$0x3FA6]  }
0x31: {  	[smem:$0x3FAF] =	sst s10  }
0x32: {  	s10 =	sld [smem:$0x3FAD];
	_ =	sdelay $0x3  }
0x33: {  	p0 =	seq.s32 s10, $0x1;
	s10 =	sld [smem:$0x3FAF];
	_ =	sdelay $0x3  }
0x34: {  	[smem:$0x3FAF] =	sst s10  }
0x35: {  	s10 =	sld [smem:$0x3FAE];
	_ =	sdelay $0x3  }
0x36: {  	p1 =	seq.s32 s10, $0x1;
	s10 =	sld [smem:$0x3FAF];
	_ =	sdelay $0x3  }
0x37: {  	[smem:$0x3FAF] =	sst s10  }
0x38: {  	s10 =	sld [smem:$0x3FB0]  }
0x39: {  	_ = 	snop;
	(pc) =	sbr.ind lr, $3  }
0x3a: {  	_ = 	snop  }
0x3b: {  	_ = 	snop  }
0x3c: {  	p2 =	seq.s32 s10, $0x1;
	s10 =	sld [smem:$0x3FAF]  }
0x3d: {  	_ =	shalt  }
0x3e: {  	_ =	shalt  }
0x3f: {  	_ =	shalt  }
0x40: {  	_ =	shalt  }
0x41: {  	_ =	shalt  }
0x42: {  	_ =	shalt  }
0x43: {  	_ =	shalt  }
0x44: {  	_ =	shalt  }
0x45: {  	_ =	shalt  }
0x46: {  	_ =	shalt  }
0x47: {  	_ =	shalt  }
0x48: {  	_ =	shalt  }
0x49: {  	_ =	shalt  }
0x4a: {  	_ =	shalt  }
0x4b: {  	_ =	shalt  }
0x4c: {  	_ =	shalt  }
0x4d: {  	_ =	shalt  }
0x4e: {  	_ =	shalt  }
0x4f: {  	_ =	shalt  }
0x50: {  	_ =	shalt  }
0x51: {  	_ =	shalt  }
0x52: {  	_ =	shalt  }
0x53: {  	_ =	shalt  }
0x54: {  	_ =	shalt  }
0x55: {  	_ =	shalt  }
0x56: {  	_ =	shalt  }
0x57: {  	_ =	shalt  }
0x58: {  	_ =	shalt  }
0x59: {  	_ =	shalt  }
0x5a: {  	_ =	shalt  }
0x5b: {  	_ =	shalt  }
0x5c: {  	_ =	shalt  }
0x5d: {  	_ =	shalt  }
0x5e: {  	_ =	shalt  }
0x5f: {  	_ =	shalt  }
0x60: {  	_ =	shalt  }
0x61: {  	_ =	shalt  }
0x62: {  	_ =	shalt  }
0x63: {  	_ =	shalt  }
0x64: {  	_ =	shalt  }
0x65: {  	_ =	shalt  }
0x66: {  	_ =	shalt  }
0x67: {  	_ =	shalt  }
0x68: {  	_ =	shalt  }
0x69: {  	_ =	shalt  }
0x6a: {  	_ =	shalt  }
0x6b: {  	_ =	shalt  }
0x6c: {  	_ =	shalt  }
0x6d: {  	_ =	shalt  }
0x6e: {  	_ =	shalt  }
0x6f: {  	_ =	shalt  }
0x70: {  	_ =	shalt  }
0x71: {  	_ =	shalt  }
0x72: {  	_ =	shalt  }
0x73: {  	_ =	shalt  }
0x74: {  	_ =	shalt  }
0x75: {  	_ =	shalt  }
0x76: {  	_ =	shalt  }
0x77: {  	_ =	shalt  }
0x78: {  	_ =	shalt  }
0x79: {  	_ =	shalt  }
0x7a: {  	_ =	shalt  }
0x7b: {  	_ =	shalt  }
0x7c: {  	_ =	shalt  }
0x7d: {  	_ =	shalt  }
0x7e: {  	_ =	shalt  }
0x7f: {  	_ =	shalt  }
0x80: {  	_ =	shalt  }
0x81: {  	_ =	shalt  }
0x82: {  	_ =	shalt  }
0x83: {  	_ =	shalt  }
0x84: {  	_ =	shalt  }
0x85: {  	_ =	shalt  }
0x86: {  	_ =	shalt  }
0x87: {  	_ =	shalt  }
.Lfunc_end0:
.L_simem_size_0:
called_computation.2_lowered:
.L_overlay_start_0:
0x88: {  	s2 =	sld [smem:$0x3FD9]  }
0x89: {  	s3 =	sld [smem:$0x3FFE];
	_ =	sdelay $0x1  }
0x8a: {  	s1 =	srdreg.scid  }
0x8b: {  	s0 =	sand.u32 $0x1, s1  }
0x8c: {  	s16 =	sshll.u32 s0, $0xA;
	s2 =	sadd.s32 s3, s2  }
0x8d: {  	s2 =	sadd.s32 s2, s16  }
0x8e: {  	[smem:$0x3FBB] =	sst s2  }
0x8f: {  	_ = 	snop  }
0x90: {  	(tm) =	ssettm $0x1  }
0x91: {  	s17 =	sld [smem:$0x3FFB];
	_ =	sdelay $0x3  }
0x92: {  	_ =	strace s17  }
0x93: {  	s2 =	sld [smem:$0x3FFC];
	_ =	sdelay $0x3  }
0x94: {  	_ =	strace s2  }
0x95: {  	s2 =	sld [smem:$0x3FFD];
	_ =	sdelay $0x3  }
0x96: {  	_ =	strace s2  }
0x97: {  	_ =	strace $0x8FFFFFFF  }
0x98: {  	s18 =	sld [smem:$0x3FDB];
	_ =	sdelay $0x1  }
0x99: {  	s19 =	simm.s32 $_scs_section_size  }
0x9a: {  	s4 =	simm.s32 $_size__tile_overlayer_lowered;
	s5 =	simm.s32 $_tile_overlayer_lowered  }
0x9b: {  	s22 =	simm.s32 $0x1BFF;
	s21 =	sshll.u32 s5, $0x1;
	s2 =	sadd.s32 s19, s18  }
0x9c: {  	s6 =	simm.s32 $0x0;
	s20 =	sshll.u32 s4, $0x1;
	s4 =	sadd.s32 s21, s2  }
0x9d: {  	[timem:s6], [sflag:s22] =	dma.local [hbm:s4], s20  }
0x9e: {  	_ =	swait.ge [sflag:s22], s20  }
0x9f: {  	s3 =	ssub.s32 $0x0, s20;
	[sflag:s22] =	ssyncset.done $0x0  }
0xa0: {  	[sflag:s22] =	ssyncadd.s32 s3;
	_ =	sdelay $0x1  }
0xa1: {  	s23 =	simm.s32 $0x1B8B  }
0xa2: {  	_ =	swait.ge [sflag:s23], $0x1  }
0xa3: {  	[sflag:s23] =	ssyncset.done $0x0  }
0xa4: {  	s25 =	simm.s32 $0x1B8E;
	s24 =	sld [smem:$0x3FFE];
	[sflag:s23] =	ssyncadd.s32 $0xFFFFFFFF  }
0xa5: {  	s26 =	simm.s32 $execute0_lowered;
	[smem:$0x3FD2] =	sst s25  }
0xa6: {  	s4 =	sshll.u32 s26, $0x1;
	_ =	strace $0x8000004C;
	[dreg:$0x1] =	wrdreg $0xFFFFFFFF  }
0xa7: {  	s28 =	simm.s32 $_size_execute0_lowered;
	s2 =	sadd.s32 s2, s4;
	[dreg:$0x0] =	wrdreg $0x0  }
0xa8: {  	s4 =	sshll.u32 s28, $0x1;
	[dreg:$0x2] =	wrdreg s2  }
0xa9: {  	[dreg:$0x3] =	wrdreg s4  }
0xaa: {  	[dreg:$0x4] =	wrdreg $0xC0  }
0xab: {  	_ =	task [dreg:s6], $0x5FFFF  }
0xac: {  	[dreg:$0x1] =	wrdreg $0xFFFFFFFF  }
0xad: {  	[dreg:$0x0] =	wrdreg $0x60  }
0xae: {  	[dreg:$0x2] =	wrdreg s24  }
0xaf: {  	[dreg:$0x3] =	wrdreg $0x29000  }
0xb0: {  	[dreg:$0x4] =	wrdreg $0x9  }
0xb1: {  	_ =	task.clear_ibuf [dreg:s6], $0x5FFFF;
	_ =	strace $0x9000004C  }
0xb2: {  	s29 =	simm.s32 $0x9;
	_ =	strace $0x8000004E  }
0xb3: {  	_ =	swait.ge [sflag:s29], $0x1  }
0xb4: {  	[sflag:s29] =	ssyncadd.s32 $0xFFFFFFFF  }
0xb5: {  	_ =	strace $0x9000004E  }
0xb6: {  	_ =	sfence  }
0xb7: {  	s30 =	sld [smem:$0x0];
	_ =	sdelay $0x2  }
0xb8: {  	s31 =	sshll.u32 s1, $0xD;
	s1 =	sshrl.u32 s1, $0x2  }
0xb9: {  	s3 =	sand.u32 $0x4000, s31;
	s1 =	sadd.s32 s1, s30  }
0xba: {  	s0 =	sor.u32 s3, s0;
	s1 =	sshll.u32 s1, $0x11  }
0xbb: {  	s0 =	sor.u32 s1, s0  }
0xbc: {  	s0 =	sadd.s32 $0x8F2B, s0  }
0xbd: {  	[sflag:s0] =	ssyncadd.remote.s32 $0x1  }
0xbe: {  	_ =	sfence.sel $0xFFFF  }
0xbf: {  	[dreg:$0x0] =	wrdreg $0xFFFFFFFF;
	(pc) =	sbr.abs _section_cstart, $3  }
0xc0: {  	[dreg:$0x1] =	wrdreg $0xFFFFFFFF  }
0xc1: {  	_ =	task.clear_ibuf [dreg:s6], $0x2FFFF;
	_ =	strace $0x9FFFFFFF  }
0xc2: {  	(tm) =	ssettm $0x7FFFFFFF  }
0xc3: {  	_ =	shalt  }
tec
execute0_lowered:
.L_overlay_start_1:
0x0: {  	(tag) =	ssettag $0x1  }
0x1: {  	s8 =	rddreg [dreg:$0x0]  }
0x2: {  	s2 =	rddreg [dreg:$0x1]  }
0x3: {  	s0 =	rddreg [dreg:$0x2];
	s3 =	simm.s32 $0x0;
	s1 =	stileid.u32  }
0x4: {  	s7 =	srdreg.scid;
	s19 =	simm.s32 $0x50;
	s20 =	simm.s32 $0x100  }
0x5: {  	s21 =	simm.s32 $0x1;
	s23 =	simm.s32 $0x0;
	[smem:$0x7FF] =	sst s3  }
0x6: {  	s6 =	smul.u32 $0x4E2, s1;
	s4 =	sadd.s32 $0xAF000, s8;
	s5 =	sadd.s32 $0xD6200, s8  }
0x7: {  	s18 =	sand.u32 $0x1, s7;
	s10 =	smul.u32 $0x4E000, s1;
	s7 =	sadd.s32 $0x5E400, s8  }
0x8: {  	s12 =	sshll.u32 s1, $0x6;
	s13 =	smul.u32 $0x2700, s1;
	s22 =	sadd.s32 $0x138000, s2  }
0x9: {  	p0 =	sne.s32 s1, $0xF;
	p2 =	seq.s32 s1, $0xF;
	_ =	strace $0x8000004D  }
0xa: {  	s9 =	ssub.s32 $0x2, s18;
	s17 =	sshrl.u32 @!p0 s22, $0x3;
	p1 =	sne.s32 s18, $0x0  }
0xb: {  	s18 =	simm.s32 $0x80;
	s22 =	sshrl.u32 s22, $0x3;
	s14 =	sadd.s32 s6, s8  }
.Ltmp0:
0xc: {  	s6 =	sadd.s32 $0xAC800, s8;
	s11 =	sshrl.u32 s9, $0x1;
	(pc) =	sbr.rel .LBB2_1-.Ltmp0, $4  }
0xd: {  	s8 =	sadd.s32 $0x85600, s8;
	s10 =	sshrl.u32 s10, $0x2;
	s15 =	ssub.s32 s9, s11  }
0xe: {  	s16 =	sadd.s32 s10, s2;
	s9 =	sor.u32 $0x1C02, s12;
	s10 =	sadd.s32 s8, s13  }
0xf: {  	s11 =	sadd.s32 s7, s13;
	s13 =	sadd.s32 $0x6200, s14;
	s14 =	sadd.s32 $0xB200, s14  }
0x10: {  	s12 =	smax.u32 s15, $0x1;
	s15 =	sshrl.u32 s16, $0x3;
	s16 =	simm.s32 $0x2  }
.LBB2_8:
0x11: {  	s24 =	sadd.s32 $0x27000, s24  }
0x12: {  	[hbm:s24], [sflag:s9] =	dma.local [spmem:s22], $0x100  }
0x13: {  	_ =	swait.ge [sflag:s16], $0x100  }
0x14: {  	[sflag:s16] =	ssyncset.done $0x0  }
0x15: {  	[sflag:s16] =	ssyncadd.s32 $0xFFFFFF00  }
.LBB2_9:
0x16: {  	s23 =	sadd.s32 $0x1, s23  }
0x17: {  	p3 =	sne.s32 s23, s12  }
.Ltmp1:
0x18: {  	_ = 	snop;
	(pc) =	sbr.rel @!p3 .LBB2_10-.Ltmp1, $1  }
0x19: {  	_ =	sdelay $0x3  }
.LBB2_1:
0x1a: {  	[spmem:s15], [sflag:s9] =	dma.local [hbm:s6], $0x2700  }
0x1b: {  	_ =	swait.ge [sflag:s16], $0x2700  }
0x1c: {  	[sflag:s16] =	ssyncset.done $0x0  }
0x1d: {  	s24 =	simm.s32 @!p0 $0x2;
	[sflag:s16] =	ssyncadd.s32 $0xFFFFD900  }
0x1e: {  	[spmem:s17], [sflag:s9] =	dma.local @!p0 [hbm:s6], $0x100  }
.Ltmp2:
0x1f: {  	_ =	swait.ge @!p0 [sflag:s24], $0x100;
	(pc) =	sbr.rel @p1 .LBB2_5-.Ltmp2, $4  }
0x20: {  	[sflag:s24] =	ssyncset.done @!p0 $0x0  }
0x21: {  	[sflag:s24] =	ssyncadd.s32 @!p0 $0xFFFFFF00  }
0x22: {  	[bflag:$0x0] =	sbarrier.arrive $0xFFFF  }
0x23: {  	s24 =	sadd.s32 $0x0, s14  }
0x24: {  	[tilespmem:s3], [sflag:$0x2] =	stream.linear.gather [hbm4b:s24+s3], $0x50, $0x38;
	[tilespmem:$0x16180] =	vst v63  }
0x25: {  	_ =	swait.ge [sflag:s16], $0x50  }
0x26: {  	[sflag:s16] =	ssyncset.done $0x0  }
0x27: {  	s31 =	sadd.s32 $0x0, s13;
	[sflag:s16] =	ssyncadd.s32 $0xFFFFFFB0  }
0x28: {  	[tilespmem:s18], [sflag:$0x2] =	stream.linear.gather [hbm4b:s31+s3], $0x50, $0x38;
	[tilespmem:$0x16180] =	vst v63  }
0x29: {  	_ =	swait.ge [sflag:s16], $0x50  }
0x2a: {  	[sflag:s16] =	ssyncset.done $0x0  }
0x2b: {  	[sflag:s16] =	ssyncadd.s32 $0xFFFFFFB0  }
0x2c: {  	[tilespmem:s20], [sflag:$0x1] =	stream.indirect.gather [hbm4b:s4+s19], $0x80, s3, s19, $0xb8;
	[tilespmem:$0x16180] =	vst v63  }
0x2d: {  	_ =	swait.ge [sflag:s21], $0x2800  }
0x2e: {  	[sflag:s21] =	ssyncset.done $0x0  }
0x2f: {  	[sflag:s21] =	ssyncadd.s32 $0xFFFFD800  }
0x30: {  	[spmem:s2] =	stream.indirect.scatter.add.f32 [tilespmem:s20], [sflag:$0x2], $0x80, s18, s19, $0xb8;
	[tilespmem:$0x16180] =	vst v63  }
0x31: {  	_ =	swait.ge [sflag:s16], $0x2800  }
0x32: {  	s24 =	simm.s32 $0xA;
	s25 =	simm.s32 $0x14;
	[sflag:s16] =	ssyncset.done $0x0  }
.LBB2_3:
0x33: {  	s26 =	sadd.s32 s24, s14  }
0x34: {  	[sflag:s16] =	ssyncadd.s32 $0xFFFFD800;
	s28 =	smov.u32 s25;
	s29 =	sadd.s32 $0xA, s25  }
0x35: {  	[tilespmem:s3], [sflag:$0x2] =	stream.linear.gather [hbm4b:s26+s3], $0x50, $0x38;
	[tilespmem:$0x16180] =	vst v63  }
0x36: {  	p3 =	sne.s32 s25, $0x4D8;
	_ =	swait.ge [sflag:s16], $0x50  }
0x37: {  	[sflag:s16] =	ssyncset.done $0x0  }
0x38: {  	s25 =	sadd.s32 s24, s13;
	s24 =	smov.u32 s28;
	[sflag:s16] =	ssyncadd.s32 $0xFFFFFFB0  }
0x39: {  	[tilespmem:s18], [sflag:$0x2] =	stream.linear.gather [hbm4b:s25+s3], $0x50, $0x38;
	[tilespmem:$0x16180] =	vst v63  }
0x3a: {  	_ =	swait.ge [sflag:s16], $0x50  }
0x3b: {  	[sflag:s16] =	ssyncset.done $0x0  }
0x3c: {  	[sflag:s16] =	ssyncadd.s32 $0xFFFFFFB0  }
0x3d: {  	[tilespmem:s20], [sflag:$0x1] =	stream.indirect.gather [hbm4b:s4+s19], $0x80, s3, s19, $0xb8;
	[tilespmem:$0x16180] =	vst v63  }
0x3e: {  	_ =	swait.ge [sflag:s21], $0x2800  }
.Ltmp3:
0x3f: {  	[sflag:s21] =	ssyncset.done $0x0;
	(pc) =	sbr.rel @p3 .LBB2_3-.Ltmp3, $4  }
0x40: {  	[sflag:s21] =	ssyncadd.s32 $0xFFFFD800  }
0x41: {  	[spmem:s2] =	stream.indirect.scatter.add.f32 [tilespmem:s20], [sflag:$0x2], $0x80, s18, s19, $0xb8;
	[tilespmem:$0x16180] =	vst v63  }
0x42: {  	_ =	swait.ge [sflag:s16], $0x2800  }
0x43: {  	s25 =	smov.u32 s29;
	[sflag:s16] =	ssyncset.done $0x0  }
0x44: {  	s25 =	sadd.s32 s24, s14;
	[sflag:s16] =	ssyncadd.s32 $0xFFFFD800  }
0x45: {  	[tilespmem:s3], [sflag:$0x2] =	stream.linear.gather [hbm4b:s25+s3], $0x50, $0x38;
	[tilespmem:$0x16180] =	vst v63  }
0x46: {  	_ =	swait.ge [sflag:s16], $0x50  }
0x47: {  	[sflag:s16] =	ssyncset.done $0x0  }
0x48: {  	s31 =	sadd.s32 s24, s13;
	[sflag:s16] =	ssyncadd.s32 $0xFFFFFFB0  }
0x49: {  	[tilespmem:s18], [sflag:$0x2] =	stream.linear.gather [hbm4b:s31+s3], $0x50, $0x38;
	[tilespmem:$0x16180] =	vst v63  }
0x4a: {  	_ =	swait.ge [sflag:s16], $0x50  }
0x4b: {  	[sflag:s16] =	ssyncset.done $0x0  }
0x4c: {  	[sflag:s16] =	ssyncadd.s32 $0xFFFFFFB0  }
0x4d: {  	[tilespmem:s20], [sflag:$0x1] =	stream.indirect.gather [hbm4b:s4+s19], $0x80, s3, s19, $0xb8;
	[tilespmem:$0x16180] =	vst v63  }
0x4e: {  	_ =	swait.ge [sflag:s21], $0x2800  }
0x4f: {  	[sflag:s21] =	ssyncset.done $0x0  }
0x50: {  	[sflag:s21] =	ssyncadd.s32 $0xFFFFD800  }
0x51: {  	[spmem:s2] =	stream.indirect.scatter.add.f32 [tilespmem:s20], [sflag:$0x2], $0x80, s18, s19, $0xb8;
	[tilespmem:$0x16180] =	vst v63  }
0x52: {  	_ =	swait.ge [sflag:s16], $0x2800  }
0x53: {  	[sflag:s16] =	ssyncset.done $0x0  }
0x54: {  	[sflag:s16] =	ssyncadd.s32 $0xFFFFD800  }
0x55: {  	[bflag:$0x0] =	sbarrier.arrive $0xFFFF  }
0x56: {  	[hbm:s11], [sflag:s9] =	dma.local [spmem:s15], $0x2700  }
.Ltmp4:
0x57: {  	_ = 	snop;
	(pc) =	sbr.rel @p2 .LBB2_8-.Ltmp4, $4  }
.Ltmp5:
0x58: {  	_ = 	snop;
	(pc) =	sbr.rel @!p2 .LBB2_9-.Ltmp5, $4  }
0x59: {  	_ =	swait.ge [sflag:s16], $0x2700  }
0x5a: {  	[sflag:s16] =	ssyncset.done $0x0  }
0x5b: {  	s24 =	smov.u32 s7;
	[sflag:s16] =	ssyncadd.s32 $0xFFFFD900  }
0x5c: {  	_ = 	snop  }
.LBB2_5:
0x5d: {  	[tilespmem:s3], [sflag:$0x2] =	stream.linear.gather [hbm4b:s24+s3], $0x50, $0x38;
	[tilespmem:$0x16180] =	vst v63  }
0x5e: {  	_ =	swait.ge [sflag:s16], $0x50  }
0x5f: {  	[sflag:s16] =	ssyncset.done $0x0  }
0x60: {  	s31 =	sadd.s32 $0x0, s13;
	[sflag:s16] =	ssyncadd.s32 $0xFFFFFFB0  }
0x61: {  	[tilespmem:s18], [sflag:$0x2] =	stream.linear.gather [hbm4b:s31+s3], $0x50, $0x38;
	[tilespmem:$0x16180] =	vst v63  }
0x62: {  	_ =	swait.ge [sflag:s16], $0x50  }
0x63: {  	[sflag:s16] =	ssyncset.done $0x0  }
0x64: {  	[sflag:s16] =	ssyncadd.s32 $0xFFFFFFB0  }
0x65: {  	[tilespmem:s20], [sflag:$0x1] =	stream.indirect.gather [hbm4b:s5+s19], $0x80, s3, s19, $0xb8;
	[tilespmem:$0x16180] =	vst v63  }
0x66: {  	_ =	swait.ge [sflag:s21], $0x2800  }
0x67: {  	[sflag:s21] =	ssyncset.done $0x0  }
0x68: {  	[sflag:s21] =	ssyncadd.s32 $0xFFFFD800  }
0x69: {  	[spmem:s2] =	stream.indirect.scatter.add.f32 [tilespmem:s20], [sflag:$0x2], $0x80, s18, s19, $0xb8;
	[tilespmem:$0x16180] =	vst v63  }
0x6a: {  	_ =	swait.ge [sflag:s16], $0x2800  }
0x6b: {  	s24 =	simm.s32 $0xA;
	s25 =	simm.s32 $0x14;
	[sflag:s16] =	ssyncset.done $0x0  }
.LBB2_6:
0x6c: {  	s26 =	sadd.s32 s24, s14  }
0x6d: {  	[sflag:s16] =	ssyncadd.s32 $0xFFFFD800;
	s28 =	smov.u32 s25;
	s29 =	sadd.s32 $0xA, s25  }
0x6e: {  	[tilespmem:s3], [sflag:$0x2] =	stream.linear.gather [hbm4b:s26+s3], $0x50, $0x38;
	[tilespmem:$0x16180] =	vst v63  }
0x6f: {  	p3 =	sne.s32 s25, $0x4D8;
	_ =	swait.ge [sflag:s16], $0x50  }
0x70: {  	[sflag:s16] =	ssyncset.done $0x0  }
0x71: {  	s25 =	sadd.s32 s24, s13;
	s24 =	smov.u32 s28;
	[sflag:s16] =	ssyncadd.s32 $0xFFFFFFB0  }
0x72: {  	[tilespmem:s18], [sflag:$0x2] =	stream.linear.gather [hbm4b:s25+s3], $0x50, $0x38;
	[tilespmem:$0x16180] =	vst v63  }
0x73: {  	_ =	swait.ge [sflag:s16], $0x50  }
0x74: {  	[sflag:s16] =	ssyncset.done $0x0  }
0x75: {  	[sflag:s16] =	ssyncadd.s32 $0xFFFFFFB0  }
0x76: {  	[tilespmem:s20], [sflag:$0x1] =	stream.indirect.gather [hbm4b:s5+s19], $0x80, s3, s19, $0xb8;
	[tilespmem:$0x16180] =	vst v63  }
0x77: {  	_ =	swait.ge [sflag:s21], $0x2800  }
.Ltmp6:
0x78: {  	[sflag:s21] =	ssyncset.done $0x0;
	(pc) =	sbr.rel @p3 .LBB2_6-.Ltmp6, $4  }
0x79: {  	[sflag:s21] =	ssyncadd.s32 $0xFFFFD800  }
0x7a: {  	[spmem:s2] =	stream.indirect.scatter.add.f32 [tilespmem:s20], [sflag:$0x2], $0x80, s18, s19, $0xb8;
	[tilespmem:$0x16180] =	vst v63  }
0x7b: {  	_ =	swait.ge [sflag:s16], $0x2800  }
0x7c: {  	s25 =	smov.u32 s29;
	[sflag:s16] =	ssyncset.done $0x0  }
0x7d: {  	s25 =	sadd.s32 s24, s14;
	[sflag:s16] =	ssyncadd.s32 $0xFFFFD800  }
0x7e: {  	[tilespmem:s3], [sflag:$0x2] =	stream.linear.gather [hbm4b:s25+s3], $0x50, $0x38;
	[tilespmem:$0x16180] =	vst v63  }
0x7f: {  	_ =	swait.ge [sflag:s16], $0x50  }
0x80: {  	[sflag:s16] =	ssyncset.done $0x0  }
0x81: {  	s31 =	sadd.s32 s24, s13;
	[sflag:s16] =	ssyncadd.s32 $0xFFFFFFB0  }
0x82: {  	[tilespmem:s18], [sflag:$0x2] =	stream.linear.gather [hbm4b:s31+s3], $0x50, $0x38;
	[tilespmem:$0x16180] =	vst v63  }
0x83: {  	_ =	swait.ge [sflag:s16], $0x50  }
0x84: {  	[sflag:s16] =	ssyncset.done $0x0  }
0x85: {  	[sflag:s16] =	ssyncadd.s32 $0xFFFFFFB0  }
0x86: {  	[tilespmem:s20], [sflag:$0x1] =	stream.indirect.gather [hbm4b:s5+s19], $0x80, s3, s19, $0xb8;
	[tilespmem:$0x16180] =	vst v63  }
0x87: {  	_ =	swait.ge [sflag:s21], $0x2800  }
0x88: {  	[sflag:s21] =	ssyncset.done $0x0  }
0x89: {  	[sflag:s21] =	ssyncadd.s32 $0xFFFFD800  }
0x8a: {  	[spmem:s2] =	stream.indirect.scatter.add.f32 [tilespmem:s20], [sflag:$0x2], $0x80, s18, s19, $0xb8;
	[tilespmem:$0x16180] =	vst v63  }
0x8b: {  	_ =	swait.ge [sflag:s16], $0x2800  }
0x8c: {  	[sflag:s16] =	ssyncset.done $0x0  }
0x8d: {  	[sflag:s16] =	ssyncadd.s32 $0xFFFFD800  }
0x8e: {  	[bflag:$0x0] =	sbarrier.arrive $0xFFFF  }
0x8f: {  	[hbm:s10], [sflag:s9] =	dma.local [spmem:s15], $0x2700  }
.Ltmp7:
0x90: {  	_ = 	snop;
	(pc) =	sbr.rel @p0 .LBB2_9-.Ltmp7, $4  }
.Ltmp8:
0x91: {  	_ = 	snop;
	(pc) =	sbr.rel @!p0 .LBB2_8-.Ltmp8, $4  }
0x92: {  	_ =	swait.ge [sflag:s16], $0x2700  }
0x93: {  	[sflag:s16] =	ssyncset.done $0x0  }
0x94: {  	s24 =	smov.u32 s8;
	[sflag:s16] =	ssyncadd.s32 $0xFFFFD900  }
0x95: {  	_ = 	snop  }
.LBB2_10:
0x96: {  	_ =	sfence.sel $0x180000  }
0x97: {  	[bflag:$0x0] =	sbarrier.arrive $0xFFFF  }
0x98: {  	p0 =	sne.s32 s1, $0x0;
	_ =	strace $0x9000004D  }
0x99: {  	s0 =	sadd.s32 @!p0 $0x100000, s0;
	[bflag:$0x2] =	sbarrier.arrive $0xFFFF  }
0x9a: {  	[sflag:s0] =	ssyncadd.tile.s32 @!p0 $0x1;
	_ =	shalt  }
.Lfunc_end2:
_tile_overlayer_lowered:
.L_overlay_start_2:
0x9b: {  	(tag) =	ssettag $0x2  }
0x9c: {  	s0 =	rddreg [dreg:$0x0];
	s2 =	stileid.u32  }
0x9d: {  	s1 =	rddreg [dreg:$0x1];
	p0 =	sne.s32 s2, $0x0  }
0x9e: {  	s3 =	rddreg [dreg:$0x2];
	[bflag:$0x3] =	sbarrier.arrive $0xFFFF;
	s2 =	simm.s32 @!p0 $0x1C02  }
0x9f: {  	[timem:s3], [sflag:s2] =	dma.local @!p0 [hbm:s0], s1  }
0xa0: {  	s0 =	simm.s32 @!p0 $0x2  }
0xa1: {  	_ =	swait.ge @!p0 [sflag:s0], s1  }
0xa2: {  	s1 =	ssub.s32 @!p0 $0x0, s1;
	[sflag:s0] =	ssyncset.done @!p0 $0x0  }
0xa3: {  	[sflag:s0] =	ssyncadd.s32 @!p0 s1  }
0xa4: {  	[bflag:$0x3] =	sbarrier.arrive $0xFFFF  }
0xa5: {  	_ =	shalt  }

// kernel: kernel.20.cloned.1.call-start
scs
__scs_entry_jumppad:
0x0: {  	(pc) =	sbr.rel $0x88, $3  }
0x1: {  	(tag) =	ssettag $0x0;
	lr =	simm.s32 $0x1  }
0x2: {  	[smem:$0x3F94] =	sst lr;
	_ =	strace $0xD0000000  }
0x3: {  	_ = 	snop  }
0x4: {  	_ = 	snop  }
0x5: {  	_ = 	snop  }
0x6: {  	_ = 	snop  }
0x7: {  	_ = 	snop  }
__scs_overlays_trampoline_lowered:
0x8: {  	[smem:$0x3FA3] =	sst s0  }
0x9: {  	[smem:$0x3FA4] =	sst s1  }
0xa: {  	[smem:$0x3FA5] =	sst s2  }
0xb: {  	[smem:$0x3FA6] =	sst s3  }
0xc: {  	[smem:$0x3FA7] =	sst s4  }
0xd: {  	[smem:$0x3FA8] =	sst s5  }
0xe: {  	[smem:$0x3FA9] =	sst s6  }
0xf: {  	[smem:$0x3FAA] =	sst s7  }
0x10: {  	[smem:$0x3FAB] =	sst s8  }
0x11: {  	[smem:$0x3FAC] =	sst s9;
	s0 =	simm.s32 @!p0 $0x0  }
0x12: {  	s1 =	sld [smem:$0x3F92];
	s0 =	simm.s32 @p0 $0x1  }
0x13: {  	[smem:$0x3FAD] =	sst s0;
	s0 =	simm.s32 @!p1 $0x0  }
0x14: {  	s2 =	sld [smem:$0x3F91];
	s0 =	simm.s32 @p1 $0x1  }
0x15: {  	[smem:$0x3FAE] =	sst s0;
	s0 =	simm.s32 @!p2 $0x0  }
0x16: {  	s3 =	sld [smem:$0x3FDB];
	s0 =	simm.s32 @p2 $0x1  }
0x17: {  	s4 =	simm.s32 $0x1BF5;
	[smem:$0x3FB0] =	sst s0  }
0x18: {  	s0 =	sld [smem:$0x3F93];
	_ =	swait.ge [sflag:s4], $0x0  }
0x19: {  	s7 =	sld [smem:$0x3F94]  }
0x1a: {  	s8 =	sadd.s32 $0xFFFFE003, lr  }
0x1b: {  	s9 =	sadd.s32 $0xFFFFFEF7, lr;
	s5 =	simm.s32 $0xFFFFFFFF;
	p2 =	slt.u32 s8, $0xFFFFF086  }
0x1c: {  	p1 =	slt.u32 s9, $0xF7A;
	s5 =	simm.s32 @!p2 $0x0  }
0x1d: {  	s5 =	simm.s32 @p1 $0x1;
	p0 =	seq.s32 s7, s2  }
0x1e: {  	s7 =	smul.u32 @!p0 $0xF7A, s2;
	p2 =	seq.s32 @!p0 s5, $0x0  }
0x1f: {  	s9 =	smul.u32 $0xF7A, s1;
	s8 =	simm.s32 @!p0 $0x1BF5;
	p2 =	por !p2, p0  }
0x20: {  	[sflag:s8] =	ssyncset.s32 @!p0 $0xFFFFF086;
	s6 =	sadd.s32 @!p0 s3, s7;
	s7 =	simm.s32 @!p0 $0x108  }
0x21: {  	s3 =	sadd.s32 s3, s9;
	s6 =	sadd.s32 @!p0 $0x88, s6;
	s7 =	simm.s32 @p2 $0x1082  }
0x22: {  	[simem:s7], [sflag:s8] =	dma.local @!p0 [hbm:s6], $0xF7A  }
0x23: {  	s9 =	sor.u32 $0xD0000000, s2;
	s6 =	simm.s32 $0x108;
	_ =	swait.ge @!p0 [sflag:s8], $0x0  }
0x24: {  	s3 =	sadd.s32 $0x88, s3;
	s6 =	simm.s32 @!p1 $0x1082;
	[sflag:s4] =	ssyncset.s32 $0xFFFFF086  }
0x25: {  	[simem:s6], [sflag:s4] =	dma.local [hbm:s3], $0xF7A  }
0x26: {  	[smem:$0x3F94] =	sst s1;
	(tag) =	ssettag s2;
	_ =	strace s9  }
0x27: {  	s1 =	sld [smem:$0x3FA4]  }
0x28: {  	s2 =	sld [smem:$0x3FA5]  }
0x29: {  	s4 =	sld [smem:$0x3FA7]  }
0x2a: {  	p0 =	seq.s32 s5, $0x0;
	s5 =	sld [smem:$0x3FA8]  }
0x2b: {  	s6 =	sld [smem:$0x3FA9]  }
0x2c: {  	s7 =	sld [smem:$0x3FAA]  }
0x2d: {  	s3 =	simm.s32 $0x108;
	s8 =	sld [smem:$0x3FAB]  }
0x2e: {  	s3 =	simm.s32 @!p0 $0x1082;
	s9 =	sld [smem:$0x3FAC]  }
0x2f: {  	lr =	sadd.s32 s0, s3;
	s0 =	sld [smem:$0x3FA3]  }
0x30: {  	s3 =	sld [smem:$0x3FA6]  }
0x31: {  	[smem:$0x3FAF] =	sst s10  }
0x32: {  	s10 =	sld [smem:$0x3FAD];
	_ =	sdelay $0x3  }
0x33: {  	p0 =	seq.s32 s10, $0x1;
	s10 =	sld [smem:$0x3FAF];
	_ =	sdelay $0x3  }
0x34: {  	[smem:$0x3FAF] =	sst s10  }
0x35: {  	s10 =	sld [smem:$0x3FAE];
	_ =	sdelay $0x3  }
0x36: {  	p1 =	seq.s32 s10, $0x1;
	s10 =	sld [smem:$0x3FAF];
	_ =	sdelay $0x3  }
0x37: {  	[smem:$0x3FAF] =	sst s10  }
0x38: {  	s10 =	sld [smem:$0x3FB0]  }
0x39: {  	_ = 	snop;
	(pc) =	sbr.ind lr, $3  }
0x3a: {  	_ = 	snop  }
0x3b: {  	_ = 	snop  }
0x3c: {  	p2 =	seq.s32 s10, $0x1;
	s10 =	sld [smem:$0x3FAF]  }
0x3d: {  	_ =	shalt  }
0x3e: {  	_ =	shalt  }
0x3f: {  	_ =	shalt  }
0x40: {  	_ =	shalt  }
0x41: {  	_ =	shalt  }
0x42: {  	_ =	shalt  }
0x43: {  	_ =	shalt  }
0x44: {  	_ =	shalt  }
0x45: {  	_ =	shalt  }
0x46: {  	_ =	shalt  }
0x47: {  	_ =	shalt  }
0x48: {  	_ =	shalt  }
0x49: {  	_ =	shalt  }
0x4a: {  	_ =	shalt  }
0x4b: {  	_ =	shalt  }
0x4c: {  	_ =	shalt  }
0x4d: {  	_ =	shalt  }
0x4e: {  	_ =	shalt  }
0x4f: {  	_ =	shalt  }
0x50: {  	_ =	shalt  }
0x51: {  	_ =	shalt  }
0x52: {  	_ =	shalt  }
0x53: {  	_ =	shalt  }
0x54: {  	_ =	shalt  }
0x55: {  	_ =	shalt  }
0x56: {  	_ =	shalt  }
0x57: {  	_ =	shalt  }
0x58: {  	_ =	shalt  }
0x59: {  	_ =	shalt  }
0x5a: {  	_ =	shalt  }
0x5b: {  	_ =	shalt  }
0x5c: {  	_ =	shalt  }
0x5d: {  	_ =	shalt  }
0x5e: {  	_ =	shalt  }
0x5f: {  	_ =	shalt  }
0x60: {  	_ =	shalt  }
0x61: {  	_ =	shalt  }
0x62: {  	_ =	shalt  }
0x63: {  	_ =	shalt  }
0x64: {  	_ =	shalt  }
0x65: {  	_ =	shalt  }
0x66: {  	_ =	shalt  }
0x67: {  	_ =	shalt  }
0x68: {  	_ =	shalt  }
0x69: {  	_ =	shalt  }
0x6a: {  	_ =	shalt  }
0x6b: {  	_ =	shalt  }
0x6c: {  	_ =	shalt  }
0x6d: {  	_ =	shalt  }
0x6e: {  	_ =	shalt  }
0x6f: {  	_ =	shalt  }
0x70: {  	_ =	shalt  }
0x71: {  	_ =	shalt  }
0x72: {  	_ =	shalt  }
0x73: {  	_ =	shalt  }
0x74: {  	_ =	shalt  }
0x75: {  	_ =	shalt  }
0x76: {  	_ =	shalt  }
0x77: {  	_ =	shalt  }
0x78: {  	_ =	shalt  }
0x79: {  	_ =	shalt  }
0x7a: {  	_ =	shalt  }
0x7b: {  	_ =	shalt  }
0x7c: {  	_ =	shalt  }
0x7d: {  	_ =	shalt  }
0x7e: {  	_ =	shalt  }
0x7f: {  	_ =	shalt  }
0x80: {  	_ =	shalt  }
0x81: {  	_ =	shalt  }
0x82: {  	_ =	shalt  }
0x83: {  	_ =	shalt  }
0x84: {  	_ =	shalt  }
0x85: {  	_ =	shalt  }
0x86: {  	_ =	shalt  }
0x87: {  	_ =	shalt  }
.Lfunc_end0:
.L_simem_size_0:
called_computation.3_lowered:
.L_overlay_start_0:
0x88: {  	s2 =	sld [smem:$0x3FD9]  }
0x89: {  	s3 =	sld [smem:$0x3FFE];
	_ =	sdelay $0x1  }
0x8a: {  	s1 =	srdreg.scid  }
0x8b: {  	s0 =	sand.u32 $0x1, s1  }
0x8c: {  	s16 =	sshll.u32 s0, $0xA;
	s2 =	sadd.s32 s3, s2  }
0x8d: {  	s2 =	sadd.s32 s2, s16  }
0x8e: {  	[smem:$0x3FBB] =	sst s2  }
0x8f: {  	_ = 	snop  }
0x90: {  	(tm) =	ssettm $0x1  }
0x91: {  	s17 =	sld [smem:$0x3FFB];
	_ =	sdelay $0x3  }
0x92: {  	_ =	strace s17  }
0x93: {  	s2 =	sld [smem:$0x3FFC];
	_ =	sdelay $0x3  }
0x94: {  	_ =	strace s2  }
0x95: {  	s2 =	sld [smem:$0x3FFD];
	_ =	sdelay $0x3  }
0x96: {  	_ =	strace s2  }
0x97: {  	_ =	strace $0x8FFFFFFF  }
0x98: {  	s18 =	sld [smem:$0x3FDB];
	_ =	sdelay $0x1  }
0x99: {  	s19 =	simm.s32 $_scs_section_size  }
0x9a: {  	s4 =	simm.s32 $_size__tile_overlayer_lowered;
	s5 =	simm.s32 $_tile_overlayer_lowered  }
0x9b: {  	s22 =	simm.s32 $0x1BFF;
	s21 =	sshll.u32 s5, $0x1;
	s2 =	sadd.s32 s19, s18  }
0x9c: {  	s6 =	simm.s32 $0x0;
	s20 =	sshll.u32 s4, $0x1;
	s4 =	sadd.s32 s21, s2  }
0x9d: {  	[timem:s6], [sflag:s22] =	dma.local [hbm:s4], s20  }
0x9e: {  	_ =	swait.ge [sflag:s22], s20  }
0x9f: {  	s3 =	ssub.s32 $0x0, s20;
	[sflag:s22] =	ssyncset.done $0x0  }
0xa0: {  	[sflag:s22] =	ssyncadd.s32 s3;
	_ =	sdelay $0x1  }
0xa1: {  	s23 =	simm.s32 $0x1B8B  }
0xa2: {  	_ =	swait.ge [sflag:s23], $0x1  }
0xa3: {  	[sflag:s23] =	ssyncset.done $0x0  }
0xa4: {  	s25 =	simm.s32 $0x1B8E;
	s24 =	sld [smem:$0x3FFE];
	[sflag:s23] =	ssyncadd.s32 $0xFFFFFFFF  }
0xa5: {  	s26 =	simm.s32 $execute0_lowered;
	[smem:$0x3FD2] =	sst s25  }
0xa6: {  	s4 =	sshll.u32 s26, $0x1;
	_ =	strace $0x8000004F;
	[dreg:$0x1] =	wrdreg $0xFFFFFFFF  }
0xa7: {  	s28 =	simm.s32 $_size_execute0_lowered;
	s2 =	sadd.s32 s2, s4;
	[dreg:$0x0] =	wrdreg $0x0  }
0xa8: {  	s4 =	sshll.u32 s28, $0x1;
	[dreg:$0x2] =	wrdreg s2  }
0xa9: {  	[dreg:$0x3] =	wrdreg s4  }
0xaa: {  	[dreg:$0x4] =	wrdreg $0xC0  }
0xab: {  	_ =	task [dreg:s6], $0x5FFFF  }
0xac: {  	[dreg:$0x1] =	wrdreg $0xFFFFFFFF  }
0xad: {  	[dreg:$0x0] =	wrdreg $0x60  }
0xae: {  	[dreg:$0x2] =	wrdreg s24  }
0xaf: {  	[dreg:$0x3] =	wrdreg $0x15000  }
0xb0: {  	[dreg:$0x4] =	wrdreg $0x9  }
0xb1: {  	_ =	task.clear_ibuf [dreg:s6], $0x5FFFF;
	_ =	strace $0x9000004F  }
0xb2: {  	s29 =	simm.s32 $0x9;
	_ =	strace $0x80000051  }
0xb3: {  	_ =	swait.ge [sflag:s29], $0x1  }
0xb4: {  	[sflag:s29] =	ssyncadd.s32 $0xFFFFFFFF  }
0xb5: {  	_ =	strace $0x90000051  }
0xb6: {  	_ =	sfence  }
0xb7: {  	s30 =	sld [smem:$0x0];
	_ =	sdelay $0x2  }
0xb8: {  	s31 =	sshll.u32 s1, $0xD;
	s1 =	sshrl.u32 s1, $0x2  }
0xb9: {  	s3 =	sand.u32 $0x4000, s31;
	s1 =	sadd.s32 s1, s30  }
0xba: {  	s0 =	sor.u32 s3, s0;
	s1 =	sshll.u32 s1, $0x11  }
0xbb: {  	s0 =	sor.u32 s1, s0  }
0xbc: {  	s0 =	sadd.s32 $0x8F2B, s0  }
0xbd: {  	[sflag:s0] =	ssyncadd.remote.s32 $0x1  }
0xbe: {  	_ =	sfence.sel $0xFFFF  }
0xbf: {  	[dreg:$0x0] =	wrdreg $0xFFFFFFFF;
	(pc) =	sbr.abs _section_cstart, $3  }
0xc0: {  	[dreg:$0x1] =	wrdreg $0xFFFFFFFF  }
0xc1: {  	_ =	task.clear_ibuf [dreg:s6], $0x2FFFF;
	_ =	strace $0x9FFFFFFF  }
0xc2: {  	(tm) =	ssettm $0x7FFFFFFF  }
0xc3: {  	_ =	shalt  }
tec
execute0_lowered:
.L_overlay_start_1:
0x0: {  	(tag) =	ssettag $0x1  }
0x1: {  	s7 =	rddreg [dreg:$0x0]  }
0x2: {  	s2 =	rddreg [dreg:$0x1]  }
0x3: {  	s0 =	srdreg.scid;
	s1 =	rddreg [dreg:$0x2]  }
0x4: {  	s3 =	simm.s32 $0x0;
	s17 =	simm.s32 $0x80;
	s18 =	simm.s32 $0x28  }
0x5: {  	s19 =	simm.s32 $0x100;
	s20 =	simm.s32 $0x1;
	s9 =	sand.u32 $0x1, s0  }
0x6: {  	s22 =	simm.s32 $0x0;
	s0 =	stileid.u32;
	s4 =	smul.u32 $0x13880, s9  }
0x7: {  	[smem:$0x7FF] =	sst s3;
	s6 =	sadd.s32 $0xD6200, s7;
	s5 =	smul.u32 $0x1388, s0  }
0x8: {  	s21 =	sadd.s32 $0x138000, s2;
	_ =	strace $0x80000050;
	s10 =	smul.u32 $0x4E000, s0  }
0x9: {  	s8 =	ssub.s32 $0x2, s9;
	s12 =	sshll.u32 s0, $0x6;
	s14 =	smul.u32 $0x2700, s0  }
0xa: {  	p0 =	seq.s32 s9, $0x1;
	p1 =	sne.s32 s0, $0xF;
	p2 =	seq.s32 s0, $0xF  }
0xb: {  	s11 =	sshrl.u32 s8, $0x1;
	s16 =	sshrl.u32 @!p1 s21, $0x3;
	s21 =	sshrl.u32 s21, $0x3  }
0xc: {  	s4 =	sadd.s32 s5, s4;
	s10 =	sshrl.u32 s10, $0x2;
	s11 =	ssub.s32 s8, s11  }
.Ltmp0:
0xd: {  	s8 =	sor.u32 $0x1C02, s12;
	s9 =	sadd.s32 s6, s14;
	(pc) =	sbr.rel .LBB2_1-.Ltmp0, $4  }
0xe: {  	s5 =	sshrl.u32 s4, $0x3;
	s4 =	sadd.s32 $0xAF000, s7;
	s15 =	sadd.s32 s10, s2  }
0xf: {  	s13 =	sadd.s32 s5, s7;
	s5 =	sadd.s32 $0xAC800, s7;
	s7 =	sadd.s32 $0xFD400, s7  }
0x10: {  	s11 =	smax.u32 s11, $0x1;
	s10 =	sadd.s32 s7, s14;
	s12 =	sadd.s32 $0xB200, s13  }
0x11: {  	s13 =	sadd.s32 $0x6200, s13;
	s14 =	sshrl.u32 s15, $0x3;
	s15 =	simm.s32 $0x2  }
.LBB2_6:
0x12: {  	s23 =	sadd.s32 $0x27000, s23  }
0x13: {  	[hbm:s23], [sflag:s8] =	dma.local [spmem:s21], $0x100  }
0x14: {  	_ =	swait.ge [sflag:s15], $0x100  }
0x15: {  	[sflag:s15] =	ssyncset.done $0x0  }
0x16: {  	[sflag:s15] =	ssyncadd.s32 $0xFFFFFF00  }
.LBB2_7:
0x17: {  	s22 =	sadd.s32 $0x1, s22  }
0x18: {  	p3 =	sne.s32 s22, s11  }
.Ltmp1:
0x19: {  	_ = 	snop;
	(pc) =	sbr.rel @!p3 .LBB2_8-.Ltmp1, $1  }
0x1a: {  	_ =	sdelay $0x3  }
.LBB2_1:
0x1b: {  	[spmem:s14], [sflag:s8] =	dma.local [hbm:s5], $0x2700  }
0x1c: {  	_ =	swait.ge [sflag:s15], $0x2700  }
0x1d: {  	[sflag:s15] =	ssyncset.done $0x0  }
0x1e: {  	s23 =	simm.s32 @!p1 $0x2;
	[sflag:s15] =	ssyncadd.s32 $0xFFFFD900  }
0x1f: {  	[spmem:s16], [sflag:s8] =	dma.local @!p1 [hbm:s5], $0x100  }
0x20: {  	_ =	swait.ge @!p1 [sflag:s23], $0x100  }
0x21: {  	[sflag:s23] =	ssyncset.done @!p1 $0x0  }
0x22: {  	[sflag:s23] =	ssyncadd.s32 @!p1 $0xFFFFFF00  }
0x23: {  	s30 =	sadd.s32 $0x0, s13;
	[bflag:$0x0] =	sbarrier.arrive $0xFFFF  }
0x24: {  	[tilespmem:s3], [sflag:$0x2] =	stream.linear.gather [hbm4b:s30+s3], $0x28, $0x38;
	[tilespmem:$0x14D80] =	vst v63  }
0x25: {  	_ =	swait.ge [sflag:s15], $0x28  }
0x26: {  	[sflag:s15] =	ssyncset.done $0x0  }
0x27: {  	s31 =	sadd.s32 $0x0, s12;
	[sflag:s15] =	ssyncadd.s32 $0xFFFFFFD8  }
0x28: {  	[tilespmem:s17], [sflag:$0x2] =	stream.linear.gather [hbm4b:s31+s3], $0x28, $0x38;
	[tilespmem:$0x14D80] =	vst v63  }
0x29: {  	_ =	swait.ge [sflag:s15], $0x28  }
0x2a: {  	[sflag:s15] =	ssyncset.done $0x0  }
0x2b: {  	[sflag:s15] =	ssyncadd.s32 $0xFFFFFFD8  }
0x2c: {  	[tilespmem:s19], [sflag:$0x1] =	stream.indirect.gather [hbm4b:s4+s18], $0x80, s3, s18, $0xb8;
	[tilespmem:$0x14D80] =	vst v63  }
0x2d: {  	_ =	swait.ge [sflag:s20], $0x1400  }
0x2e: {  	[sflag:s20] =	ssyncset.done $0x0  }
0x2f: {  	[sflag:s20] =	ssyncadd.s32 $0xFFFFEC00  }
0x30: {  	[spmem:s2] =	stream.indirect.scatter.add.f32 [tilespmem:s19], [sflag:$0x2], $0x80, s17, s18, $0xb8;
	[tilespmem:$0x14D80] =	vst v63  }
0x31: {  	_ =	swait.ge [sflag:s15], $0x1400  }
0x32: {  	s24 =	simm.s32 $0xA;
	s23 =	simm.s32 $0x5;
	[sflag:s15] =	ssyncset.done $0x0  }
.LBB2_2:
0x33: {  	s25 =	sadd.s32 s23, s13  }
0x34: {  	[sflag:s15] =	ssyncadd.s32 $0xFFFFEC00;
	s26 =	smov.u32 s24;
	s28 =	sadd.s32 $0x5, s24  }
0x35: {  	[tilespmem:s3], [sflag:$0x2] =	stream.linear.gather [hbm4b:s25+s3], $0x28, $0x38;
	[tilespmem:$0x14D80] =	vst v63  }
0x36: {  	p3 =	sne.s32 s24, $0x26C;
	_ =	swait.ge [sflag:s15], $0x28  }
0x37: {  	[sflag:s15] =	ssyncset.done $0x0  }
0x38: {  	s24 =	sadd.s32 s23, s12;
	s23 =	smov.u32 s26;
	[sflag:s15] =	ssyncadd.s32 $0xFFFFFFD8  }
0x39: {  	[tilespmem:s17], [sflag:$0x2] =	stream.linear.gather [hbm4b:s24+s3], $0x28, $0x38;
	[tilespmem:$0x14D80] =	vst v63  }
0x3a: {  	_ =	swait.ge [sflag:s15], $0x28  }
0x3b: {  	[sflag:s15] =	ssyncset.done $0x0  }
0x3c: {  	[sflag:s15] =	ssyncadd.s32 $0xFFFFFFD8  }
0x3d: {  	[tilespmem:s19], [sflag:$0x1] =	stream.indirect.gather [hbm4b:s4+s18], $0x80, s3, s18, $0xb8;
	[tilespmem:$0x14D80] =	vst v63  }
0x3e: {  	_ =	swait.ge [sflag:s20], $0x1400  }
.Ltmp2:
0x3f: {  	[sflag:s20] =	ssyncset.done $0x0;
	(pc) =	sbr.rel @p3 .LBB2_2-.Ltmp2, $4  }
0x40: {  	[sflag:s20] =	ssyncadd.s32 $0xFFFFEC00  }
0x41: {  	[spmem:s2] =	stream.indirect.scatter.add.f32 [tilespmem:s19], [sflag:$0x2], $0x80, s17, s18, $0xb8;
	[tilespmem:$0x14D80] =	vst v63  }
0x42: {  	_ =	swait.ge [sflag:s15], $0x1400  }
0x43: {  	s24 =	smov.u32 s28;
	[sflag:s15] =	ssyncset.done $0x0  }
0x44: {  	s24 =	sadd.s32 s23, s13;
	[sflag:s15] =	ssyncadd.s32 $0xFFFFEC00  }
0x45: {  	[tilespmem:s3], [sflag:$0x2] =	stream.linear.gather [hbm4b:s24+s3], $0x28, $0x38;
	[tilespmem:$0x14D80] =	vst v63  }
0x46: {  	_ =	swait.ge [sflag:s15], $0x28  }
0x47: {  	[sflag:s15] =	ssyncset.done $0x0  }
0x48: {  	s31 =	sadd.s32 s23, s12;
	[sflag:s15] =	ssyncadd.s32 $0xFFFFFFD8  }
0x49: {  	[tilespmem:s17], [sflag:$0x2] =	stream.linear.gather [hbm4b:s31+s3], $0x28, $0x38;
	[tilespmem:$0x14D80] =	vst v63  }
0x4a: {  	_ =	swait.ge [sflag:s15], $0x28  }
0x4b: {  	[sflag:s15] =	ssyncset.done $0x0  }
0x4c: {  	[sflag:s15] =	ssyncadd.s32 $0xFFFFFFD8  }
0x4d: {  	[tilespmem:s19], [sflag:$0x1] =	stream.indirect.gather [hbm4b:s4+s18], $0x80, s3, s18, $0xb8;
	[tilespmem:$0x14D80] =	vst v63  }
0x4e: {  	_ =	swait.ge [sflag:s20], $0x1400  }
0x4f: {  	[sflag:s20] =	ssyncset.done $0x0  }
0x50: {  	[sflag:s20] =	ssyncadd.s32 $0xFFFFEC00  }
0x51: {  	[spmem:s2] =	stream.indirect.scatter.add.f32 [tilespmem:s19], [sflag:$0x2], $0x80, s17, s18, $0xb8;
	[tilespmem:$0x14D80] =	vst v63  }
.Ltmp3:
0x52: {  	_ =	swait.ge [sflag:s15], $0x1400;
	(pc) =	sbr.rel @!p0 .LBB2_4-.Ltmp3, $3  }
0x53: {  	[sflag:s15] =	ssyncset.done $0x0  }
0x54: {  	[sflag:s15] =	ssyncadd.s32 $0xFFFFEC00  }
0x55: {  	[bflag:$0x0] =	sbarrier.arrive $0xFFFF;
	_ =	sdelay $0x1  }
0x56: {  	[hbm:s10], [sflag:s8] =	dma.local [spmem:s14], $0x2700  }
.Ltmp4:
0x57: {  	_ = 	snop;
	(pc) =	sbr.rel @p1 .LBB2_7-.Ltmp4, $4  }
.Ltmp5:
0x58: {  	_ = 	snop;
	(pc) =	sbr.rel @!p1 .LBB2_6-.Ltmp5, $4  }
0x59: {  	_ =	swait.ge [sflag:s15], $0x2700  }
0x5a: {  	[sflag:s15] =	ssyncset.done $0x0  }
0x5b: {  	s23 =	smov.u32 s7;
	[sflag:s15] =	ssyncadd.s32 $0xFFFFD900  }
0x5c: {  	_ = 	snop  }
.LBB2_4:
0x5d: {  	[hbm:s9], [sflag:s8] =	dma.local [spmem:s14], $0x2700  }
.Ltmp6:
0x5e: {  	_ = 	snop;
	(pc) =	sbr.rel @p2 .LBB2_6-.Ltmp6, $4  }
.Ltmp7:
0x5f: {  	_ = 	snop;
	(pc) =	sbr.rel @!p2 .LBB2_7-.Ltmp7, $4  }
0x60: {  	_ =	swait.ge [sflag:s15], $0x2700  }
0x61: {  	[sflag:s15] =	ssyncset.done $0x0  }
0x62: {  	s23 =	smov.u32 s6;
	[sflag:s15] =	ssyncadd.s32 $0xFFFFD900  }
0x63: {  	_ = 	snop  }
.LBB2_8:
0x64: {  	_ =	sfence.sel $0x180000  }
0x65: {  	[bflag:$0x0] =	sbarrier.arrive $0xFFFF  }
0x66: {  	p0 =	sne.s32 s0, $0x0;
	_ =	strace $0x90000050  }
0x67: {  	s0 =	sadd.s32 @!p0 $0x100000, s1;
	[bflag:$0x2] =	sbarrier.arrive $0xFFFF  }
0x68: {  	[sflag:s0] =	ssyncadd.tile.s32 @!p0 $0x1;
	_ =	shalt  }
.Lfunc_end2:
_tile_overlayer_lowered:
.L_overlay_start_2:
0x69: {  	(tag) =	ssettag $0x2  }
0x6a: {  	s0 =	rddreg [dreg:$0x0];
	s2 =	stileid.u32  }
0x6b: {  	s1 =	rddreg [dreg:$0x1];
	p0 =	sne.s32 s2, $0x0  }
0x6c: {  	s3 =	rddreg [dreg:$0x2];
	[bflag:$0x3] =	sbarrier.arrive $0xFFFF;
	s2 =	simm.s32 @!p0 $0x1C02  }
0x6d: {  	[timem:s3], [sflag:s2] =	dma.local @!p0 [hbm:s0], s1  }
0x6e: {  	s0 =	simm.s32 @!p0 $0x2  }
0x6f: {  	_ =	swait.ge @!p0 [sflag:s0], s1  }
0x70: {  	s1 =	ssub.s32 @!p0 $0x0, s1;
	[sflag:s0] =	ssyncset.done @!p0 $0x0  }
0x71: {  	[sflag:s0] =	ssyncadd.s32 @!p0 s1  }
0x72: {  	[bflag:$0x3] =	sbarrier.arrive $0xFFFF  }
0x73: {  	_ =	shalt  }

</sc_bundles>
